<compile_context>
chip_gen: v7x
topology: tpu7x:2x2x1
jax: 0.10.2.dev20260603
libtpu: 0.0.44.dev20260713+nightly
codegen_flags: <defaults>
</compile_context>

<pallas_src>
import functools

import jax
import jax.numpy as jnp
from jax import lax
from jax.experimental import pallas as pl
from jax.experimental.pallas import tpu as pltpu
from jax.experimental.pallas import tpu_sc as plsc

N_PAPER = 10000
N_JOURNAL = 2566
N_AUTHOR = 50000
D = 128
LANES = 16
NC = 2
NS = 16
NW = NC * NS

P_C = 10240
P_J = 2688

BLK = 128

CITES_BPT = 79
WRITES_BPT = 40
PUB_BPT = 3
AUTH_BPT = 13
N_AUTH_PAD = NW * AUTH_BPT * BLK


def _mesh():
  return plsc.VectorSubcoreMesh(
      core_axis_name="c", subcore_axis_name="s", num_cores=NC,
      num_subcores=NS)


def _chunking(per):
  for n in (128, 64, 56, 40, 24, 8):
    if per % n == 0:
      return n, per // n
  raise ValueError(per)


def _f32(*shape):
  return jax.ShapeDtypeStruct(shape, jnp.float32)


def _zero_sp(sid, nrows, acc, zbuf):
  per = nrows // NS
  r0 = sid * per
  n, iters = _chunking(per)

  @pl.loop(0, iters)
  def _(i):
    off = pl.multiple_of(r0 + i * n, 8)
    pltpu.sync_copy(zbuf.at[pl.ds(0, n)], acc.at[pl.ds(off, n)])


def _edge_pass(wid, table, srcref, dstref, bpt, sidx, didx, rows, sem,
               acc):
  base = wid * bpt

  @pl.loop(0, bpt)
  def _(b):
    blk = base + b
    pltpu.sync_copy(srcref.at[blk], sidx)
    pltpu.sync_copy(dstref.at[blk], didx)
    pltpu.async_copy(table.at[sidx], rows, sem).wait()
    pltpu.sync_copy(rows, acc.at[didx], add=True)


def _dump(cid, sid, nrows, acc, out_feat):
  per = nrows // NS
  r0 = sid * per
  n, iters = _chunking(per)

  @pl.loop(0, iters)
  def _(i):
    off = pl.multiple_of(r0 + i * n, 8)
    pltpu.sync_copy(acc.at[pl.ds(off, n)], out_feat.at[cid, pl.ds(off, n)])


def _zero_vmem_128(zbuf):
  zero16 = jnp.zeros((LANES,), jnp.float32)

  @pl.loop(0, BLK)
  def _init(r):
    for j in range(D // LANES):
      zbuf[r, pl.ds(j * LANES, LANES)] = zero16


@functools.partial(
    pl.kernel,
    out_type=[
        _f32(NC, P_C, D),
        _f32(NC, P_C, D),
        _f32(NC, P_J, D),
    ],
    mesh=_mesh(),
    scratch_types=[
        pltpu.VMEM((BLK,), jnp.int32),
        pltpu.VMEM((BLK, D), jnp.float32),
        pltpu.VMEM((BLK, D), jnp.float32),
        pltpu.VMEM_SHARED((P_C, D), jnp.float32),
    ],
)
def _sc_counts(c_dst, w_dst, p_dst,
               cc_out, cw_out, cp_out,
               didx, ones, zbuf, cacc):
  cid = lax.axis_index("c")
  sid = lax.axis_index("s")
  wid = sid * NC + cid

  one16 = jnp.ones((LANES,), jnp.float32)
  zero16 = jnp.zeros((LANES,), jnp.float32)

  @pl.loop(0, BLK)
  def _init(r):
    for j in range(D // LANES):
      zbuf[r, pl.ds(j * LANES, LANES)] = zero16
      ones[r, pl.ds(j * LANES, LANES)] = one16

  def count_pass(dstref, bpt):
    base = wid * bpt

    @pl.loop(0, bpt)
    def _(b):
      pltpu.sync_copy(dstref.at[base + b], didx)
      pltpu.sync_copy(ones, cacc.at[didx], add=True)

  _zero_sp(sid, P_C, cacc, zbuf)
  plsc.subcore_barrier()
  count_pass(c_dst, CITES_BPT)
  plsc.subcore_barrier()
  _dump(cid, sid, P_C, cacc, cc_out)
  plsc.subcore_barrier()

  _zero_sp(sid, P_C, cacc, zbuf)
  plsc.subcore_barrier()
  count_pass(w_dst, WRITES_BPT)
  plsc.subcore_barrier()
  _dump(cid, sid, P_C, cacc, cw_out)
  plsc.subcore_barrier()

  _zero_sp(sid, P_J, cacc, zbuf)
  plsc.subcore_barrier()
  count_pass(p_dst, PUB_BPT)
  plsc.subcore_barrier()
  _dump(cid, sid, P_J, cacc, cp_out)


def _agg_scratch():
  return [
      pltpu.VMEM((BLK,), jnp.int32),
      pltpu.VMEM((BLK,), jnp.int32),
      pltpu.VMEM((BLK, D), jnp.float32),
      pltpu.VMEM((BLK, D), jnp.float32),
      pltpu.VMEM_SHARED((P_C, D), jnp.float32),
      pltpu.SemaphoreType.DMA,
  ]


@functools.partial(
    pl.kernel,
    out_type=[
        _f32(NC, P_C, D),
        _f32(N_AUTH_PAD, D),
    ],
    mesh=_mesh(),
    scratch_types=_agg_scratch(),
)
def _sc_agg1(paper_x, author_emb, anid_blk, c_src, c_dst,
             sc_out, xa_out,
             sidx, didx, rows, zbuf, acc, sem):
  cid = lax.axis_index("c")
  sid = lax.axis_index("s")
  wid = sid * NC + cid

  _zero_vmem_128(zbuf)

  abase = wid * AUTH_BPT

  @pl.loop(0, AUTH_BPT)
  def _(b):
    blk = abase + b
    pltpu.sync_copy(anid_blk.at[blk], sidx)
    pltpu.async_copy(author_emb.at[sidx], rows, sem).wait()
    pltpu.sync_copy(rows, xa_out.at[pl.ds(blk * BLK, BLK)])

  _zero_sp(sid, P_C, acc, zbuf)
  plsc.subcore_barrier()
  _edge_pass(wid, paper_x, c_src, c_dst, CITES_BPT, sidx, didx, rows, sem,
             acc)
  plsc.subcore_barrier()
  _dump(cid, sid, P_C, acc, sc_out)


@functools.partial(
    pl.kernel,
    out_type=[
        _f32(NC, P_C, D),
        _f32(NC, P_J, D),
    ],
    mesh=_mesh(),
    scratch_types=_agg_scratch(),
)
def _sc_agg_wp(x_author, paper_x, w_src, w_dst, p_src, p_dst,
               sw_out, sp_out,
               sidx, didx, rows, zbuf, acc, sem):
  cid = lax.axis_index("c")
  sid = lax.axis_index("s")
  wid = sid * NC + cid

  _zero_vmem_128(zbuf)

  _zero_sp(sid, P_C, acc, zbuf)
  plsc.subcore_barrier()
  _edge_pass(wid, x_author, w_src, w_dst, WRITES_BPT, sidx, didx, rows, sem,
             acc)
  plsc.subcore_barrier()
  _dump(cid, sid, P_C, acc, sw_out)
  plsc.subcore_barrier()

  _zero_sp(sid, P_J, acc, zbuf)
  plsc.subcore_barrier()
  _edge_pass(wid, paper_x, p_src, p_dst, PUB_BPT, sidx, didx, rows, sem, acc)
  plsc.subcore_barrier()
  _dump(cid, sid, P_J, acc, sp_out)


@functools.partial(
    pl.kernel,
    out_type=[_f32(NC, P_C, D), _f32(NC, P_J, D)],
    mesh=_mesh(),
    scratch_types=_agg_scratch(),
)
def _sc_agg2(xp, c_src, c_dst, p_src, p_dst,
             sc_out, sp_out,
             sidx, didx, rows, zbuf, acc, sem):
  cid = lax.axis_index("c")
  sid = lax.axis_index("s")
  wid = sid * NC + cid

  _zero_vmem_128(zbuf)

  _zero_sp(sid, P_C, acc, zbuf)
  plsc.subcore_barrier()
  _edge_pass(wid, xp, c_src, c_dst, CITES_BPT, sidx, didx, rows, sem, acc)
  plsc.subcore_barrier()
  _dump(cid, sid, P_C, acc, sc_out)
  plsc.subcore_barrier()

  _zero_sp(sid, P_J, acc, zbuf)
  plsc.subcore_barrier()
  _edge_pass(wid, xp, p_src, p_dst, PUB_BPT, sidx, didx, rows, sem, acc)
  plsc.subcore_barrier()
  _dump(cid, sid, P_J, acc, sp_out)


RB = 1000

_dot = functools.partial(jnp.dot, preferred_element_type=jnp.float32)


def _mean16(sum2, cnt2):
  c = jnp.maximum(jnp.max(cnt2[0] + cnt2[1], axis=-1, keepdims=True), 1.0)
  return (sum2[0] + sum2[1]) / c, c


def _tc1p_body(sc_r, cc_r, sw_r, cw_r, px_r,
               wcl, wwl, wcr, wwr, bc, bw, xp_out, rc_out):
  mean_c, cc = _mean16(sc_r[...], cc_r[...])
  mean_w, _ = _mean16(sw_r[...], cw_r[...])
  xp = (_dot(mean_c, wcl[...]) + _dot(mean_w, wwl[...])
        + _dot(px_r[...], wcr[...] + wwr[...]) + bc[...] + bw[...])
  xp_out[...] = jnp.maximum(xp, 0.0)
  rc_out[...] = 1.0 / cc


def _tc1j_body(sp_r, cp_r, jx_r, wpl, wpr, bp, xj_out, rp_out):
  sp = sp_r[...]
  cp = cp_r[...]
  c = jnp.maximum(
      jnp.max(cp[0, :N_JOURNAL] + cp[1, :N_JOURNAL], axis=-1, keepdims=True),
      1.0)
  mean_p = (sp[0, :N_JOURNAL] + sp[1, :N_JOURNAL]) / c
  xj = _dot(mean_p, wpl[...]) + _dot(jx_r[...], wpr[...]) + bp[...]
  xj_out[...] = jnp.maximum(xj, 0.0)
  rp_out[...] = 1.0 / c


def _tc2p_body(sc_r, rc_r, xp_r, wcl, wcr, bc, op_out):
  sc = sc_r[...]
  mean_c = (sc[0] + sc[1]) * rc_r[...]
  op_out[...] = _dot(mean_c, wcl[...]) + _dot(xp_r[...], wcr[...]) + bc[...]


def _tc2j_body(sp_r, rp_r, xj_r, wpl, wpr, bp, oj_out):
  sp = sp_r[...]
  mean_p = (sp[0, :N_JOURNAL] + sp[1, :N_JOURNAL]) * rp_r[...]
  oj_out[...] = _dot(mean_p, wpl[...]) + _dot(xj_r[...], wpr[...]) + bp[...]


def _bs(shape, imap):
  return pl.BlockSpec(shape, imap)


_ROWMAJ = lambda i: (0, i, 0)
_ROW2 = lambda i: (i, 0)
_FULL2 = lambda i: (0, 0)
_FULL1 = lambda i: (0,)


def _pad_edges(edge_index, blocks, dummy):
  src, dst = edge_index[0], edge_index[1]
  e = src.shape[0]
  epad = blocks * BLK
  src = jnp.concatenate([src, jnp.zeros((epad - e,), jnp.int32)])
  dst = jnp.concatenate([dst, jnp.full((epad - e,), dummy, jnp.int32)])
  return src.reshape(blocks, BLK), dst.reshape(blocks, BLK)


def kernel(paper_x, journal_node_id, author_node_id,
           edge_index_cites, edge_index_writes, edge_index_pub,
           journal_emb, author_emb,
           W1_cites_l, b1_cites, W1_cites_r,
           W1_writes_l, b1_writes, W1_writes_r,
           W1_pub_l, b1_pub, W1_pub_r,
           W2_cites_l, b2_cites, W2_cites_r,
           W2_writes_l, b2_writes, W2_writes_r,
           W2_pub_l, b2_pub, W2_pub_r):
  c_src, c_dst = _pad_edges(edge_index_cites, NW * CITES_BPT, P_C - 1)
  w_src, w_dst = _pad_edges(edge_index_writes, NW * WRITES_BPT, P_C - 1)
  p_src, p_dst = _pad_edges(edge_index_pub, NW * PUB_BPT, P_J - 1)
  anid_blk = jnp.concatenate(
      [author_node_id,
       jnp.zeros((N_AUTH_PAD - N_AUTHOR,), jnp.int32)]).reshape(-1, BLK)

  cc1, cw1, cp1 = _sc_counts(c_dst, w_dst, p_dst)
  sc1, x_author = _sc_agg1(paper_x, author_emb, anid_blk, c_src, c_dst)
  sw1, sp1 = _sc_agg_wp(x_author, paper_x, w_src, w_dst, p_src, p_dst)

  grid = (N_PAPER // RB,)
  xp, rc = pl.pallas_call(
      _tc1p_body,
      grid=grid,
      in_specs=[
          _bs((NC, RB, D), _ROWMAJ), _bs((NC, RB, D), _ROWMAJ),
          _bs((NC, RB, D), _ROWMAJ), _bs((NC, RB, D), _ROWMAJ),
          _bs((RB, D), _ROW2),
          _bs((D, D), _FULL2), _bs((D, D), _FULL2),
          _bs((D, D), _FULL2), _bs((D, D), _FULL2),
          _bs((D,), _FULL1), _bs((D,), _FULL1),
      ],
      out_specs=[_bs((RB, D), _ROW2), _bs((RB, 1), _ROW2)],
      out_shape=[_f32(N_PAPER, D), _f32(N_PAPER, 1)],
  )(sc1, cc1, sw1, cw1, paper_x,
    W1_cites_l, W1_writes_l, W1_cites_r, W1_writes_r, b1_cites, b1_writes)

  xj, rp = pl.pallas_call(
      _tc1j_body,
      out_shape=[_f32(N_JOURNAL, D), _f32(N_JOURNAL, 1)],
  )(sp1, cp1, journal_emb, W1_pub_l, W1_pub_r, b1_pub)

  sc2, sp2 = _sc_agg2(xp, c_src, c_dst, p_src, p_dst)

  out_p = pl.pallas_call(
      _tc2p_body,
      grid=grid,
      in_specs=[
          _bs((NC, RB, D), _ROWMAJ), _bs((RB, 1), _ROW2), _bs((RB, D), _ROW2),
          _bs((D, D), _FULL2), _bs((D, D), _FULL2), _bs((D,), _FULL1),
      ],
      out_specs=[_bs((RB, D), _ROW2)],
      out_shape=[_f32(N_PAPER, D)],
  )(sc2, rc, xp, W2_cites_l, W2_cites_r, b2_cites)[0]

  out_j = pl.pallas_call(
      _tc2j_body,
      out_shape=[_f32(N_JOURNAL, D)],
  )(sp2, rp, xj, W2_pub_l, W2_pub_r, b2_pub)[0]

  return (out_p, out_j)

# --- scband reference (transcript-rebuilt; emitter-appended) ---
"""Pipeline reference for scband-graph-sage-62002147885110 (READ-ONLY COPY).

The authoritative reference and input builder live on the scoring server;
editing this copy changes nothing except your own understanding.
"""

import jax, jax.numpy as jnp
import numpy as np

N_PAPER = 10000
N_JOURNAL = 2566
N_AUTHOR = 50000
E_CITES = 320000
E_WRITES = 160000
E_PUB = 10000
D_IN = 128
D_HID = 128
D_OUT = 128
JOURNAL_VOCAB = 2566
AUTHOR_VOCAB = 300059


def _lin(key, d_in, d_out):
    return jax.random.normal(key, (d_in, d_out), jnp.float32) / np.sqrt(d_in)


def setup_inputs(seed: int = 0) -> dict:
    key = jax.random.key(seed)
    ks = jax.random.split(key, 24)
    inp = {}
    inp["paper_x"] = jax.random.normal(ks[0], (N_PAPER, D_IN), jnp.float32)
    inp["journal_node_id"] = jnp.arange(N_JOURNAL, dtype=jnp.int32)
    inp["author_node_id"] = jax.random.randint(ks[1], (N_AUTHOR,), 0, AUTHOR_VOCAB, jnp.int32)
    inp["edge_index_cites"] = jax.random.randint(ks[2], (2, E_CITES), 0, N_PAPER, jnp.int32)
    w_src = jax.random.randint(ks[3], (E_WRITES,), 0, N_AUTHOR, jnp.int32)
    w_dst = jax.random.randint(ks[4], (E_WRITES,), 0, N_PAPER, jnp.int32)
    inp["edge_index_writes"] = jnp.stack([w_src, w_dst])
    p_src = jax.random.randint(ks[5], (E_PUB,), 0, N_PAPER, jnp.int32)
    p_dst = jax.random.randint(ks[6], (E_PUB,), 0, N_JOURNAL, jnp.int32)
    inp["edge_index_pub"] = jnp.stack([p_src, p_dst])
    inp["journal_emb"] = jax.random.normal(ks[7], (JOURNAL_VOCAB, D_IN), jnp.float32) * 0.02
    inp["author_emb"] = jax.random.normal(ks[8], (AUTHOR_VOCAB, D_IN), jnp.float32) * 0.02
    names = ["cites", "writes", "pub"]
    dims = [(D_IN, D_HID), (D_HID, D_OUT)]
    i = 9
    for layer in (1, 2):
        d_in, d_out = dims[layer - 1]
        for n in names:
            inp["W%d_%s_l" % (layer, n)] = _lin(ks[i], d_in, d_out); i += 1
            inp["b%d_%s" % (layer, n)] = jnp.zeros((d_out,), jnp.float32)
            inp["W%d_%s_r" % (layer, n)] = _lin(ks[i], d_in, d_out); i += 1
    return inp


def sage_conv(x_src, x_dst, edge_index, W_l, b_l, W_r, num_dst):
    # PyG SAGEConv with aggr='mean': lin_l(mean_j x_src[j]) + lin_r(x_dst)
    src, dst = edge_index[0], edge_index[1]
    msgs = jnp.take(x_src, src, axis=0)
    s = jax.ops.segment_sum(msgs, dst, num_segments=num_dst)
    cnt = jax.ops.segment_sum(jnp.ones((dst.shape[0], 1), x_src.dtype), dst, num_segments=num_dst)
    mean = s / jnp.clip(cnt, 1.0)
    return mean @ W_l + b_l + x_dst @ W_r


def reference(paper_x, journal_node_id, author_node_id,
              edge_index_cites, edge_index_writes, edge_index_pub,
              journal_emb, author_emb,
              W1_cites_l, b1_cites, W1_cites_r,
              W1_writes_l, b1_writes, W1_writes_r,
              W1_pub_l, b1_pub, W1_pub_r,
              W2_cites_l, b2_cites, W2_cites_r,
              W2_writes_l, b2_writes, W2_writes_r,
              W2_pub_l, b2_pub, W2_pub_r):
    x_journal = jnp.take(journal_emb, journal_node_id, axis=0)
    x_author = jnp.take(author_emb, author_node_id, axis=0)
    # layer 1 HeteroConv with aggr='sum' across edge types per dst node type
    out_p = (sage_conv(paper_x, paper_x, edge_index_cites, W1_cites_l, b1_cites, W1_cites_r, N_PAPER)
             + sage_conv(x_author, paper_x, edge_index_writes, W1_writes_l, b1_writes, W1_writes_r, N_PAPER))
    out_j = sage_conv(paper_x, x_journal, edge_index_pub, W1_pub_l, b1_pub, W1_pub_r, N_JOURNAL)
    # relu + dropout (eval mode -> identity); author has no incoming edges, so it is
    # dropped from x_dict after layer 1 (PyG HeteroConv behavior)
    xp = jax.nn.relu(out_p)
    xj = jax.nn.relu(out_j)
    # layer 2: 'writes' conv skipped because 'author' missing from x_dict
    out_p2 = sage_conv(xp, xp, edge_index_cites, W2_cites_l, b2_cites, W2_cites_r, N_PAPER)
    out_j2 = sage_conv(xp, xj, edge_index_pub, W2_pub_l, b2_pub, W2_pub_r, N_JOURNAL)
    return (out_p2, out_j2)

if __name__ == "__main__":
    import jax
    _d = setup_inputs()
    print(jax.jit(kernel)(*tuple(_d.values())))

</pallas_src>

<mosaic_0001>
#map = affine_map<(d0, d1) -> (0, 0)>
#map1 = affine_map<(d0, d1) -> (0, 0, 0)>
module attributes {stable_mosaic.version = 14 : i64} {
  func.func @_sc_counts(%arg0: i32, %arg1: i32, %arg2: memref<2528x128xi32, #tpu.memory_space<hbm>>, %arg3: memref<1280x128xi32, #tpu.memory_space<hbm>>, %arg4: memref<96x128xi32, #tpu.memory_space<hbm>>, %arg5: memref<2x10240x128xf32, #tpu.memory_space<hbm>>, %arg6: memref<2x10240x128xf32, #tpu.memory_space<hbm>>, %arg7: memref<2x2688x128xf32, #tpu.memory_space<hbm>>, %arg8: memref<128xi32, #tpu.memory_space<vmem>>, %arg9: memref<128x128xf32, #tpu.memory_space<vmem>>, %arg10: memref<128x128xf32, #tpu.memory_space<vmem>>, %arg11: memref<10240x128xf32, #tpu.memory_space<vmem_shared>>) attributes {dimension_semantics = [#tpu.dimension_semantics<core_parallel>, #tpu.dimension_semantics<subcore_parallel>], iteration_bounds = array<i64: 2, 16>, scalar_prefetch = 0 : i64, scratch_operands = 4 : i64, tpu.core_type = #tpu.core_type<sc_vector_subcore>, window_params = [{transform_indices = #map}, {transform_indices = #map}, {transform_indices = #map}, {transform_indices = #map1}, {transform_indices = #map1}, {transform_indices = #map1}]} {
    %mul3A = arith.constant 2 : i32
    %mul3A_0 = arith.muli %arg1, %mul3A : i32
    %add3A = arith.addi %mul3A_0, %arg0 : i32
    %broadcast_in_dim3A = arith.constant 1.000000e+00 : f32
    %broadcast_in_dim3A_1 = vector.broadcast %broadcast_in_dim3A : f32 to vector<16xf32>
    %broadcast_in_dim3A_2 = arith.constant 0.000000e+00 : f32
    %broadcast_in_dim3A_3 = vector.broadcast %broadcast_in_dim3A_2 : f32 to vector<16xf32>
    %scan3A = arith.constant 0 : i32
    %scan3A_4 = arith.constant 128 : i32
    %scan3A_5 = arith.addi %scan3A, %scan3A_4 : i32
    %scan3A_6 = arith.constant 1 : i32
    scf.for %scan3A_78 = %scan3A to %scan3A_5 step %scan3A_6  : i32 {
      %mul3A_79 = arith.constant 1 : i32
      %mul3A_80 = arith.muli %scan3A_78, %mul3A_79 : i32
      %add3A_81 = arith.constant 0 : i32
      %add3A_82 = arith.addi %add3A_81, %mul3A_80 : i32
      %swap3A = arith.index_cast %add3A_82 : i32 to index
      %swap3A_83 = arith.constant 0 : index
      %swap3A_84 = tpu.vector_load %arg10[%swap3A, %swap3A_83] {strides = array<i32>} : memref<128x128xf32, #tpu.memory_space<vmem>>, vector<1x16xf32>,
      %swap3A_85 = vector.shape_cast %swap3A_84 : vector<1x16xf32> to vector<16xf32>
      %swap3A_86 = vector.shape_cast %broadcast_in_dim3A_3 : vector<16xf32> to vector<1x16xf32>
      tpu.vector_store %arg10[%swap3A, %swap3A_83], %swap3A_86 {strides = array<i32>} : memref<128x128xf32, #tpu.memory_space<vmem>>, vector<1x16xf32>,
      %swap3A_87 = arith.index_cast %add3A_82 : i32 to index
      %swap3A_88 = arith.constant 0 : index
      %swap3A_89 = tpu.vector_load %arg9[%swap3A_87, %swap3A_88] {strides = array<i32>} : memref<128x128xf32, #tpu.memory_space<vmem>>, vector<1x16xf32>,
      %swap3A_90 = vector.shape_cast %swap3A_89 : vector<1x16xf32> to vector<16xf32>
      %swap3A_91 = vector.shape_cast %broadcast_in_dim3A_1 : vector<16xf32> to vector<1x16xf32>
      tpu.vector_store %arg9[%swap3A_87, %swap3A_88], %swap3A_91 {strides = array<i32>} : memref<128x128xf32, #tpu.memory_space<vmem>>, vector<1x16xf32>,
      %swap3A_92 = arith.index_cast %add3A_82 : i32 to index
      %swap3A_93 = arith.constant 16 : index
      %swap3A_94 = tpu.vector_load %arg10[%swap3A_92, %swap3A_93] {strides = array<i32>} : memref<128x128xf32, #tpu.memory_space<vmem>>, vector<1x16xf32>,
      %swap3A_95 = vector.shape_cast %swap3A_94 : vector<1x16xf32> to vector<16xf32>
      %swap3A_96 = vector.shape_cast %broadcast_in_dim3A_3 : vector<16xf32> to vector<1x16xf32>
      tpu.vector_store %arg10[%swap3A_92, %swap3A_93], %swap3A_96 {strides = array<i32>} : memref<128x128xf32, #tpu.memory_space<vmem>>, vector<1x16xf32>,
      %swap3A_97 = arith.index_cast %add3A_82 : i32 to index
      %swap3A_98 = arith.constant 16 : index
      %swap3A_99 = tpu.vector_load %arg9[%swap3A_97, %swap3A_98] {strides = array<i32>} : memref<128x128xf32, #tpu.memory_space<vmem>>, vector<1x16xf32>,
      %swap3A_100 = vector.shape_cast %swap3A_99 : vector<1x16xf32> to vector<16xf32>
      %swap3A_101 = vector.shape_cast %broadcast_in_dim3A_1 : vector<16xf32> to vector<1x16xf32>
      tpu.vector_store %arg9[%swap3A_97, %swap3A_98], %swap3A_101 {strides = array<i32>} : memref<128x128xf32, #tpu.memory_space<vmem>>, vector<1x16xf32>,
      %swap3A_102 = arith.index_cast %add3A_82 : i32 to index
      %swap3A_103 = arith.constant 32 : index
      %swap3A_104 = tpu.vector_load %arg10[%swap3A_102, %swap3A_103] {strides = array<i32>} : memref<128x128xf32, #tpu.memory_space<vmem>>, vector<1x16xf32>,
      %swap3A_105 = vector.shape_cast %swap3A_104 : vector<1x16xf32> to vector<16xf32>
      %swap3A_106 = vector.shape_cast %broadcast_in_dim3A_3 : vector<16xf32> to vector<1x16xf32>
      tpu.vector_store %arg10[%swap3A_102, %swap3A_103], %swap3A_106 {strides = array<i32>} : memref<128x128xf32, #tpu.memory_space<vmem>>, vector<1x16xf32>,
      %swap3A_107 = arith.index_cast %add3A_82 : i32 to index
      %swap3A_108 = arith.constant 32 : index
      %swap3A_109 = tpu.vector_load %arg9[%swap3A_107, %swap3A_108] {strides = array<i32>} : memref<128x128xf32, #tpu.memory_space<vmem>>, vector<1x16xf32>,
      %swap3A_110 = vector.shape_cast %swap3A_109 : vector<1x16xf32> to vector<16xf32>
      %swap3A_111 = vector.shape_cast %broadcast_in_dim3A_1 : vector<16xf32> to vector<1x16xf32>
      tpu.vector_store %arg9[%swap3A_107, %swap3A_108], %swap3A_111 {strides = array<i32>} : memref<128x128xf32, #tpu.memory_space<vmem>>, vector<1x16xf32>,
      %swap3A_112 = arith.index_cast %add3A_82 : i32 to index
      %swap3A_113 = arith.constant 48 : index
      %swap3A_114 = tpu.vector_load %arg10[%swap3A_112, %swap3A_113] {strides = array<i32>} : memref<128x128xf32, #tpu.memory_space<vmem>>, vector<1x16xf32>,
      %swap3A_115 = vector.shape_cast %swap3A_114 : vector<1x16xf32> to vector<16xf32>
      %swap3A_116 = vector.shape_cast %broadcast_in_dim3A_3 : vector<16xf32> to vector<1x16xf32>
      tpu.vector_store %arg10[%swap3A_112, %swap3A_113], %swap3A_116 {strides = array<i32>} : memref<128x128xf32, #tpu.memory_space<vmem>>, vector<1x16xf32>,
      %swap3A_117 = arith.index_cast %add3A_82 : i32 to index
      %swap3A_118 = arith.constant 48 : index
      %swap3A_119 = tpu.vector_load %arg9[%swap3A_117, %swap3A_118] {strides = array<i32>} : memref<128x128xf32, #tpu.memory_space<vmem>>, vector<1x16xf32>,
      %swap3A_120 = vector.shape_cast %swap3A_119 : vector<1x16xf32> to vector<16xf32>
      %swap3A_121 = vector.shape_cast %broadcast_in_dim3A_1 : vector<16xf32> to vector<1x16xf32>
      tpu.vector_store %arg9[%swap3A_117, %swap3A_118], %swap3A_121 {strides = array<i32>} : memref<128x128xf32, #tpu.memory_space<vmem>>, vector<1x16xf32>,
      %swap3A_122 = arith.index_cast %add3A_82 : i32 to index
      %swap3A_123 = arith.constant 64 : index
      %swap3A_124 = tpu.vector_load %arg10[%swap3A_122, %swap3A_123] {strides = array<i32>} : memref<128x128xf32, #tpu.memory_space<vmem>>, vector<1x16xf32>,
      %swap3A_125 = vector.shape_cast %swap3A_124 : vector<1x16xf32> to vector<16xf32>
      %swap3A_126 = vector.shape_cast %broadcast_in_dim3A_3 : vector<16xf32> to vector<1x16xf32>
      tpu.vector_store %arg10[%swap3A_122, %swap3A_123], %swap3A_126 {strides = array<i32>} : memref<128x128xf32, #tpu.memory_space<vmem>>, vector<1x16xf32>,
      %swap3A_127 = arith.index_cast %add3A_82 : i32 to index
      %swap3A_128 = arith.constant 64 : index
      %swap3A_129 = tpu.vector_load %arg9[%swap3A_127, %swap3A_128] {strides = array<i32>} : memref<128x128xf32, #tpu.memory_space<vmem>>, vector<1x16xf32>,
      %swap3A_130 = vector.shape_cast %swap3A_129 : vector<1x16xf32> to vector<16xf32>
      %swap3A_131 = vector.shape_cast %broadcast_in_dim3A_1 : vector<16xf32> to vector<1x16xf32>
      tpu.vector_store %arg9[%swap3A_127, %swap3A_128], %swap3A_131 {strides = array<i32>} : memref<128x128xf32, #tpu.memory_space<vmem>>, vector<1x16xf32>,
      %swap3A_132 = arith.index_cast %add3A_82 : i32 to index
      %swap3A_133 = arith.constant 80 : index
      %swap3A_134 = tpu.vector_load %arg10[%swap3A_132, %swap3A_133] {strides = array<i32>} : memref<128x128xf32, #tpu.memory_space<vmem>>, vector<1x16xf32>,
      %swap3A_135 = vector.shape_cast %swap3A_134 : vector<1x16xf32> to vector<16xf32>
      %swap3A_136 = vector.shape_cast %broadcast_in_dim3A_3 : vector<16xf32> to vector<1x16xf32>
      tpu.vector_store %arg10[%swap3A_132, %swap3A_133], %swap3A_136 {strides = array<i32>} : memref<128x128xf32, #tpu.memory_space<vmem>>, vector<1x16xf32>,
      %swap3A_137 = arith.index_cast %add3A_82 : i32 to index
      %swap3A_138 = arith.constant 80 : index
      %swap3A_139 = tpu.vector_load %arg9[%swap3A_137, %swap3A_138] {strides = array<i32>} : memref<128x128xf32, #tpu.memory_space<vmem>>, vector<1x16xf32>,
      %swap3A_140 = vector.shape_cast %swap3A_139 : vector<1x16xf32> to vector<16xf32>
      %swap3A_141 = vector.shape_cast %broadcast_in_dim3A_1 : vector<16xf32> to vector<1x16xf32>
      tpu.vector_store %arg9[%swap3A_137, %swap3A_138], %swap3A_141 {strides = array<i32>} : memref<128x128xf32, #tpu.memory_space<vmem>>, vector<1x16xf32>,
      %swap3A_142 = arith.index_cast %add3A_82 : i32 to index
      %swap3A_143 = arith.constant 96 : index
      %swap3A_144 = tpu.vector_load %arg10[%swap3A_142, %swap3A_143] {strides = array<i32>} : memref<128x128xf32, #tpu.memory_space<vmem>>, vector<1x16xf32>,
      %swap3A_145 = vector.shape_cast %swap3A_144 : vector<1x16xf32> to vector<16xf32>
      %swap3A_146 = vector.shape_cast %broadcast_in_dim3A_3 : vector<16xf32> to vector<1x16xf32>
      tpu.vector_store %arg10[%swap3A_142, %swap3A_143], %swap3A_146 {strides = array<i32>} : memref<128x128xf32, #tpu.memory_space<vmem>>, vector<1x16xf32>,
      %swap3A_147 = arith.index_cast %add3A_82 : i32 to index
      %swap3A_148 = arith.constant 96 : index
      %swap3A_149 = tpu.vector_load %arg9[%swap3A_147, %swap3A_148] {strides = array<i32>} : memref<128x128xf32, #tpu.memory_space<vmem>>, vector<1x16xf32>,
      %swap3A_150 = vector.shape_cast %swap3A_149 : vector<1x16xf32> to vector<16xf32>
      %swap3A_151 = vector.shape_cast %broadcast_in_dim3A_1 : vector<16xf32> to vector<1x16xf32>
      tpu.vector_store %arg9[%swap3A_147, %swap3A_148], %swap3A_151 {strides = array<i32>} : memref<128x128xf32, #tpu.memory_space<vmem>>, vector<1x16xf32>,
      %swap3A_152 = arith.index_cast %add3A_82 : i32 to index
      %swap3A_153 = arith.constant 112 : index
      %swap3A_154 = tpu.vector_load %arg10[%swap3A_152, %swap3A_153] {strides = array<i32>} : memref<128x128xf32, #tpu.memory_space<vmem>>, vector<1x16xf32>,
      %swap3A_155 = vector.shape_cast %swap3A_154 : vector<1x16xf32> to vector<16xf32>
      %swap3A_156 = vector.shape_cast %broadcast_in_dim3A_3 : vector<16xf32> to vector<1x16xf32>
      tpu.vector_store %arg10[%swap3A_152, %swap3A_153], %swap3A_156 {strides = array<i32>} : memref<128x128xf32, #tpu.memory_space<vmem>>, vector<1x16xf32>,
      %swap3A_157 = arith.index_cast %add3A_82 : i32 to index
      %swap3A_158 = arith.constant 112 : index
      %swap3A_159 = tpu.vector_load %arg9[%swap3A_157, %swap3A_158] {strides = array<i32>} : memref<128x128xf32, #tpu.memory_space<vmem>>, vector<1x16xf32>,
      %swap3A_160 = vector.shape_cast %swap3A_159 : vector<1x16xf32> to vector<16xf32>
      %swap3A_161 = vector.shape_cast %broadcast_in_dim3A_1 : vector<16xf32> to vector<1x16xf32>
      tpu.vector_store %arg9[%swap3A_157, %swap3A_158], %swap3A_161 {strides = array<i32>} : memref<128x128xf32, #tpu.memory_space<vmem>>, vector<1x16xf32>,
    }
    %scan3A_7 = arith.constant 128 : i32
    %mul3A_8 = arith.constant 640 : i32
    %mul3A_9 = arith.muli %arg1, %mul3A_8 : i32
    %scan3A_10 = arith.constant 0 : i32
    %scan3A_11 = arith.constant 5 : i32
    %scan3A_12 = arith.addi %scan3A_10, %scan3A_11 : i32
    %scan3A_13 = arith.constant 1 : i32
    scf.for %scan3A_78 = %scan3A_10 to %scan3A_12 step %scan3A_13  : i32 {
      %mul3A_79 = arith.constant 1 : i32
      %mul3A_80 = arith.muli %scan3A_78, %mul3A_79 : i32
      %add3A_81 = arith.constant 0 : i32
      %add3A_82 = arith.addi %add3A_81, %mul3A_80 : i32
      %mul3A_83 = arith.constant 128 : i32
      %mul3A_84 = arith.muli %add3A_82, %mul3A_83 : i32
      %add3A_85 = arith.addi %mul3A_9, %mul3A_84 : i32
      %multiple_of3A = tpu.assume_multiple %add3A_85, 8 : i32
      "tpu.region"() ({
        %run_scoped3A = tpu.sem_alloc : memref<!tpu.dma_semaphore, #tpu.memory_space<semaphore_mem>>
        %dma_start3A = arith.constant 0 : i32
        %dma_start3A_86 = arith.constant 0 : i32
        %dma_start3A_87 = tpu.memref_slice %arg10[%dma_start3A, %dma_start3A_86] : memref<128x128xf32, #tpu.memory_space<vmem>> -> memref<128x128xf32, #tpu.memory_space<vmem>>
        %dma_start3A_88 = arith.constant 0 : i32
        %dma_start3A_89 = tpu.memref_slice %arg11[%multiple_of3A, %dma_start3A_88] : memref<10240x128xf32, #tpu.memory_space<vmem_shared>> -> memref<128x128xf32, #tpu.memory_space<vmem_shared>>
        %dma_start3A_90 = arith.constant 0 : i32
        %dma_start3A_91 = tpu.memref_slice %arg11[%multiple_of3A, %dma_start3A_90] : memref<10240x128xf32, #tpu.memory_space<vmem_shared>> -> memref<128x128xf32, #tpu.memory_space<vmem_shared>>
        %dma_start3A_92 = arith.constant 0 : i32
        %dma_start3A_93 = arith.constant 0 : i32
        %dma_start3A_94 = tpu.memref_slice %arg10[%dma_start3A_92, %dma_start3A_93] : memref<128x128xf32, #tpu.memory_space<vmem>> -> memref<128x128xf32, #tpu.memory_space<vmem>>
        tpu.enqueue_dma source(%dma_start3A_94 : memref<128x128xf32, #tpu.memory_space<vmem>>) target(%dma_start3A_91 : memref<128x128xf32, #tpu.memory_space<vmem_shared>>) target_semaphore(%run_scoped3A : memref<!tpu.dma_semaphore, #tpu.memory_space<semaphore_mem>>)
        %dma_wait3A = arith.constant 0 : i32
        %dma_wait3A_95 = arith.constant 0 : i32
        %dma_wait3A_96 = tpu.memref_slice %arg10[%dma_wait3A, %dma_wait3A_95] : memref<128x128xf32, #tpu.memory_space<vmem>> -> memref<128x128xf32, #tpu.memory_space<vmem>>
        %dma_wait3A_97 = arith.constant 0 : i32
        %dma_wait3A_98 = tpu.memref_slice %arg11[%multiple_of3A, %dma_wait3A_97] : memref<10240x128xf32, #tpu.memory_space<vmem_shared>> -> memref<128x128xf32, #tpu.memory_space<vmem_shared>>
        %dma_wait3A_99 = arith.constant 0 : i32
        %dma_wait3A_100 = tpu.memref_slice %arg11[%multiple_of3A, %dma_wait3A_99] : memref<10240x128xf32, #tpu.memory_space<vmem_shared>> -> memref<128x128xf32, #tpu.memory_space<vmem_shared>>
        %dma_wait3A_101 = arith.constant 0 : i32
        %dma_wait3A_102 = arith.constant 0 : i32
        %dma_wait3A_103 = tpu.memref_slice %arg10[%dma_wait3A_101, %dma_wait3A_102] : memref<128x128xf32, #tpu.memory_space<vmem>> -> memref<128x128xf32, #tpu.memory_space<vmem>>
        tpu.wait_dma2 semaphore(%run_scoped3A : memref<!tpu.dma_semaphore, #tpu.memory_space<semaphore_mem>>) src(%dma_wait3A_103 : memref<128x128xf32, #tpu.memory_space<vmem>>) dst(%dma_wait3A_100 : memref<128x128xf32, #tpu.memory_space<vmem_shared>>)
        tpu.yield
      }) : () -> ()
    }
    %scan3A_14 = arith.constant 5 : i32
    %barrier3A = arith.constant 0 : index
    tpu.barrier barrier_id(%barrier3A)
    %mul3A_15 = arith.constant 79 : i32
    %mul3A_16 = arith.muli %add3A, %mul3A_15 : i32
    %scan3A_17 = arith.constant 0 : i32
    %scan3A_18 = arith.constant 79 : i32
    %scan3A_19 = arith.addi %scan3A_17, %scan3A_18 : i32
    %scan3A_20 = arith.constant 1 : i32
    scf.for %scan3A_78 = %scan3A_17 to %scan3A_19 step %scan3A_20  : i32 {
      %mul3A_79 = arith.constant 1 : i32
      %mul3A_80 = arith.muli %scan3A_78, %mul3A_79 : i32
      %add3A_81 = arith.constant 0 : i32
      %add3A_82 = arith.addi %add3A_81, %mul3A_80 : i32
      %add3A_83 = arith.addi %mul3A_16, %add3A_82 : i32
      "tpu.region"() ({
        %run_scoped3A = tpu.sem_alloc : memref<!tpu.dma_semaphore, #tpu.memory_space<semaphore_mem>>
        %dma_start3A = arith.constant 0 : i32
        %dma_start3A_84 = tpu.memref_slice %arg2[%add3A_83, %dma_start3A] : memref<2528x128xi32, #tpu.memory_space<hbm>> -> memref<1x128xi32, #tpu.memory_space<hbm>>
        %dma_start3A_85 = tpu.memref_squeeze %dma_start3A_84 : memref<1x128xi32, #tpu.memory_space<hbm>> -> memref<128xi32, #tpu.memory_space<hbm>>
        %dma_start3A_86 = arith.constant 0 : i32
        %dma_start3A_87 = tpu.memref_slice %arg2[%add3A_83, %dma_start3A_86] : memref<2528x128xi32, #tpu.memory_space<hbm>> -> memref<1x128xi32, #tpu.memory_space<hbm>>
        %dma_start3A_88 = tpu.memref_squeeze %dma_start3A_87 : memref<1x128xi32, #tpu.memory_space<hbm>> -> memref<128xi32, #tpu.memory_space<hbm>>
        tpu.enqueue_dma source(%dma_start3A_88 : memref<128xi32, #tpu.memory_space<hbm>>) target(%arg8 : memref<128xi32, #tpu.memory_space<vmem>>) target_semaphore(%run_scoped3A : memref<!tpu.dma_semaphore, #tpu.memory_space<semaphore_mem>>)
        %dma_wait3A = arith.constant 0 : i32
        %dma_wait3A_89 = tpu.memref_slice %arg2[%add3A_83, %dma_wait3A] : memref<2528x128xi32, #tpu.memory_space<hbm>> -> memref<1x128xi32, #tpu.memory_space<hbm>>
        %dma_wait3A_90 = tpu.memref_squeeze %dma_wait3A_89 : memref<1x128xi32, #tpu.memory_space<hbm>> -> memref<128xi32, #tpu.memory_space<hbm>>
        %dma_wait3A_91 = arith.constant 0 : i32
        %dma_wait3A_92 = tpu.memref_slice %arg2[%add3A_83, %dma_wait3A_91] : memref<2528x128xi32, #tpu.memory_space<hbm>> -> memref<1x128xi32, #tpu.memory_space<hbm>>
        %dma_wait3A_93 = tpu.memref_squeeze %dma_wait3A_92 : memref<1x128xi32, #tpu.memory_space<hbm>> -> memref<128xi32, #tpu.memory_space<hbm>>
        tpu.wait_dma2 semaphore(%run_scoped3A : memref<!tpu.dma_semaphore, #tpu.memory_space<semaphore_mem>>) src(%dma_wait3A_93 : memref<128xi32, #tpu.memory_space<hbm>>) dst(%arg8 : memref<128xi32, #tpu.memory_space<vmem>>)
        tpu.yield
      }) : () -> ()
      "tpu.region"() ({
        %run_scoped3A = tpu.sem_alloc : memref<!tpu.dma_semaphore, #tpu.memory_space<semaphore_mem>>
        %dma_start3A = arith.constant 0 : i32
        %dma_start3A_84 = arith.constant 0 : i32
        %dma_start3A_85 = tpu.memref_slice %arg11[%dma_start3A, %dma_start3A_84] : memref<10240x128xf32, #tpu.memory_space<vmem_shared>> -> memref<10240x128xf32, #tpu.memory_space<vmem_shared>>
        tpu.enqueue_indirect_dma source(%arg9 : memref<128x128xf32, #tpu.memory_space<vmem>>) target(%dma_start3A_85 : memref<10240x128xf32, #tpu.memory_space<vmem_shared>>) offsets(%arg8 : memref<128xi32, #tpu.memory_space<vmem>>) semaphore(%run_scoped3A : memref<!tpu.dma_semaphore, #tpu.memory_space<semaphore_mem>>) {add = true}
        %dma_wait3A = arith.constant 0 : i32
        %dma_wait3A_86 = arith.constant 0 : i32
        %dma_wait3A_87 = tpu.memref_slice %arg11[%dma_wait3A, %dma_wait3A_86] : memref<10240x128xf32, #tpu.memory_space<vmem_shared>> -> memref<10240x128xf32, #tpu.memory_space<vmem_shared>>
        tpu.wait_indirect_dma semaphore(%run_scoped3A : memref<!tpu.dma_semaphore, #tpu.memory_space<semaphore_mem>>) src(%arg9 : memref<128x128xf32, #tpu.memory_space<vmem>>) dst(%dma_wait3A_87 : memref<10240x128xf32, #tpu.memory_space<vmem_shared>>)
        tpu.yield
      }) : () -> ()
    }
    %scan3A_21 = arith.constant 79 : i32
    %barrier3A_22 = arith.constant 0 : index
    tpu.barrier barrier_id(%barrier3A_22)
    %mul3A_23 = arith.constant 640 : i32
    %mul3A_24 = arith.muli %arg1, %mul3A_23 : i32
    %scan3A_25 = arith.constant 0 : i32
    %scan3A_26 = arith.constant 5 : i32
    %scan3A_27 = arith.addi %scan3A_25, %scan3A_26 : i32
    %scan3A_28 = arith.constant 1 : i32
    scf.for %scan3A_78 = %scan3A_25 to %scan3A_27 step %scan3A_28  : i32 {
      %mul3A_79 = arith.constant 1 : i32
      %mul3A_80 = arith.muli %scan3A_78, %mul3A_79 : i32
      %add3A_81 = arith.constant 0 : i32
      %add3A_82 = arith.addi %add3A_81, %mul3A_80 : i32
      %mul3A_83 = arith.constant 128 : i32
      %mul3A_84 = arith.muli %add3A_82, %mul3A_83 : i32
      %add3A_85 = arith.addi %mul3A_24, %mul3A_84 : i32
      %multiple_of3A = tpu.assume_multiple %add3A_85, 8 : i32
      "tpu.region"() ({
        %run_scoped3A = tpu.sem_alloc : memref<!tpu.dma_semaphore, #tpu.memory_space<semaphore_mem>>
        %dma_start3A = arith.constant 0 : i32
        %dma_start3A_86 = tpu.memref_slice %arg5[%arg0, %multiple_of3A, %dma_start3A] : memref<2x10240x128xf32, #tpu.memory_space<hbm>> -> memref<1x128x128xf32, #tpu.memory_space<hbm>>
        %dma_start3A_87 = tpu.memref_squeeze %dma_start3A_86 : memref<1x128x128xf32, #tpu.memory_space<hbm>> -> memref<128x128xf32, #tpu.memory_space<hbm>>
        %dma_start3A_88 = arith.constant 0 : i32
        %dma_start3A_89 = tpu.memref_slice %arg11[%multiple_of3A, %dma_start3A_88] : memref<10240x128xf32, #tpu.memory_space<vmem_shared>> -> memref<128x128xf32, #tpu.memory_space<vmem_shared>>
        tpu.enqueue_dma source(%dma_start3A_89 : memref<128x128xf32, #tpu.memory_space<vmem_shared>>) target(%dma_start3A_87 : memref<128x128xf32, #tpu.memory_space<hbm>>) target_semaphore(%run_scoped3A : memref<!tpu.dma_semaphore, #tpu.memory_space<semaphore_mem>>)
        %dma_wait3A = arith.constant 0 : i32
        %dma_wait3A_90 = tpu.memref_slice %arg5[%arg0, %multiple_of3A, %dma_wait3A] : memref<2x10240x128xf32, #tpu.memory_space<hbm>> -> memref<1x128x128xf32, #tpu.memory_space<hbm>>
        %dma_wait3A_91 = tpu.memref_squeeze %dma_wait3A_90 : memref<1x128x128xf32, #tpu.memory_space<hbm>> -> memref<128x128xf32, #tpu.memory_space<hbm>>
        %dma_wait3A_92 = arith.constant 0 : i32
        %dma_wait3A_93 = tpu.memref_slice %arg11[%multiple_of3A, %dma_wait3A_92] : memref<10240x128xf32, #tpu.memory_space<vmem_shared>> -> memref<128x128xf32, #tpu.memory_space<vmem_shared>>
        tpu.wait_dma2 semaphore(%run_scoped3A : memref<!tpu.dma_semaphore, #tpu.memory_space<semaphore_mem>>) src(%dma_wait3A_93 : memref<128x128xf32, #tpu.memory_space<vmem_shared>>) dst(%dma_wait3A_91 : memref<128x128xf32, #tpu.memory_space<hbm>>)
        tpu.yield
      }) : () -> ()
    }
    %scan3A_29 = arith.constant 5 : i32
    %barrier3A_30 = arith.constant 0 : index
    tpu.barrier barrier_id(%barrier3A_30)
    %mul3A_31 = arith.constant 640 : i32
    %mul3A_32 = arith.muli %arg1, %mul3A_31 : i32
    %scan3A_33 = arith.constant 0 : i32
    %scan3A_34 = arith.constant 5 : i32
    %scan3A_35 = arith.addi %scan3A_33, %scan3A_34 : i32
    %scan3A_36 = arith.constant 1 : i32
    scf.for %scan3A_78 = %scan3A_33 to %scan3A_35 step %scan3A_36  : i32 {
      %mul3A_79 = arith.constant 1 : i32
      %mul3A_80 = arith.muli %scan3A_78, %mul3A_79 : i32
      %add3A_81 = arith.constant 0 : i32
      %add3A_82 = arith.addi %add3A_81, %mul3A_80 : i32
      %mul3A_83 = arith.constant 128 : i32
      %mul3A_84 = arith.muli %add3A_82, %mul3A_83 : i32
      %add3A_85 = arith.addi %mul3A_32, %mul3A_84 : i32
      %multiple_of3A = tpu.assume_multiple %add3A_85, 8 : i32
      "tpu.region"() ({
        %run_scoped3A = tpu.sem_alloc : memref<!tpu.dma_semaphore, #tpu.memory_space<semaphore_mem>>
        %dma_start3A = arith.constant 0 : i32
        %dma_start3A_86 = arith.constant 0 : i32
        %dma_start3A_87 = tpu.memref_slice %arg10[%dma_start3A, %dma_start3A_86] : memref<128x128xf32, #tpu.memory_space<vmem>> -> memref<128x128xf32, #tpu.memory_space<vmem>>
        %dma_start3A_88 = arith.constant 0 : i32
        %dma_start3A_89 = tpu.memref_slice %arg11[%multiple_of3A, %dma_start3A_88] : memref<10240x128xf32, #tpu.memory_space<vmem_shared>> -> memref<128x128xf32, #tpu.memory_space<vmem_shared>>
        %dma_start3A_90 = arith.constant 0 : i32
        %dma_start3A_91 = tpu.memref_slice %arg11[%multiple_of3A, %dma_start3A_90] : memref<10240x128xf32, #tpu.memory_space<vmem_shared>> -> memref<128x128xf32, #tpu.memory_space<vmem_shared>>
        %dma_start3A_92 = arith.constant 0 : i32
        %dma_start3A_93 = arith.constant 0 : i32
        %dma_start3A_94 = tpu.memref_slice %arg10[%dma_start3A_92, %dma_start3A_93] : memref<128x128xf32, #tpu.memory_space<vmem>> -> memref<128x128xf32, #tpu.memory_space<vmem>>
        tpu.enqueue_dma source(%dma_start3A_94 : memref<128x128xf32, #tpu.memory_space<vmem>>) target(%dma_start3A_91 : memref<128x128xf32, #tpu.memory_space<vmem_shared>>) target_semaphore(%run_scoped3A : memref<!tpu.dma_semaphore, #tpu.memory_space<semaphore_mem>>)
        %dma_wait3A = arith.constant 0 : i32
        %dma_wait3A_95 = arith.constant 0 : i32
        %dma_wait3A_96 = tpu.memref_slice %arg10[%dma_wait3A, %dma_wait3A_95] : memref<128x128xf32, #tpu.memory_space<vmem>> -> memref<128x128xf32, #tpu.memory_space<vmem>>
        %dma_wait3A_97 = arith.constant 0 : i32
        %dma_wait3A_98 = tpu.memref_slice %arg11[%multiple_of3A, %dma_wait3A_97] : memref<10240x128xf32, #tpu.memory_space<vmem_shared>> -> memref<128x128xf32, #tpu.memory_space<vmem_shared>>
        %dma_wait3A_99 = arith.constant 0 : i32
        %dma_wait3A_100 = tpu.memref_slice %arg11[%multiple_of3A, %dma_wait3A_99] : memref<10240x128xf32, #tpu.memory_space<vmem_shared>> -> memref<128x128xf32, #tpu.memory_space<vmem_shared>>
        %dma_wait3A_101 = arith.constant 0 : i32
        %dma_wait3A_102 = arith.constant 0 : i32
        %dma_wait3A_103 = tpu.memref_slice %arg10[%dma_wait3A_101, %dma_wait3A_102] : memref<128x128xf32, #tpu.memory_space<vmem>> -> memref<128x128xf32, #tpu.memory_space<vmem>>
        tpu.wait_dma2 semaphore(%run_scoped3A : memref<!tpu.dma_semaphore, #tpu.memory_space<semaphore_mem>>) src(%dma_wait3A_103 : memref<128x128xf32, #tpu.memory_space<vmem>>) dst(%dma_wait3A_100 : memref<128x128xf32, #tpu.memory_space<vmem_shared>>)
        tpu.yield
      }) : () -> ()
    }
    %scan3A_37 = arith.constant 5 : i32
    %barrier3A_38 = arith.constant 0 : index
    tpu.barrier barrier_id(%barrier3A_38)
    %mul3A_39 = arith.constant 40 : i32
    %mul3A_40 = arith.muli %add3A, %mul3A_39 : i32
    %scan3A_41 = arith.constant 0 : i32
    %scan3A_42 = arith.constant 40 : i32
    %scan3A_43 = arith.addi %scan3A_41, %scan3A_42 : i32
    %scan3A_44 = arith.constant 1 : i32
    scf.for %scan3A_78 = %scan3A_41 to %scan3A_43 step %scan3A_44  : i32 {
      %mul3A_79 = arith.constant 1 : i32
      %mul3A_80 = arith.muli %scan3A_78, %mul3A_79 : i32
      %add3A_81 = arith.constant 0 : i32
      %add3A_82 = arith.addi %add3A_81, %mul3A_80 : i32
      %add3A_83 = arith.addi %mul3A_40, %add3A_82 : i32
      "tpu.region"() ({
        %run_scoped3A = tpu.sem_alloc : memref<!tpu.dma_semaphore, #tpu.memory_space<semaphore_mem>>
        %dma_start3A = arith.constant 0 : i32
        %dma_start3A_84 = tpu.memref_slice %arg3[%add3A_83, %dma_start3A] : memref<1280x128xi32, #tpu.memory_space<hbm>> -> memref<1x128xi32, #tpu.memory_space<hbm>>
        %dma_start3A_85 = tpu.memref_squeeze %dma_start3A_84 : memref<1x128xi32, #tpu.memory_space<hbm>> -> memref<128xi32, #tpu.memory_space<hbm>>
        %dma_start3A_86 = arith.constant 0 : i32
        %dma_start3A_87 = tpu.memref_slice %arg3[%add3A_83, %dma_start3A_86] : memref<1280x128xi32, #tpu.memory_space<hbm>> -> memref<1x128xi32, #tpu.memory_space<hbm>>
        %dma_start3A_88 = tpu.memref_squeeze %dma_start3A_87 : memref<1x128xi32, #tpu.memory_space<hbm>> -> memref<128xi32, #tpu.memory_space<hbm>>
        tpu.enqueue_dma source(%dma_start3A_88 : memref<128xi32, #tpu.memory_space<hbm>>) target(%arg8 : memref<128xi32, #tpu.memory_space<vmem>>) target_semaphore(%run_scoped3A : memref<!tpu.dma_semaphore, #tpu.memory_space<semaphore_mem>>)
        %dma_wait3A = arith.constant 0 : i32
        %dma_wait3A_89 = tpu.memref_slice %arg3[%add3A_83, %dma_wait3A] : memref<1280x128xi32, #tpu.memory_space<hbm>> -> memref<1x128xi32, #tpu.memory_space<hbm>>
        %dma_wait3A_90 = tpu.memref_squeeze %dma_wait3A_89 : memref<1x128xi32, #tpu.memory_space<hbm>> -> memref<128xi32, #tpu.memory_space<hbm>>
        %dma_wait3A_91 = arith.constant 0 : i32
        %dma_wait3A_92 = tpu.memref_slice %arg3[%add3A_83, %dma_wait3A_91] : memref<1280x128xi32, #tpu.memory_space<hbm>> -> memref<1x128xi32, #tpu.memory_space<hbm>>
        %dma_wait3A_93 = tpu.memref_squeeze %dma_wait3A_92 : memref<1x128xi32, #tpu.memory_space<hbm>> -> memref<128xi32, #tpu.memory_space<hbm>>
        tpu.wait_dma2 semaphore(%run_scoped3A : memref<!tpu.dma_semaphore, #tpu.memory_space<semaphore_mem>>) src(%dma_wait3A_93 : memref<128xi32, #tpu.memory_space<hbm>>) dst(%arg8 : memref<128xi32, #tpu.memory_space<vmem>>)
        tpu.yield
      }) : () -> ()
      "tpu.region"() ({
        %run_scoped3A = tpu.sem_alloc : memref<!tpu.dma_semaphore, #tpu.memory_space<semaphore_mem>>
        %dma_start3A = arith.constant 0 : i32
        %dma_start3A_84 = arith.constant 0 : i32
        %dma_start3A_85 = tpu.memref_slice %arg11[%dma_start3A, %dma_start3A_84] : memref<10240x128xf32, #tpu.memory_space<vmem_shared>> -> memref<10240x128xf32, #tpu.memory_space<vmem_shared>>
        tpu.enqueue_indirect_dma source(%arg9 : memref<128x128xf32, #tpu.memory_space<vmem>>) target(%dma_start3A_85 : memref<10240x128xf32, #tpu.memory_space<vmem_shared>>) offsets(%arg8 : memref<128xi32, #tpu.memory_space<vmem>>) semaphore(%run_scoped3A : memref<!tpu.dma_semaphore, #tpu.memory_space<semaphore_mem>>) {add = true}
        %dma_wait3A = arith.constant 0 : i32
        %dma_wait3A_86 = arith.constant 0 : i32
        %dma_wait3A_87 = tpu.memref_slice %arg11[%dma_wait3A, %dma_wait3A_86] : memref<10240x128xf32, #tpu.memory_space<vmem_shared>> -> memref<10240x128xf32, #tpu.memory_space<vmem_shared>>
        tpu.wait_indirect_dma semaphore(%run_scoped3A : memref<!tpu.dma_semaphore, #tpu.memory_space<semaphore_mem>>) src(%arg9 : memref<128x128xf32, #tpu.memory_space<vmem>>) dst(%dma_wait3A_87 : memref<10240x128xf32, #tpu.memory_space<vmem_shared>>)
        tpu.yield
      }) : () -> ()
    }
    %scan3A_45 = arith.constant 40 : i32
    %barrier3A_46 = arith.constant 0 : index
    tpu.barrier barrier_id(%barrier3A_46)
    %mul3A_47 = arith.constant 640 : i32
    %mul3A_48 = arith.muli %arg1, %mul3A_47 : i32
    %scan3A_49 = arith.constant 0 : i32
    %scan3A_50 = arith.constant 5 : i32
    %scan3A_51 = arith.addi %scan3A_49, %scan3A_50 : i32
    %scan3A_52 = arith.constant 1 : i32
    scf.for %scan3A_78 = %scan3A_49 to %scan3A_51 step %scan3A_52  : i32 {
      %mul3A_79 = arith.constant 1 : i32
      %mul3A_80 = arith.muli %scan3A_78, %mul3A_79 : i32
      %add3A_81 = arith.constant 0 : i32
      %add3A_82 = arith.addi %add3A_81, %mul3A_80 : i32
      %mul3A_83 = arith.constant 128 : i32
      %mul3A_84 = arith.muli %add3A_82, %mul3A_83 : i32
      %add3A_85 = arith.addi %mul3A_48, %mul3A_84 : i32
      %multiple_of3A = tpu.assume_multiple %add3A_85, 8 : i32
      "tpu.region"() ({
        %run_scoped3A = tpu.sem_alloc : memref<!tpu.dma_semaphore, #tpu.memory_space<semaphore_mem>>
        %dma_start3A = arith.constant 0 : i32
        %dma_start3A_86 = tpu.memref_slice %arg6[%arg0, %multiple_of3A, %dma_start3A] : memref<2x10240x128xf32, #tpu.memory_space<hbm>> -> memref<1x128x128xf32, #tpu.memory_space<hbm>>
        %dma_start3A_87 = tpu.memref_squeeze %dma_start3A_86 : memref<1x128x128xf32, #tpu.memory_space<hbm>> -> memref<128x128xf32, #tpu.memory_space<hbm>>
        %dma_start3A_88 = arith.constant 0 : i32
        %dma_start3A_89 = tpu.memref_slice %arg11[%multiple_of3A, %dma_start3A_88] : memref<10240x128xf32, #tpu.memory_space<vmem_shared>> -> memref<128x128xf32, #tpu.memory_space<vmem_shared>>
        tpu.enqueue_dma source(%dma_start3A_89 : memref<128x128xf32, #tpu.memory_space<vmem_shared>>) target(%dma_start3A_87 : memref<128x128xf32, #tpu.memory_space<hbm>>) target_semaphore(%run_scoped3A : memref<!tpu.dma_semaphore, #tpu.memory_space<semaphore_mem>>)
        %dma_wait3A = arith.constant 0 : i32
        %dma_wait3A_90 = tpu.memref_slice %arg6[%arg0, %multiple_of3A, %dma_wait3A] : memref<2x10240x128xf32, #tpu.memory_space<hbm>> -> memref<1x128x128xf32, #tpu.memory_space<hbm>>
        %dma_wait3A_91 = tpu.memref_squeeze %dma_wait3A_90 : memref<1x128x128xf32, #tpu.memory_space<hbm>> -> memref<128x128xf32, #tpu.memory_space<hbm>>
        %dma_wait3A_92 = arith.constant 0 : i32
        %dma_wait3A_93 = tpu.memref_slice %arg11[%multiple_of3A, %dma_wait3A_92] : memref<10240x128xf32, #tpu.memory_space<vmem_shared>> -> memref<128x128xf32, #tpu.memory_space<vmem_shared>>
        tpu.wait_dma2 semaphore(%run_scoped3A : memref<!tpu.dma_semaphore, #tpu.memory_space<semaphore_mem>>) src(%dma_wait3A_93 : memref<128x128xf32, #tpu.memory_space<vmem_shared>>) dst(%dma_wait3A_91 : memref<128x128xf32, #tpu.memory_space<hbm>>)
        tpu.yield
      }) : () -> ()
    }
    %scan3A_53 = arith.constant 5 : i32
    %barrier3A_54 = arith.constant 0 : index
    tpu.barrier barrier_id(%barrier3A_54)
    %mul3A_55 = arith.constant 168 : i32
    %mul3A_56 = arith.muli %arg1, %mul3A_55 : i32
    %scan3A_57 = arith.constant 0 : i32
    %scan3A_58 = arith.constant 3 : i32
    %scan3A_59 = arith.addi %scan3A_57, %scan3A_58 : i32
    %scan3A_60 = arith.constant 1 : i32
    scf.for %scan3A_78 = %scan3A_57 to %scan3A_59 step %scan3A_60  : i32 {
      %mul3A_79 = arith.constant 1 : i32
      %mul3A_80 = arith.muli %scan3A_78, %mul3A_79 : i32
      %add3A_81 = arith.constant 0 : i32
      %add3A_82 = arith.addi %add3A_81, %mul3A_80 : i32
      %mul3A_83 = arith.constant 56 : i32
      %mul3A_84 = arith.muli %add3A_82, %mul3A_83 : i32
      %add3A_85 = arith.addi %mul3A_56, %mul3A_84 : i32
      %multiple_of3A = tpu.assume_multiple %add3A_85, 8 : i32
      "tpu.region"() ({
        %run_scoped3A = tpu.sem_alloc : memref<!tpu.dma_semaphore, #tpu.memory_space<semaphore_mem>>
        %dma_start3A = arith.constant 0 : i32
        %dma_start3A_86 = arith.constant 0 : i32
        %dma_start3A_87 = tpu.memref_slice %arg10[%dma_start3A, %dma_start3A_86] : memref<128x128xf32, #tpu.memory_space<vmem>> -> memref<56x128xf32, #tpu.memory_space<vmem>>
        %dma_start3A_88 = arith.constant 0 : i32
        %dma_start3A_89 = tpu.memref_slice %arg11[%multiple_of3A, %dma_start3A_88] : memref<10240x128xf32, #tpu.memory_space<vmem_shared>> -> memref<56x128xf32, #tpu.memory_space<vmem_shared>>
        %dma_start3A_90 = arith.constant 0 : i32
        %dma_start3A_91 = tpu.memref_slice %arg11[%multiple_of3A, %dma_start3A_90] : memref<10240x128xf32, #tpu.memory_space<vmem_shared>> -> memref<56x128xf32, #tpu.memory_space<vmem_shared>>
        %dma_start3A_92 = arith.constant 0 : i32
        %dma_start3A_93 = arith.constant 0 : i32
        %dma_start3A_94 = tpu.memref_slice %arg10[%dma_start3A_92, %dma_start3A_93] : memref<128x128xf32, #tpu.memory_space<vmem>> -> memref<56x128xf32, #tpu.memory_space<vmem>>
        tpu.enqueue_dma source(%dma_start3A_94 : memref<56x128xf32, #tpu.memory_space<vmem>>) target(%dma_start3A_91 : memref<56x128xf32, #tpu.memory_space<vmem_shared>>) target_semaphore(%run_scoped3A : memref<!tpu.dma_semaphore, #tpu.memory_space<semaphore_mem>>)
        %dma_wait3A = arith.constant 0 : i32
        %dma_wait3A_95 = arith.constant 0 : i32
        %dma_wait3A_96 = tpu.memref_slice %arg10[%dma_wait3A, %dma_wait3A_95] : memref<128x128xf32, #tpu.memory_space<vmem>> -> memref<56x128xf32, #tpu.memory_space<vmem>>
        %dma_wait3A_97 = arith.constant 0 : i32
        %dma_wait3A_98 = tpu.memref_slice %arg11[%multiple_of3A, %dma_wait3A_97] : memref<10240x128xf32, #tpu.memory_space<vmem_shared>> -> memref<56x128xf32, #tpu.memory_space<vmem_shared>>
        %dma_wait3A_99 = arith.constant 0 : i32
        %dma_wait3A_100 = tpu.memref_slice %arg11[%multiple_of3A, %dma_wait3A_99] : memref<10240x128xf32, #tpu.memory_space<vmem_shared>> -> memref<56x128xf32, #tpu.memory_space<vmem_shared>>
        %dma_wait3A_101 = arith.constant 0 : i32
        %dma_wait3A_102 = arith.constant 0 : i32
        %dma_wait3A_103 = tpu.memref_slice %arg10[%dma_wait3A_101, %dma_wait3A_102] : memref<128x128xf32, #tpu.memory_space<vmem>> -> memref<56x128xf32, #tpu.memory_space<vmem>>
        tpu.wait_dma2 semaphore(%run_scoped3A : memref<!tpu.dma_semaphore, #tpu.memory_space<semaphore_mem>>) src(%dma_wait3A_103 : memref<56x128xf32, #tpu.memory_space<vmem>>) dst(%dma_wait3A_100 : memref<56x128xf32, #tpu.memory_space<vmem_shared>>)
        tpu.yield
      }) : () -> ()
    }
    %scan3A_61 = arith.constant 3 : i32
    %barrier3A_62 = arith.constant 0 : index
    tpu.barrier barrier_id(%barrier3A_62)
    %mul3A_63 = arith.constant 3 : i32
    %mul3A_64 = arith.muli %add3A, %mul3A_63 : i32
    %scan3A_65 = arith.constant 0 : i32
    %scan3A_66 = arith.constant 3 : i32
    %scan3A_67 = arith.addi %scan3A_65, %scan3A_66 : i32
    %scan3A_68 = arith.constant 1 : i32
    scf.for %scan3A_78 = %scan3A_65 to %scan3A_67 step %scan3A_68  : i32 {
      %mul3A_79 = arith.constant 1 : i32
      %mul3A_80 = arith.muli %scan3A_78, %mul3A_79 : i32
      %add3A_81 = arith.constant 0 : i32
      %add3A_82 = arith.addi %add3A_81, %mul3A_80 : i32
      %add3A_83 = arith.addi %mul3A_64, %add3A_82 : i32
      "tpu.region"() ({
        %run_scoped3A = tpu.sem_alloc : memref<!tpu.dma_semaphore, #tpu.memory_space<semaphore_mem>>
        %dma_start3A = arith.constant 0 : i32
        %dma_start3A_84 = tpu.memref_slice %arg4[%add3A_83, %dma_start3A] : memref<96x128xi32, #tpu.memory_space<hbm>> -> memref<1x128xi32, #tpu.memory_space<hbm>>
        %dma_start3A_85 = tpu.memref_squeeze %dma_start3A_84 : memref<1x128xi32, #tpu.memory_space<hbm>> -> memref<128xi32, #tpu.memory_space<hbm>>
        %dma_start3A_86 = arith.constant 0 : i32
        %dma_start3A_87 = tpu.memref_slice %arg4[%add3A_83, %dma_start3A_86] : memref<96x128xi32, #tpu.memory_space<hbm>> -> memref<1x128xi32, #tpu.memory_space<hbm>>
        %dma_start3A_88 = tpu.memref_squeeze %dma_start3A_87 : memref<1x128xi32, #tpu.memory_space<hbm>> -> memref<128xi32, #tpu.memory_space<hbm>>
        tpu.enqueue_dma source(%dma_start3A_88 : memref<128xi32, #tpu.memory_space<hbm>>) target(%arg8 : memref<128xi32, #tpu.memory_space<vmem>>) target_semaphore(%run_scoped3A : memref<!tpu.dma_semaphore, #tpu.memory_space<semaphore_mem>>)
        %dma_wait3A = arith.constant 0 : i32
        %dma_wait3A_89 = tpu.memref_slice %arg4[%add3A_83, %dma_wait3A] : memref<96x128xi32, #tpu.memory_space<hbm>> -> memref<1x128xi32, #tpu.memory_space<hbm>>
        %dma_wait3A_90 = tpu.memref_squeeze %dma_wait3A_89 : memref<1x128xi32, #tpu.memory_space<hbm>> -> memref<128xi32, #tpu.memory_space<hbm>>
        %dma_wait3A_91 = arith.constant 0 : i32
        %dma_wait3A_92 = tpu.memref_slice %arg4[%add3A_83, %dma_wait3A_91] : memref<96x128xi32, #tpu.memory_space<hbm>> -> memref<1x128xi32, #tpu.memory_space<hbm>>
        %dma_wait3A_93 = tpu.memref_squeeze %dma_wait3A_92 : memref<1x128xi32, #tpu.memory_space<hbm>> -> memref<128xi32, #tpu.memory_space<hbm>>
        tpu.wait_dma2 semaphore(%run_scoped3A : memref<!tpu.dma_semaphore, #tpu.memory_space<semaphore_mem>>) src(%dma_wait3A_93 : memref<128xi32, #tpu.memory_space<hbm>>) dst(%arg8 : memref<128xi32, #tpu.memory_space<vmem>>)
        tpu.yield
      }) : () -> ()
      "tpu.region"() ({
        %run_scoped3A = tpu.sem_alloc : memref<!tpu.dma_semaphore, #tpu.memory_space<semaphore_mem>>
        %dma_start3A = arith.constant 0 : i32
        %dma_start3A_84 = arith.constant 0 : i32
        %dma_start3A_85 = tpu.memref_slice %arg11[%dma_start3A, %dma_start3A_84] : memref<10240x128xf32, #tpu.memory_space<vmem_shared>> -> memref<10240x128xf32, #tpu.memory_space<vmem_shared>>
        tpu.enqueue_indirect_dma source(%arg9 : memref<128x128xf32, #tpu.memory_space<vmem>>) target(%dma_start3A_85 : memref<10240x128xf32, #tpu.memory_space<vmem_shared>>) offsets(%arg8 : memref<128xi32, #tpu.memory_space<vmem>>) semaphore(%run_scoped3A : memref<!tpu.dma_semaphore, #tpu.memory_space<semaphore_mem>>) {add = true}
        %dma_wait3A = arith.constant 0 : i32
        %dma_wait3A_86 = arith.constant 0 : i32
        %dma_wait3A_87 = tpu.memref_slice %arg11[%dma_wait3A, %dma_wait3A_86] : memref<10240x128xf32, #tpu.memory_space<vmem_shared>> -> memref<10240x128xf32, #tpu.memory_space<vmem_shared>>
        tpu.wait_indirect_dma semaphore(%run_scoped3A : memref<!tpu.dma_semaphore, #tpu.memory_space<semaphore_mem>>) src(%arg9 : memref<128x128xf32, #tpu.memory_space<vmem>>) dst(%dma_wait3A_87 : memref<10240x128xf32, #tpu.memory_space<vmem_shared>>)
        tpu.yield
      }) : () -> ()
    }
    %scan3A_69 = arith.constant 3 : i32
    %barrier3A_70 = arith.constant 0 : index
    tpu.barrier barrier_id(%barrier3A_70)
    %mul3A_71 = arith.constant 168 : i32
    %mul3A_72 = arith.muli %arg1, %mul3A_71 : i32
    %scan3A_73 = arith.constant 0 : i32
    %scan3A_74 = arith.constant 3 : i32
    %scan3A_75 = arith.addi %scan3A_73, %scan3A_74 : i32
    %scan3A_76 = arith.constant 1 : i32
    scf.for %scan3A_78 = %scan3A_73 to %scan3A_75 step %scan3A_76  : i32 {
      %mul3A_79 = arith.constant 1 : i32
      %mul3A_80 = arith.muli %scan3A_78, %mul3A_79 : i32
      %add3A_81 = arith.constant 0 : i32
      %add3A_82 = arith.addi %add3A_81, %mul3A_80 : i32
      %mul3A_83 = arith.constant 56 : i32
      %mul3A_84 = arith.muli %add3A_82, %mul3A_83 : i32
      %add3A_85 = arith.addi %mul3A_72, %mul3A_84 : i32
      %multiple_of3A = tpu.assume_multiple %add3A_85, 8 : i32
      "tpu.region"() ({
        %run_scoped3A = tpu.sem_alloc : memref<!tpu.dma_semaphore, #tpu.memory_space<semaphore_mem>>
        %dma_start3A = arith.constant 0 : i32
        %dma_start3A_86 = tpu.memref_slice %arg7[%arg0, %multiple_of3A, %dma_start3A] : memref<2x2688x128xf32, #tpu.memory_space<hbm>> -> memref<1x56x128xf32, #tpu.memory_space<hbm>>
        %dma_start3A_87 = tpu.memref_squeeze %dma_start3A_86 : memref<1x56x128xf32, #tpu.memory_space<hbm>> -> memref<56x128xf32, #tpu.memory_space<hbm>>
        %dma_start3A_88 = arith.constant 0 : i32
        %dma_start3A_89 = tpu.memref_slice %arg11[%multiple_of3A, %dma_start3A_88] : memref<10240x128xf32, #tpu.memory_space<vmem_shared>> -> memref<56x128xf32, #tpu.memory_space<vmem_shared>>
        tpu.enqueue_dma source(%dma_start3A_89 : memref<56x128xf32, #tpu.memory_space<vmem_shared>>) target(%dma_start3A_87 : memref<56x128xf32, #tpu.memory_space<hbm>>) target_semaphore(%run_scoped3A : memref<!tpu.dma_semaphore, #tpu.memory_space<semaphore_mem>>)
        %dma_wait3A = arith.constant 0 : i32
        %dma_wait3A_90 = tpu.memref_slice %arg7[%arg0, %multiple_of3A, %dma_wait3A] : memref<2x2688x128xf32, #tpu.memory_space<hbm>> -> memref<1x56x128xf32, #tpu.memory_space<hbm>>
        %dma_wait3A_91 = tpu.memref_squeeze %dma_wait3A_90 : memref<1x56x128xf32, #tpu.memory_space<hbm>> -> memref<56x128xf32, #tpu.memory_space<hbm>>
        %dma_wait3A_92 = arith.constant 0 : i32
        %dma_wait3A_93 = tpu.memref_slice %arg11[%multiple_of3A, %dma_wait3A_92] : memref<10240x128xf32, #tpu.memory_space<vmem_shared>> -> memref<56x128xf32, #tpu.memory_space<vmem_shared>>
        tpu.wait_dma2 semaphore(%run_scoped3A : memref<!tpu.dma_semaphore, #tpu.memory_space<semaphore_mem>>) src(%dma_wait3A_93 : memref<56x128xf32, #tpu.memory_space<vmem_shared>>) dst(%dma_wait3A_91 : memref<56x128xf32, #tpu.memory_space<hbm>>)
        tpu.yield
      }) : () -> ()
    }
    %scan3A_77 = arith.constant 3 : i32
    return
  }
}

#map = affine_map<(d0, d1) -> (0, 0)>
#map1 = affine_map<(d0, d1) -> (0, 0, 0)>
module attributes {stable_mosaic.version = 14 : i64} {
  func.func @_sc_agg2(%arg0: i32, %arg1: i32, %arg2: memref<10000x128xf32, #tpu.memory_space<hbm>>, %arg3: memref<2528x128xi32, #tpu.memory_space<hbm>>, %arg4: memref<2528x128xi32, #tpu.memory_space<hbm>>, %arg5: memref<96x128xi32, #tpu.memory_space<hbm>>, %arg6: memref<96x128xi32, #tpu.memory_space<hbm>>, %arg7: memref<2x10240x128xf32, #tpu.memory_space<hbm>>, %arg8: memref<2x2688x128xf32, #tpu.memory_space<hbm>>, %arg9: memref<128xi32, #tpu.memory_space<vmem>>, %arg10: memref<128xi32, #tpu.memory_space<vmem>>, %arg11: memref<128x128xf32, #tpu.memory_space<vmem>>, %arg12: memref<128x128xf32, #tpu.memory_space<vmem>>, %arg13: memref<10240x128xf32, #tpu.memory_space<vmem_shared>>, %arg14: memref<!tpu.dma_semaphore, #tpu.memory_space<semaphore_mem>>) attributes {dimension_semantics = [#tpu.dimension_semantics<core_parallel>, #tpu.dimension_semantics<subcore_parallel>], iteration_bounds = array<i64: 2, 16>, scalar_prefetch = 0 : i64, scratch_operands = 6 : i64, tpu.core_type = #tpu.core_type<sc_vector_subcore>, window_params = [{transform_indices = #map}, {transform_indices = #map}, {transform_indices = #map}, {transform_indices = #map}, {transform_indices = #map}, {transform_indices = #map1}, {transform_indices = #map1}]} {
    %mul3A = arith.constant 2 : i32
    %mul3A_0 = arith.muli %arg1, %mul3A : i32
    %add3A = arith.addi %mul3A_0, %arg0 : i32
    %broadcast_in_dim3A = arith.constant 0.000000e+00 : f32
    %broadcast_in_dim3A_1 = vector.broadcast %broadcast_in_dim3A : f32 to vector<16xf32>
    %scan3A = arith.constant 0 : i32
    %scan3A_2 = arith.constant 128 : i32
    %scan3A_3 = arith.addi %scan3A, %scan3A_2 : i32
    %scan3A_4 = arith.constant 1 : i32
    scf.for %scan3A_52 = %scan3A to %scan3A_3 step %scan3A_4  : i32 {
      %mul3A_53 = arith.constant 1 : i32
      %mul3A_54 = arith.muli %scan3A_52, %mul3A_53 : i32
      %add3A_55 = arith.constant 0 : i32
      %add3A_56 = arith.addi %add3A_55, %mul3A_54 : i32
      %swap3A = arith.index_cast %add3A_56 : i32 to index
      %swap3A_57 = arith.constant 0 : index
      %swap3A_58 = tpu.vector_load %arg12[%swap3A, %swap3A_57] {strides = array<i32>} : memref<128x128xf32, #tpu.memory_space<vmem>>, vector<1x16xf32>,
      %swap3A_59 = vector.shape_cast %swap3A_58 : vector<1x16xf32> to vector<16xf32>
      %swap3A_60 = vector.shape_cast %broadcast_in_dim3A_1 : vector<16xf32> to vector<1x16xf32>
      tpu.vector_store %arg12[%swap3A, %swap3A_57], %swap3A_60 {strides = array<i32>} : memref<128x128xf32, #tpu.memory_space<vmem>>, vector<1x16xf32>,
      %swap3A_61 = arith.index_cast %add3A_56 : i32 to index
      %swap3A_62 = arith.constant 16 : index
      %swap3A_63 = tpu.vector_load %arg12[%swap3A_61, %swap3A_62] {strides = array<i32>} : memref<128x128xf32, #tpu.memory_space<vmem>>, vector<1x16xf32>,
      %swap3A_64 = vector.shape_cast %swap3A_63 : vector<1x16xf32> to vector<16xf32>
      %swap3A_65 = vector.shape_cast %broadcast_in_dim3A_1 : vector<16xf32> to vector<1x16xf32>
      tpu.vector_store %arg12[%swap3A_61, %swap3A_62], %swap3A_65 {strides = array<i32>} : memref<128x128xf32, #tpu.memory_space<vmem>>, vector<1x16xf32>,
      %swap3A_66 = arith.index_cast %add3A_56 : i32 to index
      %swap3A_67 = arith.constant 32 : index
      %swap3A_68 = tpu.vector_load %arg12[%swap3A_66, %swap3A_67] {strides = array<i32>} : memref<128x128xf32, #tpu.memory_space<vmem>>, vector<1x16xf32>,
      %swap3A_69 = vector.shape_cast %swap3A_68 : vector<1x16xf32> to vector<16xf32>
      %swap3A_70 = vector.shape_cast %broadcast_in_dim3A_1 : vector<16xf32> to vector<1x16xf32>
      tpu.vector_store %arg12[%swap3A_66, %swap3A_67], %swap3A_70 {strides = array<i32>} : memref<128x128xf32, #tpu.memory_space<vmem>>, vector<1x16xf32>,
      %swap3A_71 = arith.index_cast %add3A_56 : i32 to index
      %swap3A_72 = arith.constant 48 : index
      %swap3A_73 = tpu.vector_load %arg12[%swap3A_71, %swap3A_72] {strides = array<i32>} : memref<128x128xf32, #tpu.memory_space<vmem>>, vector<1x16xf32>,
      %swap3A_74 = vector.shape_cast %swap3A_73 : vector<1x16xf32> to vector<16xf32>
      %swap3A_75 = vector.shape_cast %broadcast_in_dim3A_1 : vector<16xf32> to vector<1x16xf32>
      tpu.vector_store %arg12[%swap3A_71, %swap3A_72], %swap3A_75 {strides = array<i32>} : memref<128x128xf32, #tpu.memory_space<vmem>>, vector<1x16xf32>,
      %swap3A_76 = arith.index_cast %add3A_56 : i32 to index
      %swap3A_77 = arith.constant 64 : index
      %swap3A_78 = tpu.vector_load %arg12[%swap3A_76, %swap3A_77] {strides = array<i32>} : memref<128x128xf32, #tpu.memory_space<vmem>>, vector<1x16xf32>,
      %swap3A_79 = vector.shape_cast %swap3A_78 : vector<1x16xf32> to vector<16xf32>
      %swap3A_80 = vector.shape_cast %broadcast_in_dim3A_1 : vector<16xf32> to vector<1x16xf32>
      tpu.vector_store %arg12[%swap3A_76, %swap3A_77], %swap3A_80 {strides = array<i32>} : memref<128x128xf32, #tpu.memory_space<vmem>>, vector<1x16xf32>,
      %swap3A_81 = arith.index_cast %add3A_56 : i32 to index
      %swap3A_82 = arith.constant 80 : index
      %swap3A_83 = tpu.vector_load %arg12[%swap3A_81, %swap3A_82] {strides = array<i32>} : memref<128x128xf32, #tpu.memory_space<vmem>>, vector<1x16xf32>,
      %swap3A_84 = vector.shape_cast %swap3A_83 : vector<1x16xf32> to vector<16xf32>
      %swap3A_85 = vector.shape_cast %broadcast_in_dim3A_1 : vector<16xf32> to vector<1x16xf32>
      tpu.vector_store %arg12[%swap3A_81, %swap3A_82], %swap3A_85 {strides = array<i32>} : memref<128x128xf32, #tpu.memory_space<vmem>>, vector<1x16xf32>,
      %swap3A_86 = arith.index_cast %add3A_56 : i32 to index
      %swap3A_87 = arith.constant 96 : index
      %swap3A_88 = tpu.vector_load %arg12[%swap3A_86, %swap3A_87] {strides = array<i32>} : memref<128x128xf32, #tpu.memory_space<vmem>>, vector<1x16xf32>,
      %swap3A_89 = vector.shape_cast %swap3A_88 : vector<1x16xf32> to vector<16xf32>
      %swap3A_90 = vector.shape_cast %broadcast_in_dim3A_1 : vector<16xf32> to vector<1x16xf32>
      tpu.vector_store %arg12[%swap3A_86, %swap3A_87], %swap3A_90 {strides = array<i32>} : memref<128x128xf32, #tpu.memory_space<vmem>>, vector<1x16xf32>,
      %swap3A_91 = arith.index_cast %add3A_56 : i32 to index
      %swap3A_92 = arith.constant 112 : index
      %swap3A_93 = tpu.vector_load %arg12[%swap3A_91, %swap3A_92] {strides = array<i32>} : memref<128x128xf32, #tpu.memory_space<vmem>>, vector<1x16xf32>,
      %swap3A_94 = vector.shape_cast %swap3A_93 : vector<1x16xf32> to vector<16xf32>
      %swap3A_95 = vector.shape_cast %broadcast_in_dim3A_1 : vector<16xf32> to vector<1x16xf32>
      tpu.vector_store %arg12[%swap3A_91, %swap3A_92], %swap3A_95 {strides = array<i32>} : memref<128x128xf32, #tpu.memory_space<vmem>>, vector<1x16xf32>,
    }
    %scan3A_5 = arith.constant 128 : i32
    %mul3A_6 = arith.constant 640 : i32
    %mul3A_7 = arith.muli %arg1, %mul3A_6 : i32
    %scan3A_8 = arith.constant 0 : i32
    %scan3A_9 = arith.constant 5 : i32
    %scan3A_10 = arith.addi %scan3A_8, %scan3A_9 : i32
    %scan3A_11 = arith.constant 1 : i32
    scf.for %scan3A_52 = %scan3A_8 to %scan3A_10 step %scan3A_11  : i32 {
      %mul3A_53 = arith.constant 1 : i32
      %mul3A_54 = arith.muli %scan3A_52, %mul3A_53 : i32
      %add3A_55 = arith.constant 0 : i32
      %add3A_56 = arith.addi %add3A_55, %mul3A_54 : i32
      %mul3A_57 = arith.constant 128 : i32
      %mul3A_58 = arith.muli %add3A_56, %mul3A_57 : i32
      %add3A_59 = arith.addi %mul3A_7, %mul3A_58 : i32
      %multiple_of3A = tpu.assume_multiple %add3A_59, 8 : i32
      "tpu.region"() ({
        %run_scoped3A = tpu.sem_alloc : memref<!tpu.dma_semaphore, #tpu.memory_space<semaphore_mem>>
        %dma_start3A = arith.constant 0 : i32
        %dma_start3A_60 = arith.constant 0 : i32
        %dma_start3A_61 = tpu.memref_slice %arg12[%dma_start3A, %dma_start3A_60] : memref<128x128xf32, #tpu.memory_space<vmem>> -> memref<128x128xf32, #tpu.memory_space<vmem>>
        %dma_start3A_62 = arith.constant 0 : i32
        %dma_start3A_63 = tpu.memref_slice %arg13[%multiple_of3A, %dma_start3A_62] : memref<10240x128xf32, #tpu.memory_space<vmem_shared>> -> memref<128x128xf32, #tpu.memory_space<vmem_shared>>
        %dma_start3A_64 = arith.constant 0 : i32
        %dma_start3A_65 = tpu.memref_slice %arg13[%multiple_of3A, %dma_start3A_64] : memref<10240x128xf32, #tpu.memory_space<vmem_shared>> -> memref<128x128xf32, #tpu.memory_space<vmem_shared>>
        %dma_start3A_66 = arith.constant 0 : i32
        %dma_start3A_67 = arith.constant 0 : i32
        %dma_start3A_68 = tpu.memref_slice %arg12[%dma_start3A_66, %dma_start3A_67] : memref<128x128xf32, #tpu.memory_space<vmem>> -> memref<128x128xf32, #tpu.memory_space<vmem>>
        tpu.enqueue_dma source(%dma_start3A_68 : memref<128x128xf32, #tpu.memory_space<vmem>>) target(%dma_start3A_65 : memref<128x128xf32, #tpu.memory_space<vmem_shared>>) target_semaphore(%run_scoped3A : memref<!tpu.dma_semaphore, #tpu.memory_space<semaphore_mem>>)
        %dma_wait3A = arith.constant 0 : i32
        %dma_wait3A_69 = arith.constant 0 : i32
        %dma_wait3A_70 = tpu.memref_slice %arg12[%dma_wait3A, %dma_wait3A_69] : memref<128x128xf32, #tpu.memory_space<vmem>> -> memref<128x128xf32, #tpu.memory_space<vmem>>
        %dma_wait3A_71 = arith.constant 0 : i32
        %dma_wait3A_72 = tpu.memref_slice %arg13[%multiple_of3A, %dma_wait3A_71] : memref<10240x128xf32, #tpu.memory_space<vmem_shared>> -> memref<128x128xf32, #tpu.memory_space<vmem_shared>>
        %dma_wait3A_73 = arith.constant 0 : i32
        %dma_wait3A_74 = tpu.memref_slice %arg13[%multiple_of3A, %dma_wait3A_73] : memref<10240x128xf32, #tpu.memory_space<vmem_shared>> -> memref<128x128xf32, #tpu.memory_space<vmem_shared>>
        %dma_wait3A_75 = arith.constant 0 : i32
        %dma_wait3A_76 = arith.constant 0 : i32
        %dma_wait3A_77 = tpu.memref_slice %arg12[%dma_wait3A_75, %dma_wait3A_76] : memref<128x128xf32, #tpu.memory_space<vmem>> -> memref<128x128xf32, #tpu.memory_space<vmem>>
        tpu.wait_dma2 semaphore(%run_scoped3A : memref<!tpu.dma_semaphore, #tpu.memory_space<semaphore_mem>>) src(%dma_wait3A_77 : memref<128x128xf32, #tpu.memory_space<vmem>>) dst(%dma_wait3A_74 : memref<128x128xf32, #tpu.memory_space<vmem_shared>>)
        tpu.yield
      }) : () -> ()
    }
    %scan3A_12 = arith.constant 5 : i32
    %barrier3A = arith.constant 0 : index
    tpu.barrier barrier_id(%barrier3A)
    %mul3A_13 = arith.constant 79 : i32
    %mul3A_14 = arith.muli %add3A, %mul3A_13 : i32
    %scan3A_15 = arith.constant 0 : i32
    %scan3A_16 = arith.constant 79 : i32
    %scan3A_17 = arith.addi %scan3A_15, %scan3A_16 : i32
    %scan3A_18 = arith.constant 1 : i32
    scf.for %scan3A_52 = %scan3A_15 to %scan3A_17 step %scan3A_18  : i32 {
      %mul3A_53 = arith.constant 1 : i32
      %mul3A_54 = arith.muli %scan3A_52, %mul3A_53 : i32
      %add3A_55 = arith.constant 0 : i32
      %add3A_56 = arith.addi %add3A_55, %mul3A_54 : i32
      %add3A_57 = arith.addi %mul3A_14, %add3A_56 : i32
      "tpu.region"() ({
        %run_scoped3A = tpu.sem_alloc : memref<!tpu.dma_semaphore, #tpu.memory_space<semaphore_mem>>
        %dma_start3A_62 = arith.constant 0 : i32
        %dma_start3A_63 = tpu.memref_slice %arg3[%add3A_57, %dma_start3A_62] : memref<2528x128xi32, #tpu.memory_space<hbm>> -> memref<1x128xi32, #tpu.memory_space<hbm>>
        %dma_start3A_64 = tpu.memref_squeeze %dma_start3A_63 : memref<1x128xi32, #tpu.memory_space<hbm>> -> memref<128xi32, #tpu.memory_space<hbm>>
        %dma_start3A_65 = arith.constant 0 : i32
        %dma_start3A_66 = tpu.memref_slice %arg3[%add3A_57, %dma_start3A_65] : memref<2528x128xi32, #tpu.memory_space<hbm>> -> memref<1x128xi32, #tpu.memory_space<hbm>>
        %dma_start3A_67 = tpu.memref_squeeze %dma_start3A_66 : memref<1x128xi32, #tpu.memory_space<hbm>> -> memref<128xi32, #tpu.memory_space<hbm>>
        tpu.enqueue_dma source(%dma_start3A_67 : memref<128xi32, #tpu.memory_space<hbm>>) target(%arg9 : memref<128xi32, #tpu.memory_space<vmem>>) target_semaphore(%run_scoped3A : memref<!tpu.dma_semaphore, #tpu.memory_space<semaphore_mem>>)
        %dma_wait3A_68 = arith.constant 0 : i32
        %dma_wait3A_69 = tpu.memref_slice %arg3[%add3A_57, %dma_wait3A_68] : memref<2528x128xi32, #tpu.memory_space<hbm>> -> memref<1x128xi32, #tpu.memory_space<hbm>>
        %dma_wait3A_70 = tpu.memref_squeeze %dma_wait3A_69 : memref<1x128xi32, #tpu.memory_space<hbm>> -> memref<128xi32, #tpu.memory_space<hbm>>
        %dma_wait3A_71 = arith.constant 0 : i32
        %dma_wait3A_72 = tpu.memref_slice %arg3[%add3A_57, %dma_wait3A_71] : memref<2528x128xi32, #tpu.memory_space<hbm>> -> memref<1x128xi32, #tpu.memory_space<hbm>>
        %dma_wait3A_73 = tpu.memref_squeeze %dma_wait3A_72 : memref<1x128xi32, #tpu.memory_space<hbm>> -> memref<128xi32, #tpu.memory_space<hbm>>
        tpu.wait_dma2 semaphore(%run_scoped3A : memref<!tpu.dma_semaphore, #tpu.memory_space<semaphore_mem>>) src(%dma_wait3A_73 : memref<128xi32, #tpu.memory_space<hbm>>) dst(%arg9 : memref<128xi32, #tpu.memory_space<vmem>>)
        tpu.yield
      }) : () -> ()
      "tpu.region"() ({
        %run_scoped3A = tpu.sem_alloc : memref<!tpu.dma_semaphore, #tpu.memory_space<semaphore_mem>>
        %dma_start3A_62 = arith.constant 0 : i32
        %dma_start3A_63 = tpu.memref_slice %arg4[%add3A_57, %dma_start3A_62] : memref<2528x128xi32, #tpu.memory_space<hbm>> -> memref<1x128xi32, #tpu.memory_space<hbm>>
        %dma_start3A_64 = tpu.memref_squeeze %dma_start3A_63 : memref<1x128xi32, #tpu.memory_space<hbm>> -> memref<128xi32, #tpu.memory_space<hbm>>
        %dma_start3A_65 = arith.constant 0 : i32
        %dma_start3A_66 = tpu.memref_slice %arg4[%add3A_57, %dma_start3A_65] : memref<2528x128xi32, #tpu.memory_space<hbm>> -> memref<1x128xi32, #tpu.memory_space<hbm>>
        %dma_start3A_67 = tpu.memref_squeeze %dma_start3A_66 : memref<1x128xi32, #tpu.memory_space<hbm>> -> memref<128xi32, #tpu.memory_space<hbm>>
        tpu.enqueue_dma source(%dma_start3A_67 : memref<128xi32, #tpu.memory_space<hbm>>) target(%arg10 : memref<128xi32, #tpu.memory_space<vmem>>) target_semaphore(%run_scoped3A : memref<!tpu.dma_semaphore, #tpu.memory_space<semaphore_mem>>)
        %dma_wait3A_68 = arith.constant 0 : i32
        %dma_wait3A_69 = tpu.memref_slice %arg4[%add3A_57, %dma_wait3A_68] : memref<2528x128xi32, #tpu.memory_space<hbm>> -> memref<1x128xi32, #tpu.memory_space<hbm>>
        %dma_wait3A_70 = tpu.memref_squeeze %dma_wait3A_69 : memref<1x128xi32, #tpu.memory_space<hbm>> -> memref<128xi32, #tpu.memory_space<hbm>>
        %dma_wait3A_71 = arith.constant 0 : i32
        %dma_wait3A_72 = tpu.memref_slice %arg4[%add3A_57, %dma_wait3A_71] : memref<2528x128xi32, #tpu.memory_space<hbm>> -> memref<1x128xi32, #tpu.memory_space<hbm>>
        %dma_wait3A_73 = tpu.memref_squeeze %dma_wait3A_72 : memref<1x128xi32, #tpu.memory_space<hbm>> -> memref<128xi32, #tpu.memory_space<hbm>>
        tpu.wait_dma2 semaphore(%run_scoped3A : memref<!tpu.dma_semaphore, #tpu.memory_space<semaphore_mem>>) src(%dma_wait3A_73 : memref<128xi32, #tpu.memory_space<hbm>>) dst(%arg10 : memref<128xi32, #tpu.memory_space<vmem>>)
        tpu.yield
      }) : () -> ()
      %dma_start3A = arith.constant 0 : i32
      %dma_start3A_58 = arith.constant 0 : i32
      %dma_start3A_59 = tpu.memref_slice %arg2[%dma_start3A, %dma_start3A_58] : memref<10000x128xf32, #tpu.memory_space<hbm>> -> memref<10000x128xf32, #tpu.memory_space<hbm>>
      tpu.enqueue_indirect_dma source(%dma_start3A_59 : memref<10000x128xf32, #tpu.memory_space<hbm>>) target(%arg11 : memref<128x128xf32, #tpu.memory_space<vmem>>) offsets(%arg9 : memref<128xi32, #tpu.memory_space<vmem>>) semaphore(%arg14 : memref<!tpu.dma_semaphore, #tpu.memory_space<semaphore_mem>>)
      %dma_wait3A = arith.constant 0 : i32
      %dma_wait3A_60 = arith.constant 0 : i32
      %dma_wait3A_61 = tpu.memref_slice %arg2[%dma_wait3A, %dma_wait3A_60] : memref<10000x128xf32, #tpu.memory_space<hbm>> -> memref<10000x128xf32, #tpu.memory_space<hbm>>
      tpu.wait_indirect_dma semaphore(%arg14 : memref<!tpu.dma_semaphore, #tpu.memory_space<semaphore_mem>>) src(%dma_wait3A_61 : memref<10000x128xf32, #tpu.memory_space<hbm>>) dst(%arg11 : memref<128x128xf32, #tpu.memory_space<vmem>>)
      "tpu.region"() ({
        %run_scoped3A = tpu.sem_alloc : memref<!tpu.dma_semaphore, #tpu.memory_space<semaphore_mem>>
        %dma_start3A_62 = arith.constant 0 : i32
        %dma_start3A_63 = arith.constant 0 : i32
        %dma_start3A_64 = tpu.memref_slice %arg13[%dma_start3A_62, %dma_start3A_63] : memref<10240x128xf32, #tpu.memory_space<vmem_shared>> -> memref<10240x128xf32, #tpu.memory_space<vmem_shared>>
        tpu.enqueue_indirect_dma source(%arg11 : memref<128x128xf32, #tpu.memory_space<vmem>>) target(%dma_start3A_64 : memref<10240x128xf32, #tpu.memory_space<vmem_shared>>) offsets(%arg10 : memref<128xi32, #tpu.memory_space<vmem>>) semaphore(%run_scoped3A : memref<!tpu.dma_semaphore, #tpu.memory_space<semaphore_mem>>) {add = true}
        %dma_wait3A_65 = arith.constant 0 : i32
        %dma_wait3A_66 = arith.constant 0 : i32
        %dma_wait3A_67 = tpu.memref_slice %arg13[%dma_wait3A_65, %dma_wait3A_66] : memref<10240x128xf32, #tpu.memory_space<vmem_shared>> -> memref<10240x128xf32, #tpu.memory_space<vmem_shared>>
        tpu.wait_indirect_dma semaphore(%run_scoped3A : memref<!tpu.dma_semaphore, #tpu.memory_space<semaphore_mem>>) src(%arg11 : memref<128x128xf32, #tpu.memory_space<vmem>>) dst(%dma_wait3A_67 : memref<10240x128xf32, #tpu.memory_space<vmem_shared>>)
        tpu.yield
      }) : () -> ()
    }
    %scan3A_19 = arith.constant 79 : i32
    %barrier3A_20 = arith.constant 0 : index
    tpu.barrier barrier_id(%barrier3A_20)
    %mul3A_21 = arith.constant 640 : i32
    %mul3A_22 = arith.muli %arg1, %mul3A_21 : i32
    %scan3A_23 = arith.constant 0 : i32
    %scan3A_24 = arith.constant 5 : i32
    %scan3A_25 = arith.addi %scan3A_23, %scan3A_24 : i32
    %scan3A_26 = arith.constant 1 : i32
    scf.for %scan3A_52 = %scan3A_23 to %scan3A_25 step %scan3A_26  : i32 {
      %mul3A_53 = arith.constant 1 : i32
      %mul3A_54 = arith.muli %scan3A_52, %mul3A_53 : i32
      %add3A_55 = arith.constant 0 : i32
      %add3A_56 = arith.addi %add3A_55, %mul3A_54 : i32
      %mul3A_57 = arith.constant 128 : i32
      %mul3A_58 = arith.muli %add3A_56, %mul3A_57 : i32
      %add3A_59 = arith.addi %mul3A_22, %mul3A_58 : i32
      %multiple_of3A = tpu.assume_multiple %add3A_59, 8 : i32
      "tpu.region"() ({
        %run_scoped3A = tpu.sem_alloc : memref<!tpu.dma_semaphore, #tpu.memory_space<semaphore_mem>>
        %dma_start3A = arith.constant 0 : i32
        %dma_start3A_60 = tpu.memref_slice %arg7[%arg0, %multiple_of3A, %dma_start3A] : memref<2x10240x128xf32, #tpu.memory_space<hbm>> -> memref<1x128x128xf32, #tpu.memory_space<hbm>>
        %dma_start3A_61 = tpu.memref_squeeze %dma_start3A_60 : memref<1x128x128xf32, #tpu.memory_space<hbm>> -> memref<128x128xf32, #tpu.memory_space<hbm>>
        %dma_start3A_62 = arith.constant 0 : i32
        %dma_start3A_63 = tpu.memref_slice %arg13[%multiple_of3A, %dma_start3A_62] : memref<10240x128xf32, #tpu.memory_space<vmem_shared>> -> memref<128x128xf32, #tpu.memory_space<vmem_shared>>
        tpu.enqueue_dma source(%dma_start3A_63 : memref<128x128xf32, #tpu.memory_space<vmem_shared>>) target(%dma_start3A_61 : memref<128x128xf32, #tpu.memory_space<hbm>>) target_semaphore(%run_scoped3A : memref<!tpu.dma_semaphore, #tpu.memory_space<semaphore_mem>>)
        %dma_wait3A = arith.constant 0 : i32
        %dma_wait3A_64 = tpu.memref_slice %arg7[%arg0, %multiple_of3A, %dma_wait3A] : memref<2x10240x128xf32, #tpu.memory_space<hbm>> -> memref<1x128x128xf32, #tpu.memory_space<hbm>>
        %dma_wait3A_65 = tpu.memref_squeeze %dma_wait3A_64 : memref<1x128x128xf32, #tpu.memory_space<hbm>> -> memref<128x128xf32, #tpu.memory_space<hbm>>
        %dma_wait3A_66 = arith.constant 0 : i32
        %dma_wait3A_67 = tpu.memref_slice %arg13[%multiple_of3A, %dma_wait3A_66] : memref<10240x128xf32, #tpu.memory_space<vmem_shared>> -> memref<128x128xf32, #tpu.memory_space<vmem_shared>>
        tpu.wait_dma2 semaphore(%run_scoped3A : memref<!tpu.dma_semaphore, #tpu.memory_space<semaphore_mem>>) src(%dma_wait3A_67 : memref<128x128xf32, #tpu.memory_space<vmem_shared>>) dst(%dma_wait3A_65 : memref<128x128xf32, #tpu.memory_space<hbm>>)
        tpu.yield
      }) : () -> ()
    }
    %scan3A_27 = arith.constant 5 : i32
    %barrier3A_28 = arith.constant 0 : index
    tpu.barrier barrier_id(%barrier3A_28)
    %mul3A_29 = arith.constant 168 : i32
    %mul3A_30 = arith.muli %arg1, %mul3A_29 : i32
    %scan3A_31 = arith.constant 0 : i32
    %scan3A_32 = arith.constant 3 : i32
    %scan3A_33 = arith.addi %scan3A_31, %scan3A_32 : i32
    %scan3A_34 = arith.constant 1 : i32
    scf.for %scan3A_52 = %scan3A_31 to %scan3A_33 step %scan3A_34  : i32 {
      %mul3A_53 = arith.constant 1 : i32
      %mul3A_54 = arith.muli %scan3A_52, %mul3A_53 : i32
      %add3A_55 = arith.constant 0 : i32
      %add3A_56 = arith.addi %add3A_55, %mul3A_54 : i32
      %mul3A_57 = arith.constant 56 : i32
      %mul3A_58 = arith.muli %add3A_56, %mul3A_57 : i32
      %add3A_59 = arith.addi %mul3A_30, %mul3A_58 : i32
      %multiple_of3A = tpu.assume_multiple %add3A_59, 8 : i32
      "tpu.region"() ({
        %run_scoped3A = tpu.sem_alloc : memref<!tpu.dma_semaphore, #tpu.memory_space<semaphore_mem>>
        %dma_start3A = arith.constant 0 : i32
        %dma_start3A_60 = arith.constant 0 : i32
        %dma_start3A_61 = tpu.memref_slice %arg12[%dma_start3A, %dma_start3A_60] : memref<128x128xf32, #tpu.memory_space<vmem>> -> memref<56x128xf32, #tpu.memory_space<vmem>>
        %dma_start3A_62 = arith.constant 0 : i32
        %dma_start3A_63 = tpu.memref_slice %arg13[%multiple_of3A, %dma_start3A_62] : memref<10240x128xf32, #tpu.memory_space<vmem_shared>> -> memref<56x128xf32, #tpu.memory_space<vmem_shared>>
        %dma_start3A_64 = arith.constant 0 : i32
        %dma_start3A_65 = tpu.memref_slice %arg13[%multiple_of3A, %dma_start3A_64] : memref<10240x128xf32, #tpu.memory_space<vmem_shared>> -> memref<56x128xf32, #tpu.memory_space<vmem_shared>>
        %dma_start3A_66 = arith.constant 0 : i32
        %dma_start3A_67 = arith.constant 0 : i32
        %dma_start3A_68 = tpu.memref_slice %arg12[%dma_start3A_66, %dma_start3A_67] : memref<128x128xf32, #tpu.memory_space<vmem>> -> memref<56x128xf32, #tpu.memory_space<vmem>>
        tpu.enqueue_dma source(%dma_start3A_68 : memref<56x128xf32, #tpu.memory_space<vmem>>) target(%dma_start3A_65 : memref<56x128xf32, #tpu.memory_space<vmem_shared>>) target_semaphore(%run_scoped3A : memref<!tpu.dma_semaphore, #tpu.memory_space<semaphore_mem>>)
        %dma_wait3A = arith.constant 0 : i32
        %dma_wait3A_69 = arith.constant 0 : i32
        %dma_wait3A_70 = tpu.memref_slice %arg12[%dma_wait3A, %dma_wait3A_69] : memref<128x128xf32, #tpu.memory_space<vmem>> -> memref<56x128xf32, #tpu.memory_space<vmem>>
        %dma_wait3A_71 = arith.constant 0 : i32
        %dma_wait3A_72 = tpu.memref_slice %arg13[%multiple_of3A, %dma_wait3A_71] : memref<10240x128xf32, #tpu.memory_space<vmem_shared>> -> memref<56x128xf32, #tpu.memory_space<vmem_shared>>
        %dma_wait3A_73 = arith.constant 0 : i32
        %dma_wait3A_74 = tpu.memref_slice %arg13[%multiple_of3A, %dma_wait3A_73] : memref<10240x128xf32, #tpu.memory_space<vmem_shared>> -> memref<56x128xf32, #tpu.memory_space<vmem_shared>>
        %dma_wait3A_75 = arith.constant 0 : i32
        %dma_wait3A_76 = arith.constant 0 : i32
        %dma_wait3A_77 = tpu.memref_slice %arg12[%dma_wait3A_75, %dma_wait3A_76] : memref<128x128xf32, #tpu.memory_space<vmem>> -> memref<56x128xf32, #tpu.memory_space<vmem>>
        tpu.wait_dma2 semaphore(%run_scoped3A : memref<!tpu.dma_semaphore, #tpu.memory_space<semaphore_mem>>) src(%dma_wait3A_77 : memref<56x128xf32, #tpu.memory_space<vmem>>) dst(%dma_wait3A_74 : memref<56x128xf32, #tpu.memory_space<vmem_shared>>)
        tpu.yield
      }) : () -> ()
    }
    %scan3A_35 = arith.constant 3 : i32
    %barrier3A_36 = arith.constant 0 : index
    tpu.barrier barrier_id(%barrier3A_36)
    %mul3A_37 = arith.constant 3 : i32
    %mul3A_38 = arith.muli %add3A, %mul3A_37 : i32
    %scan3A_39 = arith.constant 0 : i32
    %scan3A_40 = arith.constant 3 : i32
    %scan3A_41 = arith.addi %scan3A_39, %scan3A_40 : i32
    %scan3A_42 = arith.constant 1 : i32
    scf.for %scan3A_52 = %scan3A_39 to %scan3A_41 step %scan3A_42  : i32 {
      %mul3A_53 = arith.constant 1 : i32
      %mul3A_54 = arith.muli %scan3A_52, %mul3A_53 : i32
      %add3A_55 = arith.constant 0 : i32
      %add3A_56 = arith.addi %add3A_55, %mul3A_54 : i32
      %add3A_57 = arith.addi %mul3A_38, %add3A_56 : i32
      "tpu.region"() ({
        %run_scoped3A = tpu.sem_alloc : memref<!tpu.dma_semaphore, #tpu.memory_space<semaphore_mem>>
        %dma_start3A_62 = arith.constant 0 : i32
        %dma_start3A_63 = tpu.memref_slice %arg5[%add3A_57, %dma_start3A_62] : memref<96x128xi32, #tpu.memory_space<hbm>> -> memref<1x128xi32, #tpu.memory_space<hbm>>
        %dma_start3A_64 = tpu.memref_squeeze %dma_start3A_63 : memref<1x128xi32, #tpu.memory_space<hbm>> -> memref<128xi32, #tpu.memory_space<hbm>>
        %dma_start3A_65 = arith.constant 0 : i32
        %dma_start3A_66 = tpu.memref_slice %arg5[%add3A_57, %dma_start3A_65] : memref<96x128xi32, #tpu.memory_space<hbm>> -> memref<1x128xi32, #tpu.memory_space<hbm>>
        %dma_start3A_67 = tpu.memref_squeeze %dma_start3A_66 : memref<1x128xi32, #tpu.memory_space<hbm>> -> memref<128xi32, #tpu.memory_space<hbm>>
        tpu.enqueue_dma source(%dma_start3A_67 : memref<128xi32, #tpu.memory_space<hbm>>) target(%arg9 : memref<128xi32, #tpu.memory_space<vmem>>) target_semaphore(%run_scoped3A : memref<!tpu.dma_semaphore, #tpu.memory_space<semaphore_mem>>)
        %dma_wait3A_68 = arith.constant 0 : i32
        %dma_wait3A_69 = tpu.memref_slice %arg5[%add3A_57, %dma_wait3A_68] : memref<96x128xi32, #tpu.memory_space<hbm>> -> memref<1x128xi32, #tpu.memory_space<hbm>>
        %dma_wait3A_70 = tpu.memref_squeeze %dma_wait3A_69 : memref<1x128xi32, #tpu.memory_space<hbm>> -> memref<128xi32, #tpu.memory_space<hbm>>
        %dma_wait3A_71 = arith.constant 0 : i32
        %dma_wait3A_72 = tpu.memref_slice %arg5[%add3A_57, %dma_wait3A_71] : memref<96x128xi32, #tpu.memory_space<hbm>> -> memref<1x128xi32, #tpu.memory_space<hbm>>
        %dma_wait3A_73 = tpu.memref_squeeze %dma_wait3A_72 : memref<1x128xi32, #tpu.memory_space<hbm>> -> memref<128xi32, #tpu.memory_space<hbm>>
        tpu.wait_dma2 semaphore(%run_scoped3A : memref<!tpu.dma_semaphore, #tpu.memory_space<semaphore_mem>>) src(%dma_wait3A_73 : memref<128xi32, #tpu.memory_space<hbm>>) dst(%arg9 : memref<128xi32, #tpu.memory_space<vmem>>)
        tpu.yield
      }) : () -> ()
      "tpu.region"() ({
        %run_scoped3A = tpu.sem_alloc : memref<!tpu.dma_semaphore, #tpu.memory_space<semaphore_mem>>
        %dma_start3A_62 = arith.constant 0 : i32
        %dma_start3A_63 = tpu.memref_slice %arg6[%add3A_57, %dma_start3A_62] : memref<96x128xi32, #tpu.memory_space<hbm>> -> memref<1x128xi32, #tpu.memory_space<hbm>>
        %dma_start3A_64 = tpu.memref_squeeze %dma_start3A_63 : memref<1x128xi32, #tpu.memory_space<hbm>> -> memref<128xi32, #tpu.memory_space<hbm>>
        %dma_start3A_65 = arith.constant 0 : i32
        %dma_start3A_66 = tpu.memref_slice %arg6[%add3A_57, %dma_start3A_65] : memref<96x128xi32, #tpu.memory_space<hbm>> -> memref<1x128xi32, #tpu.memory_space<hbm>>
        %dma_start3A_67 = tpu.memref_squeeze %dma_start3A_66 : memref<1x128xi32, #tpu.memory_space<hbm>> -> memref<128xi32, #tpu.memory_space<hbm>>
        tpu.enqueue_dma source(%dma_start3A_67 : memref<128xi32, #tpu.memory_space<hbm>>) target(%arg10 : memref<128xi32, #tpu.memory_space<vmem>>) target_semaphore(%run_scoped3A : memref<!tpu.dma_semaphore, #tpu.memory_space<semaphore_mem>>)
        %dma_wait3A_68 = arith.constant 0 : i32
        %dma_wait3A_69 = tpu.memref_slice %arg6[%add3A_57, %dma_wait3A_68] : memref<96x128xi32, #tpu.memory_space<hbm>> -> memref<1x128xi32, #tpu.memory_space<hbm>>
        %dma_wait3A_70 = tpu.memref_squeeze %dma_wait3A_69 : memref<1x128xi32, #tpu.memory_space<hbm>> -> memref<128xi32, #tpu.memory_space<hbm>>
        %dma_wait3A_71 = arith.constant 0 : i32
        %dma_wait3A_72 = tpu.memref_slice %arg6[%add3A_57, %dma_wait3A_71] : memref<96x128xi32, #tpu.memory_space<hbm>> -> memref<1x128xi32, #tpu.memory_space<hbm>>
        %dma_wait3A_73 = tpu.memref_squeeze %dma_wait3A_72 : memref<1x128xi32, #tpu.memory_space<hbm>> -> memref<128xi32, #tpu.memory_space<hbm>>
        tpu.wait_dma2 semaphore(%run_scoped3A : memref<!tpu.dma_semaphore, #tpu.memory_space<semaphore_mem>>) src(%dma_wait3A_73 : memref<128xi32, #tpu.memory_space<hbm>>) dst(%arg10 : memref<128xi32, #tpu.memory_space<vmem>>)
        tpu.yield
      }) : () -> ()
      %dma_start3A = arith.constant 0 : i32
      %dma_start3A_58 = arith.constant 0 : i32
      %dma_start3A_59 = tpu.memref_slice %arg2[%dma_start3A, %dma_start3A_58] : memref<10000x128xf32, #tpu.memory_space<hbm>> -> memref<10000x128xf32, #tpu.memory_space<hbm>>
      tpu.enqueue_indirect_dma source(%dma_start3A_59 : memref<10000x128xf32, #tpu.memory_space<hbm>>) target(%arg11 : memref<128x128xf32, #tpu.memory_space<vmem>>) offsets(%arg9 : memref<128xi32, #tpu.memory_space<vmem>>) semaphore(%arg14 : memref<!tpu.dma_semaphore, #tpu.memory_space<semaphore_mem>>)
      %dma_wait3A = arith.constant 0 : i32
      %dma_wait3A_60 = arith.constant 0 : i32
      %dma_wait3A_61 = tpu.memref_slice %arg2[%dma_wait3A, %dma_wait3A_60] : memref<10000x128xf32, #tpu.memory_space<hbm>> -> memref<10000x128xf32, #tpu.memory_space<hbm>>
      tpu.wait_indirect_dma semaphore(%arg14 : memref<!tpu.dma_semaphore, #tpu.memory_space<semaphore_mem>>) src(%dma_wait3A_61 : memref<10000x128xf32, #tpu.memory_space<hbm>>) dst(%arg11 : memref<128x128xf32, #tpu.memory_space<vmem>>)
      "tpu.region"() ({
        %run_scoped3A = tpu.sem_alloc : memref<!tpu.dma_semaphore, #tpu.memory_space<semaphore_mem>>
        %dma_start3A_62 = arith.constant 0 : i32
        %dma_start3A_63 = arith.constant 0 : i32
        %dma_start3A_64 = tpu.memref_slice %arg13[%dma_start3A_62, %dma_start3A_63] : memref<10240x128xf32, #tpu.memory_space<vmem_shared>> -> memref<10240x128xf32, #tpu.memory_space<vmem_shared>>
        tpu.enqueue_indirect_dma source(%arg11 : memref<128x128xf32, #tpu.memory_space<vmem>>) target(%dma_start3A_64 : memref<10240x128xf32, #tpu.memory_space<vmem_shared>>) offsets(%arg10 : memref<128xi32, #tpu.memory_space<vmem>>) semaphore(%run_scoped3A : memref<!tpu.dma_semaphore, #tpu.memory_space<semaphore_mem>>) {add = true}
        %dma_wait3A_65 = arith.constant 0 : i32
        %dma_wait3A_66 = arith.constant 0 : i32
        %dma_wait3A_67 = tpu.memref_slice %arg13[%dma_wait3A_65, %dma_wait3A_66] : memref<10240x128xf32, #tpu.memory_space<vmem_shared>> -> memref<10240x128xf32, #tpu.memory_space<vmem_shared>>
        tpu.wait_indirect_dma semaphore(%run_scoped3A : memref<!tpu.dma_semaphore, #tpu.memory_space<semaphore_mem>>) src(%arg11 : memref<128x128xf32, #tpu.memory_space<vmem>>) dst(%dma_wait3A_67 : memref<10240x128xf32, #tpu.memory_space<vmem_shared>>)
        tpu.yield
      }) : () -> ()
    }
    %scan3A_43 = arith.constant 3 : i32
    %barrier3A_44 = arith.constant 0 : index
    tpu.barrier barrier_id(%barrier3A_44)
    %mul3A_45 = arith.constant 168 : i32
    %mul3A_46 = arith.muli %arg1, %mul3A_45 : i32
    %scan3A_47 = arith.constant 0 : i32
    %scan3A_48 = arith.constant 3 : i32
    %scan3A_49 = arith.addi %scan3A_47, %scan3A_48 : i32
    %scan3A_50 = arith.constant 1 : i32
    scf.for %scan3A_52 = %scan3A_47 to %scan3A_49 step %scan3A_50  : i32 {
      %mul3A_53 = arith.constant 1 : i32
      %mul3A_54 = arith.muli %scan3A_52, %mul3A_53 : i32
      %add3A_55 = arith.constant 0 : i32
      %add3A_56 = arith.addi %add3A_55, %mul3A_54 : i32
      %mul3A_57 = arith.constant 56 : i32
      %mul3A_58 = arith.muli %add3A_56, %mul3A_57 : i32
      %add3A_59 = arith.addi %mul3A_46, %mul3A_58 : i32
      %multiple_of3A = tpu.assume_multiple %add3A_59, 8 : i32
      "tpu.region"() ({
        %run_scoped3A = tpu.sem_alloc : memref<!tpu.dma_semaphore, #tpu.memory_space<semaphore_mem>>
        %dma_start3A = arith.constant 0 : i32
        %dma_start3A_60 = tpu.memref_slice %arg8[%arg0, %multiple_of3A, %dma_start3A] : memref<2x2688x128xf32, #tpu.memory_space<hbm>> -> memref<1x56x128xf32, #tpu.memory_space<hbm>>
        %dma_start3A_61 = tpu.memref_squeeze %dma_start3A_60 : memref<1x56x128xf32, #tpu.memory_space<hbm>> -> memref<56x128xf32, #tpu.memory_space<hbm>>
        %dma_start3A_62 = arith.constant 0 : i32
        %dma_start3A_63 = tpu.memref_slice %arg13[%multiple_of3A, %dma_start3A_62] : memref<10240x128xf32, #tpu.memory_space<vmem_shared>> -> memref<56x128xf32, #tpu.memory_space<vmem_shared>>
        tpu.enqueue_dma source(%dma_start3A_63 : memref<56x128xf32, #tpu.memory_space<vmem_shared>>) target(%dma_start3A_61 : memref<56x128xf32, #tpu.memory_space<hbm>>) target_semaphore(%run_scoped3A : memref<!tpu.dma_semaphore, #tpu.memory_space<semaphore_mem>>)
        %dma_wait3A = arith.constant 0 : i32
        %dma_wait3A_64 = tpu.memref_slice %arg8[%arg0, %multiple_of3A, %dma_wait3A] : memref<2x2688x128xf32, #tpu.memory_space<hbm>> -> memref<1x56x128xf32, #tpu.memory_space<hbm>>
        %dma_wait3A_65 = tpu.memref_squeeze %dma_wait3A_64 : memref<1x56x128xf32, #tpu.memory_space<hbm>> -> memref<56x128xf32, #tpu.memory_space<hbm>>
        %dma_wait3A_66 = arith.constant 0 : i32
        %dma_wait3A_67 = tpu.memref_slice %arg13[%multiple_of3A, %dma_wait3A_66] : memref<10240x128xf32, #tpu.memory_space<vmem_shared>> -> memref<56x128xf32, #tpu.memory_space<vmem_shared>>
        tpu.wait_dma2 semaphore(%run_scoped3A : memref<!tpu.dma_semaphore, #tpu.memory_space<semaphore_mem>>) src(%dma_wait3A_67 : memref<56x128xf32, #tpu.memory_space<vmem_shared>>) dst(%dma_wait3A_65 : memref<56x128xf32, #tpu.memory_space<hbm>>)
        tpu.yield
      }) : () -> ()
    }
    %scan3A_51 = arith.constant 3 : i32
    return
  }
}

#map = affine_map<(d0, d1) -> (0, 0)>
#map1 = affine_map<(d0, d1) -> (0, 0, 0)>
module attributes {stable_mosaic.version = 14 : i64} {
  func.func @_sc_agg_wp(%arg0: i32, %arg1: i32, %arg2: memref<53248x128xf32, #tpu.memory_space<hbm>>, %arg3: memref<10000x128xf32, #tpu.memory_space<hbm>>, %arg4: memref<1280x128xi32, #tpu.memory_space<hbm>>, %arg5: memref<1280x128xi32, #tpu.memory_space<hbm>>, %arg6: memref<96x128xi32, #tpu.memory_space<hbm>>, %arg7: memref<96x128xi32, #tpu.memory_space<hbm>>, %arg8: memref<2x10240x128xf32, #tpu.memory_space<hbm>>, %arg9: memref<2x2688x128xf32, #tpu.memory_space<hbm>>, %arg10: memref<128xi32, #tpu.memory_space<vmem>>, %arg11: memref<128xi32, #tpu.memory_space<vmem>>, %arg12: memref<128x128xf32, #tpu.memory_space<vmem>>, %arg13: memref<128x128xf32, #tpu.memory_space<vmem>>, %arg14: memref<10240x128xf32, #tpu.memory_space<vmem_shared>>, %arg15: memref<!tpu.dma_semaphore, #tpu.memory_space<semaphore_mem>>) attributes {dimension_semantics = [#tpu.dimension_semantics<core_parallel>, #tpu.dimension_semantics<subcore_parallel>], iteration_bounds = array<i64: 2, 16>, scalar_prefetch = 0 : i64, scratch_operands = 6 : i64, tpu.core_type = #tpu.core_type<sc_vector_subcore>, window_params = [{transform_indices = #map}, {transform_indices = #map}, {transform_indices = #map}, {transform_indices = #map}, {transform_indices = #map}, {transform_indices = #map}, {transform_indices = #map1}, {transform_indices = #map1}]} {
    %mul3A = arith.constant 2 : i32
    %mul3A_0 = arith.muli %arg1, %mul3A : i32
    %add3A = arith.addi %mul3A_0, %arg0 : i32
    %broadcast_in_dim3A = arith.constant 0.000000e+00 : f32
    %broadcast_in_dim3A_1 = vector.broadcast %broadcast_in_dim3A : f32 to vector<16xf32>
    %scan3A = arith.constant 0 : i32
    %scan3A_2 = arith.constant 128 : i32
    %scan3A_3 = arith.addi %scan3A, %scan3A_2 : i32
    %scan3A_4 = arith.constant 1 : i32
    scf.for %scan3A_52 = %scan3A to %scan3A_3 step %scan3A_4  : i32 {
      %mul3A_53 = arith.constant 1 : i32
      %mul3A_54 = arith.muli %scan3A_52, %mul3A_53 : i32
      %add3A_55 = arith.constant 0 : i32
      %add3A_56 = arith.addi %add3A_55, %mul3A_54 : i32
      %swap3A = arith.index_cast %add3A_56 : i32 to index
      %swap3A_57 = arith.constant 0 : index
      %swap3A_58 = tpu.vector_load %arg13[%swap3A, %swap3A_57] {strides = array<i32>} : memref<128x128xf32, #tpu.memory_space<vmem>>, vector<1x16xf32>,
      %swap3A_59 = vector.shape_cast %swap3A_58 : vector<1x16xf32> to vector<16xf32>
      %swap3A_60 = vector.shape_cast %broadcast_in_dim3A_1 : vector<16xf32> to vector<1x16xf32>
      tpu.vector_store %arg13[%swap3A, %swap3A_57], %swap3A_60 {strides = array<i32>} : memref<128x128xf32, #tpu.memory_space<vmem>>, vector<1x16xf32>,
      %swap3A_61 = arith.index_cast %add3A_56 : i32 to index
      %swap3A_62 = arith.constant 16 : index
      %swap3A_63 = tpu.vector_load %arg13[%swap3A_61, %swap3A_62] {strides = array<i32>} : memref<128x128xf32, #tpu.memory_space<vmem>>, vector<1x16xf32>,
      %swap3A_64 = vector.shape_cast %swap3A_63 : vector<1x16xf32> to vector<16xf32>
      %swap3A_65 = vector.shape_cast %broadcast_in_dim3A_1 : vector<16xf32> to vector<1x16xf32>
      tpu.vector_store %arg13[%swap3A_61, %swap3A_62], %swap3A_65 {strides = array<i32>} : memref<128x128xf32, #tpu.memory_space<vmem>>, vector<1x16xf32>,
      %swap3A_66 = arith.index_cast %add3A_56 : i32 to index
      %swap3A_67 = arith.constant 32 : index
      %swap3A_68 = tpu.vector_load %arg13[%swap3A_66, %swap3A_67] {strides = array<i32>} : memref<128x128xf32, #tpu.memory_space<vmem>>, vector<1x16xf32>,
      %swap3A_69 = vector.shape_cast %swap3A_68 : vector<1x16xf32> to vector<16xf32>
      %swap3A_70 = vector.shape_cast %broadcast_in_dim3A_1 : vector<16xf32> to vector<1x16xf32>
      tpu.vector_store %arg13[%swap3A_66, %swap3A_67], %swap3A_70 {strides = array<i32>} : memref<128x128xf32, #tpu.memory_space<vmem>>, vector<1x16xf32>,
      %swap3A_71 = arith.index_cast %add3A_56 : i32 to index
      %swap3A_72 = arith.constant 48 : index
      %swap3A_73 = tpu.vector_load %arg13[%swap3A_71, %swap3A_72] {strides = array<i32>} : memref<128x128xf32, #tpu.memory_space<vmem>>, vector<1x16xf32>,
      %swap3A_74 = vector.shape_cast %swap3A_73 : vector<1x16xf32> to vector<16xf32>
      %swap3A_75 = vector.shape_cast %broadcast_in_dim3A_1 : vector<16xf32> to vector<1x16xf32>
      tpu.vector_store %arg13[%swap3A_71, %swap3A_72], %swap3A_75 {strides = array<i32>} : memref<128x128xf32, #tpu.memory_space<vmem>>, vector<1x16xf32>,
      %swap3A_76 = arith.index_cast %add3A_56 : i32 to index
      %swap3A_77 = arith.constant 64 : index
      %swap3A_78 = tpu.vector_load %arg13[%swap3A_76, %swap3A_77] {strides = array<i32>} : memref<128x128xf32, #tpu.memory_space<vmem>>, vector<1x16xf32>,
      %swap3A_79 = vector.shape_cast %swap3A_78 : vector<1x16xf32> to vector<16xf32>
      %swap3A_80 = vector.shape_cast %broadcast_in_dim3A_1 : vector<16xf32> to vector<1x16xf32>
      tpu.vector_store %arg13[%swap3A_76, %swap3A_77], %swap3A_80 {strides = array<i32>} : memref<128x128xf32, #tpu.memory_space<vmem>>, vector<1x16xf32>,
      %swap3A_81 = arith.index_cast %add3A_56 : i32 to index
      %swap3A_82 = arith.constant 80 : index
      %swap3A_83 = tpu.vector_load %arg13[%swap3A_81, %swap3A_82] {strides = array<i32>} : memref<128x128xf32, #tpu.memory_space<vmem>>, vector<1x16xf32>,
      %swap3A_84 = vector.shape_cast %swap3A_83 : vector<1x16xf32> to vector<16xf32>
      %swap3A_85 = vector.shape_cast %broadcast_in_dim3A_1 : vector<16xf32> to vector<1x16xf32>
      tpu.vector_store %arg13[%swap3A_81, %swap3A_82], %swap3A_85 {strides = array<i32>} : memref<128x128xf32, #tpu.memory_space<vmem>>, vector<1x16xf32>,
      %swap3A_86 = arith.index_cast %add3A_56 : i32 to index
      %swap3A_87 = arith.constant 96 : index
      %swap3A_88 = tpu.vector_load %arg13[%swap3A_86, %swap3A_87] {strides = array<i32>} : memref<128x128xf32, #tpu.memory_space<vmem>>, vector<1x16xf32>,
      %swap3A_89 = vector.shape_cast %swap3A_88 : vector<1x16xf32> to vector<16xf32>
      %swap3A_90 = vector.shape_cast %broadcast_in_dim3A_1 : vector<16xf32> to vector<1x16xf32>
      tpu.vector_store %arg13[%swap3A_86, %swap3A_87], %swap3A_90 {strides = array<i32>} : memref<128x128xf32, #tpu.memory_space<vmem>>, vector<1x16xf32>,
      %swap3A_91 = arith.index_cast %add3A_56 : i32 to index
      %swap3A_92 = arith.constant 112 : index
      %swap3A_93 = tpu.vector_load %arg13[%swap3A_91, %swap3A_92] {strides = array<i32>} : memref<128x128xf32, #tpu.memory_space<vmem>>, vector<1x16xf32>,
      %swap3A_94 = vector.shape_cast %swap3A_93 : vector<1x16xf32> to vector<16xf32>
      %swap3A_95 = vector.shape_cast %broadcast_in_dim3A_1 : vector<16xf32> to vector<1x16xf32>
      tpu.vector_store %arg13[%swap3A_91, %swap3A_92], %swap3A_95 {strides = array<i32>} : memref<128x128xf32, #tpu.memory_space<vmem>>, vector<1x16xf32>,
    }
    %scan3A_5 = arith.constant 128 : i32
    %mul3A_6 = arith.constant 640 : i32
    %mul3A_7 = arith.muli %arg1, %mul3A_6 : i32
    %scan3A_8 = arith.constant 0 : i32
    %scan3A_9 = arith.constant 5 : i32
    %scan3A_10 = arith.addi %scan3A_8, %scan3A_9 : i32
    %scan3A_11 = arith.constant 1 : i32
    scf.for %scan3A_52 = %scan3A_8 to %scan3A_10 step %scan3A_11  : i32 {
      %mul3A_53 = arith.constant 1 : i32
      %mul3A_54 = arith.muli %scan3A_52, %mul3A_53 : i32
      %add3A_55 = arith.constant 0 : i32
      %add3A_56 = arith.addi %add3A_55, %mul3A_54 : i32
      %mul3A_57 = arith.constant 128 : i32
      %mul3A_58 = arith.muli %add3A_56, %mul3A_57 : i32
      %add3A_59 = arith.addi %mul3A_7, %mul3A_58 : i32
      %multiple_of3A = tpu.assume_multiple %add3A_59, 8 : i32
      "tpu.region"() ({
        %run_scoped3A = tpu.sem_alloc : memref<!tpu.dma_semaphore, #tpu.memory_space<semaphore_mem>>
        %dma_start3A = arith.constant 0 : i32
        %dma_start3A_60 = arith.constant 0 : i32
        %dma_start3A_61 = tpu.memref_slice %arg13[%dma_start3A, %dma_start3A_60] : memref<128x128xf32, #tpu.memory_space<vmem>> -> memref<128x128xf32, #tpu.memory_space<vmem>>
        %dma_start3A_62 = arith.constant 0 : i32
        %dma_start3A_63 = tpu.memref_slice %arg14[%multiple_of3A, %dma_start3A_62] : memref<10240x128xf32, #tpu.memory_space<vmem_shared>> -> memref<128x128xf32, #tpu.memory_space<vmem_shared>>
        %dma_start3A_64 = arith.constant 0 : i32
        %dma_start3A_65 = tpu.memref_slice %arg14[%multiple_of3A, %dma_start3A_64] : memref<10240x128xf32, #tpu.memory_space<vmem_shared>> -> memref<128x128xf32, #tpu.memory_space<vmem_shared>>
        %dma_start3A_66 = arith.constant 0 : i32
        %dma_start3A_67 = arith.constant 0 : i32
        %dma_start3A_68 = tpu.memref_slice %arg13[%dma_start3A_66, %dma_start3A_67] : memref<128x128xf32, #tpu.memory_space<vmem>> -> memref<128x128xf32, #tpu.memory_space<vmem>>
        tpu.enqueue_dma source(%dma_start3A_68 : memref<128x128xf32, #tpu.memory_space<vmem>>) target(%dma_start3A_65 : memref<128x128xf32, #tpu.memory_space<vmem_shared>>) target_semaphore(%run_scoped3A : memref<!tpu.dma_semaphore, #tpu.memory_space<semaphore_mem>>)
        %dma_wait3A = arith.constant 0 : i32
        %dma_wait3A_69 = arith.constant 0 : i32
        %dma_wait3A_70 = tpu.memref_slice %arg13[%dma_wait3A, %dma_wait3A_69] : memref<128x128xf32, #tpu.memory_space<vmem>> -> memref<128x128xf32, #tpu.memory_space<vmem>>
        %dma_wait3A_71 = arith.constant 0 : i32
        %dma_wait3A_72 = tpu.memref_slice %arg14[%multiple_of3A, %dma_wait3A_71] : memref<10240x128xf32, #tpu.memory_space<vmem_shared>> -> memref<128x128xf32, #tpu.memory_space<vmem_shared>>
        %dma_wait3A_73 = arith.constant 0 : i32
        %dma_wait3A_74 = tpu.memref_slice %arg14[%multiple_of3A, %dma_wait3A_73] : memref<10240x128xf32, #tpu.memory_space<vmem_shared>> -> memref<128x128xf32, #tpu.memory_space<vmem_shared>>
        %dma_wait3A_75 = arith.constant 0 : i32
        %dma_wait3A_76 = arith.constant 0 : i32
        %dma_wait3A_77 = tpu.memref_slice %arg13[%dma_wait3A_75, %dma_wait3A_76] : memref<128x128xf32, #tpu.memory_space<vmem>> -> memref<128x128xf32, #tpu.memory_space<vmem>>
        tpu.wait_dma2 semaphore(%run_scoped3A : memref<!tpu.dma_semaphore, #tpu.memory_space<semaphore_mem>>) src(%dma_wait3A_77 : memref<128x128xf32, #tpu.memory_space<vmem>>) dst(%dma_wait3A_74 : memref<128x128xf32, #tpu.memory_space<vmem_shared>>)
        tpu.yield
      }) : () -> ()
    }
    %scan3A_12 = arith.constant 5 : i32
    %barrier3A = arith.constant 0 : index
    tpu.barrier barrier_id(%barrier3A)
    %mul3A_13 = arith.constant 40 : i32
    %mul3A_14 = arith.muli %add3A, %mul3A_13 : i32
    %scan3A_15 = arith.constant 0 : i32
    %scan3A_16 = arith.constant 40 : i32
    %scan3A_17 = arith.addi %scan3A_15, %scan3A_16 : i32
    %scan3A_18 = arith.constant 1 : i32
    scf.for %scan3A_52 = %scan3A_15 to %scan3A_17 step %scan3A_18  : i32 {
      %mul3A_53 = arith.constant 1 : i32
      %mul3A_54 = arith.muli %scan3A_52, %mul3A_53 : i32
      %add3A_55 = arith.constant 0 : i32
      %add3A_56 = arith.addi %add3A_55, %mul3A_54 : i32
      %add3A_57 = arith.addi %mul3A_14, %add3A_56 : i32
      "tpu.region"() ({
        %run_scoped3A = tpu.sem_alloc : memref<!tpu.dma_semaphore, #tpu.memory_space<semaphore_mem>>
        %dma_start3A_62 = arith.constant 0 : i32
        %dma_start3A_63 = tpu.memref_slice %arg4[%add3A_57, %dma_start3A_62] : memref<1280x128xi32, #tpu.memory_space<hbm>> -> memref<1x128xi32, #tpu.memory_space<hbm>>
        %dma_start3A_64 = tpu.memref_squeeze %dma_start3A_63 : memref<1x128xi32, #tpu.memory_space<hbm>> -> memref<128xi32, #tpu.memory_space<hbm>>
        %dma_start3A_65 = arith.constant 0 : i32
        %dma_start3A_66 = tpu.memref_slice %arg4[%add3A_57, %dma_start3A_65] : memref<1280x128xi32, #tpu.memory_space<hbm>> -> memref<1x128xi32, #tpu.memory_space<hbm>>
        %dma_start3A_67 = tpu.memref_squeeze %dma_start3A_66 : memref<1x128xi32, #tpu.memory_space<hbm>> -> memref<128xi32, #tpu.memory_space<hbm>>
        tpu.enqueue_dma source(%dma_start3A_67 : memref<128xi32, #tpu.memory_space<hbm>>) target(%arg10 : memref<128xi32, #tpu.memory_space<vmem>>) target_semaphore(%run_scoped3A : memref<!tpu.dma_semaphore, #tpu.memory_space<semaphore_mem>>)
        %dma_wait3A_68 = arith.constant 0 : i32
        %dma_wait3A_69 = tpu.memref_slice %arg4[%add3A_57, %dma_wait3A_68] : memref<1280x128xi32, #tpu.memory_space<hbm>> -> memref<1x128xi32, #tpu.memory_space<hbm>>
        %dma_wait3A_70 = tpu.memref_squeeze %dma_wait3A_69 : memref<1x128xi32, #tpu.memory_space<hbm>> -> memref<128xi32, #tpu.memory_space<hbm>>
        %dma_wait3A_71 = arith.constant 0 : i32
        %dma_wait3A_72 = tpu.memref_slice %arg4[%add3A_57, %dma_wait3A_71] : memref<1280x128xi32, #tpu.memory_space<hbm>> -> memref<1x128xi32, #tpu.memory_space<hbm>>
        %dma_wait3A_73 = tpu.memref_squeeze %dma_wait3A_72 : memref<1x128xi32, #tpu.memory_space<hbm>> -> memref<128xi32, #tpu.memory_space<hbm>>
        tpu.wait_dma2 semaphore(%run_scoped3A : memref<!tpu.dma_semaphore, #tpu.memory_space<semaphore_mem>>) src(%dma_wait3A_73 : memref<128xi32, #tpu.memory_space<hbm>>) dst(%arg10 : memref<128xi32, #tpu.memory_space<vmem>>)
        tpu.yield
      }) : () -> ()
      "tpu.region"() ({
        %run_scoped3A = tpu.sem_alloc : memref<!tpu.dma_semaphore, #tpu.memory_space<semaphore_mem>>
        %dma_start3A_62 = arith.constant 0 : i32
        %dma_start3A_63 = tpu.memref_slice %arg5[%add3A_57, %dma_start3A_62] : memref<1280x128xi32, #tpu.memory_space<hbm>> -> memref<1x128xi32, #tpu.memory_space<hbm>>
        %dma_start3A_64 = tpu.memref_squeeze %dma_start3A_63 : memref<1x128xi32, #tpu.memory_space<hbm>> -> memref<128xi32, #tpu.memory_space<hbm>>
        %dma_start3A_65 = arith.constant 0 : i32
        %dma_start3A_66 = tpu.memref_slice %arg5[%add3A_57, %dma_start3A_65] : memref<1280x128xi32, #tpu.memory_space<hbm>> -> memref<1x128xi32, #tpu.memory_space<hbm>>
        %dma_start3A_67 = tpu.memref_squeeze %dma_start3A_66 : memref<1x128xi32, #tpu.memory_space<hbm>> -> memref<128xi32, #tpu.memory_space<hbm>>
        tpu.enqueue_dma source(%dma_start3A_67 : memref<128xi32, #tpu.memory_space<hbm>>) target(%arg11 : memref<128xi32, #tpu.memory_space<vmem>>) target_semaphore(%run_scoped3A : memref<!tpu.dma_semaphore, #tpu.memory_space<semaphore_mem>>)
        %dma_wait3A_68 = arith.constant 0 : i32
        %dma_wait3A_69 = tpu.memref_slice %arg5[%add3A_57, %dma_wait3A_68] : memref<1280x128xi32, #tpu.memory_space<hbm>> -> memref<1x128xi32, #tpu.memory_space<hbm>>
        %dma_wait3A_70 = tpu.memref_squeeze %dma_wait3A_69 : memref<1x128xi32, #tpu.memory_space<hbm>> -> memref<128xi32, #tpu.memory_space<hbm>>
        %dma_wait3A_71 = arith.constant 0 : i32
        %dma_wait3A_72 = tpu.memref_slice %arg5[%add3A_57, %dma_wait3A_71] : memref<1280x128xi32, #tpu.memory_space<hbm>> -> memref<1x128xi32, #tpu.memory_space<hbm>>
        %dma_wait3A_73 = tpu.memref_squeeze %dma_wait3A_72 : memref<1x128xi32, #tpu.memory_space<hbm>> -> memref<128xi32, #tpu.memory_space<hbm>>
        tpu.wait_dma2 semaphore(%run_scoped3A : memref<!tpu.dma_semaphore, #tpu.memory_space<semaphore_mem>>) src(%dma_wait3A_73 : memref<128xi32, #tpu.memory_space<hbm>>) dst(%arg11 : memref<128xi32, #tpu.memory_space<vmem>>)
        tpu.yield
      }) : () -> ()
      %dma_start3A = arith.constant 0 : i32
      %dma_start3A_58 = arith.constant 0 : i32
      %dma_start3A_59 = tpu.memref_slice %arg2[%dma_start3A, %dma_start3A_58] : memref<53248x128xf32, #tpu.memory_space<hbm>> -> memref<53248x128xf32, #tpu.memory_space<hbm>>
      tpu.enqueue_indirect_dma source(%dma_start3A_59 : memref<53248x128xf32, #tpu.memory_space<hbm>>) target(%arg12 : memref<128x128xf32, #tpu.memory_space<vmem>>) offsets(%arg10 : memref<128xi32, #tpu.memory_space<vmem>>) semaphore(%arg15 : memref<!tpu.dma_semaphore, #tpu.memory_space<semaphore_mem>>)
      %dma_wait3A = arith.constant 0 : i32
      %dma_wait3A_60 = arith.constant 0 : i32
      %dma_wait3A_61 = tpu.memref_slice %arg2[%dma_wait3A, %dma_wait3A_60] : memref<53248x128xf32, #tpu.memory_space<hbm>> -> memref<53248x128xf32, #tpu.memory_space<hbm>>
      tpu.wait_indirect_dma semaphore(%arg15 : memref<!tpu.dma_semaphore, #tpu.memory_space<semaphore_mem>>) src(%dma_wait3A_61 : memref<53248x128xf32, #tpu.memory_space<hbm>>) dst(%arg12 : memref<128x128xf32, #tpu.memory_space<vmem>>)
      "tpu.region"() ({
        %run_scoped3A = tpu.sem_alloc : memref<!tpu.dma_semaphore, #tpu.memory_space<semaphore_mem>>
        %dma_start3A_62 = arith.constant 0 : i32
        %dma_start3A_63 = arith.constant 0 : i32
        %dma_start3A_64 = tpu.memref_slice %arg14[%dma_start3A_62, %dma_start3A_63] : memref<10240x128xf32, #tpu.memory_space<vmem_shared>> -> memref<10240x128xf32, #tpu.memory_space<vmem_shared>>
        tpu.enqueue_indirect_dma source(%arg12 : memref<128x128xf32, #tpu.memory_space<vmem>>) target(%dma_start3A_64 : memref<10240x128xf32, #tpu.memory_space<vmem_shared>>) offsets(%arg11 : memref<128xi32, #tpu.memory_space<vmem>>) semaphore(%run_scoped3A : memref<!tpu.dma_semaphore, #tpu.memory_space<semaphore_mem>>) {add = true}
        %dma_wait3A_65 = arith.constant 0 : i32
        %dma_wait3A_66 = arith.constant 0 : i32
        %dma_wait3A_67 = tpu.memref_slice %arg14[%dma_wait3A_65, %dma_wait3A_66] : memref<10240x128xf32, #tpu.memory_space<vmem_shared>> -> memref<10240x128xf32, #tpu.memory_space<vmem_shared>>
        tpu.wait_indirect_dma semaphore(%run_scoped3A : memref<!tpu.dma_semaphore, #tpu.memory_space<semaphore_mem>>) src(%arg12 : memref<128x128xf32, #tpu.memory_space<vmem>>) dst(%dma_wait3A_67 : memref<10240x128xf32, #tpu.memory_space<vmem_shared>>)
        tpu.yield
      }) : () -> ()
    }
    %scan3A_19 = arith.constant 40 : i32
    %barrier3A_20 = arith.constant 0 : index
    tpu.barrier barrier_id(%barrier3A_20)
    %mul3A_21 = arith.constant 640 : i32
    %mul3A_22 = arith.muli %arg1, %mul3A_21 : i32
    %scan3A_23 = arith.constant 0 : i32
    %scan3A_24 = arith.constant 5 : i32
    %scan3A_25 = arith.addi %scan3A_23, %scan3A_24 : i32
    %scan3A_26 = arith.constant 1 : i32
    scf.for %scan3A_52 = %scan3A_23 to %scan3A_25 step %scan3A_26  : i32 {
      %mul3A_53 = arith.constant 1 : i32
      %mul3A_54 = arith.muli %scan3A_52, %mul3A_53 : i32
      %add3A_55 = arith.constant 0 : i32
      %add3A_56 = arith.addi %add3A_55, %mul3A_54 : i32
      %mul3A_57 = arith.constant 128 : i32
      %mul3A_58 = arith.muli %add3A_56, %mul3A_57 : i32
      %add3A_59 = arith.addi %mul3A_22, %mul3A_58 : i32
      %multiple_of3A = tpu.assume_multiple %add3A_59, 8 : i32
      "tpu.region"() ({
        %run_scoped3A = tpu.sem_alloc : memref<!tpu.dma_semaphore, #tpu.memory_space<semaphore_mem>>
        %dma_start3A = arith.constant 0 : i32
        %dma_start3A_60 = tpu.memref_slice %arg8[%arg0, %multiple_of3A, %dma_start3A] : memref<2x10240x128xf32, #tpu.memory_space<hbm>> -> memref<1x128x128xf32, #tpu.memory_space<hbm>>
        %dma_start3A_61 = tpu.memref_squeeze %dma_start3A_60 : memref<1x128x128xf32, #tpu.memory_space<hbm>> -> memref<128x128xf32, #tpu.memory_space<hbm>>
        %dma_start3A_62 = arith.constant 0 : i32
        %dma_start3A_63 = tpu.memref_slice %arg14[%multiple_of3A, %dma_start3A_62] : memref<10240x128xf32, #tpu.memory_space<vmem_shared>> -> memref<128x128xf32, #tpu.memory_space<vmem_shared>>
        tpu.enqueue_dma source(%dma_start3A_63 : memref<128x128xf32, #tpu.memory_space<vmem_shared>>) target(%dma_start3A_61 : memref<128x128xf32, #tpu.memory_space<hbm>>) target_semaphore(%run_scoped3A : memref<!tpu.dma_semaphore, #tpu.memory_space<semaphore_mem>>)
        %dma_wait3A = arith.constant 0 : i32
        %dma_wait3A_64 = tpu.memref_slice %arg8[%arg0, %multiple_of3A, %dma_wait3A] : memref<2x10240x128xf32, #tpu.memory_space<hbm>> -> memref<1x128x128xf32, #tpu.memory_space<hbm>>
        %dma_wait3A_65 = tpu.memref_squeeze %dma_wait3A_64 : memref<1x128x128xf32, #tpu.memory_space<hbm>> -> memref<128x128xf32, #tpu.memory_space<hbm>>
        %dma_wait3A_66 = arith.constant 0 : i32
        %dma_wait3A_67 = tpu.memref_slice %arg14[%multiple_of3A, %dma_wait3A_66] : memref<10240x128xf32, #tpu.memory_space<vmem_shared>> -> memref<128x128xf32, #tpu.memory_space<vmem_shared>>
        tpu.wait_dma2 semaphore(%run_scoped3A : memref<!tpu.dma_semaphore, #tpu.memory_space<semaphore_mem>>) src(%dma_wait3A_67 : memref<128x128xf32, #tpu.memory_space<vmem_shared>>) dst(%dma_wait3A_65 : memref<128x128xf32, #tpu.memory_space<hbm>>)
        tpu.yield
      }) : () -> ()
    }
    %scan3A_27 = arith.constant 5 : i32
    %barrier3A_28 = arith.constant 0 : index
    tpu.barrier barrier_id(%barrier3A_28)
    %mul3A_29 = arith.constant 168 : i32
    %mul3A_30 = arith.muli %arg1, %mul3A_29 : i32
    %scan3A_31 = arith.constant 0 : i32
    %scan3A_32 = arith.constant 3 : i32
    %scan3A_33 = arith.addi %scan3A_31, %scan3A_32 : i32
    %scan3A_34 = arith.constant 1 : i32
    scf.for %scan3A_52 = %scan3A_31 to %scan3A_33 step %scan3A_34  : i32 {
      %mul3A_53 = arith.constant 1 : i32
      %mul3A_54 = arith.muli %scan3A_52, %mul3A_53 : i32
      %add3A_55 = arith.constant 0 : i32
      %add3A_56 = arith.addi %add3A_55, %mul3A_54 : i32
      %mul3A_57 = arith.constant 56 : i32
      %mul3A_58 = arith.muli %add3A_56, %mul3A_57 : i32
      %add3A_59 = arith.addi %mul3A_30, %mul3A_58 : i32
      %multiple_of3A = tpu.assume_multiple %add3A_59, 8 : i32
      "tpu.region"() ({
        %run_scoped3A = tpu.sem_alloc : memref<!tpu.dma_semaphore, #tpu.memory_space<semaphore_mem>>
        %dma_start3A = arith.constant 0 : i32
        %dma_start3A_60 = arith.constant 0 : i32
        %dma_start3A_61 = tpu.memref_slice %arg13[%dma_start3A, %dma_start3A_60] : memref<128x128xf32, #tpu.memory_space<vmem>> -> memref<56x128xf32, #tpu.memory_space<vmem>>
        %dma_start3A_62 = arith.constant 0 : i32
        %dma_start3A_63 = tpu.memref_slice %arg14[%multiple_of3A, %dma_start3A_62] : memref<10240x128xf32, #tpu.memory_space<vmem_shared>> -> memref<56x128xf32, #tpu.memory_space<vmem_shared>>
        %dma_start3A_64 = arith.constant 0 : i32
        %dma_start3A_65 = tpu.memref_slice %arg14[%multiple_of3A, %dma_start3A_64] : memref<10240x128xf32, #tpu.memory_space<vmem_shared>> -> memref<56x128xf32, #tpu.memory_space<vmem_shared>>
        %dma_start3A_66 = arith.constant 0 : i32
        %dma_start3A_67 = arith.constant 0 : i32
        %dma_start3A_68 = tpu.memref_slice %arg13[%dma_start3A_66, %dma_start3A_67] : memref<128x128xf32, #tpu.memory_space<vmem>> -> memref<56x128xf32, #tpu.memory_space<vmem>>
        tpu.enqueue_dma source(%dma_start3A_68 : memref<56x128xf32, #tpu.memory_space<vmem>>) target(%dma_start3A_65 : memref<56x128xf32, #tpu.memory_space<vmem_shared>>) target_semaphore(%run_scoped3A : memref<!tpu.dma_semaphore, #tpu.memory_space<semaphore_mem>>)
        %dma_wait3A = arith.constant 0 : i32
        %dma_wait3A_69 = arith.constant 0 : i32
        %dma_wait3A_70 = tpu.memref_slice %arg13[%dma_wait3A, %dma_wait3A_69] : memref<128x128xf32, #tpu.memory_space<vmem>> -> memref<56x128xf32, #tpu.memory_space<vmem>>
        %dma_wait3A_71 = arith.constant 0 : i32
        %dma_wait3A_72 = tpu.memref_slice %arg14[%multiple_of3A, %dma_wait3A_71] : memref<10240x128xf32, #tpu.memory_space<vmem_shared>> -> memref<56x128xf32, #tpu.memory_space<vmem_shared>>
        %dma_wait3A_73 = arith.constant 0 : i32
        %dma_wait3A_74 = tpu.memref_slice %arg14[%multiple_of3A, %dma_wait3A_73] : memref<10240x128xf32, #tpu.memory_space<vmem_shared>> -> memref<56x128xf32, #tpu.memory_space<vmem_shared>>
        %dma_wait3A_75 = arith.constant 0 : i32
        %dma_wait3A_76 = arith.constant 0 : i32
        %dma_wait3A_77 = tpu.memref_slice %arg13[%dma_wait3A_75, %dma_wait3A_76] : memref<128x128xf32, #tpu.memory_space<vmem>> -> memref<56x128xf32, #tpu.memory_space<vmem>>
        tpu.wait_dma2 semaphore(%run_scoped3A : memref<!tpu.dma_semaphore, #tpu.memory_space<semaphore_mem>>) src(%dma_wait3A_77 : memref<56x128xf32, #tpu.memory_space<vmem>>) dst(%dma_wait3A_74 : memref<56x128xf32, #tpu.memory_space<vmem_shared>>)
        tpu.yield
      }) : () -> ()
    }
    %scan3A_35 = arith.constant 3 : i32
    %barrier3A_36 = arith.constant 0 : index
    tpu.barrier barrier_id(%barrier3A_36)
    %mul3A_37 = arith.constant 3 : i32
    %mul3A_38 = arith.muli %add3A, %mul3A_37 : i32
    %scan3A_39 = arith.constant 0 : i32
    %scan3A_40 = arith.constant 3 : i32
    %scan3A_41 = arith.addi %scan3A_39, %scan3A_40 : i32
    %scan3A_42 = arith.constant 1 : i32
    scf.for %scan3A_52 = %scan3A_39 to %scan3A_41 step %scan3A_42  : i32 {
      %mul3A_53 = arith.constant 1 : i32
      %mul3A_54 = arith.muli %scan3A_52, %mul3A_53 : i32
      %add3A_55 = arith.constant 0 : i32
      %add3A_56 = arith.addi %add3A_55, %mul3A_54 : i32
      %add3A_57 = arith.addi %mul3A_38, %add3A_56 : i32
      "tpu.region"() ({
        %run_scoped3A = tpu.sem_alloc : memref<!tpu.dma_semaphore, #tpu.memory_space<semaphore_mem>>
        %dma_start3A_62 = arith.constant 0 : i32
        %dma_start3A_63 = tpu.memref_slice %arg6[%add3A_57, %dma_start3A_62] : memref<96x128xi32, #tpu.memory_space<hbm>> -> memref<1x128xi32, #tpu.memory_space<hbm>>
        %dma_start3A_64 = tpu.memref_squeeze %dma_start3A_63 : memref<1x128xi32, #tpu.memory_space<hbm>> -> memref<128xi32, #tpu.memory_space<hbm>>
        %dma_start3A_65 = arith.constant 0 : i32
        %dma_start3A_66 = tpu.memref_slice %arg6[%add3A_57, %dma_start3A_65] : memref<96x128xi32, #tpu.memory_space<hbm>> -> memref<1x128xi32, #tpu.memory_space<hbm>>
        %dma_start3A_67 = tpu.memref_squeeze %dma_start3A_66 : memref<1x128xi32, #tpu.memory_space<hbm>> -> memref<128xi32, #tpu.memory_space<hbm>>
        tpu.enqueue_dma source(%dma_start3A_67 : memref<128xi32, #tpu.memory_space<hbm>>) target(%arg10 : memref<128xi32, #tpu.memory_space<vmem>>) target_semaphore(%run_scoped3A : memref<!tpu.dma_semaphore, #tpu.memory_space<semaphore_mem>>)
        %dma_wait3A_68 = arith.constant 0 : i32
        %dma_wait3A_69 = tpu.memref_slice %arg6[%add3A_57, %dma_wait3A_68] : memref<96x128xi32, #tpu.memory_space<hbm>> -> memref<1x128xi32, #tpu.memory_space<hbm>>
        %dma_wait3A_70 = tpu.memref_squeeze %dma_wait3A_69 : memref<1x128xi32, #tpu.memory_space<hbm>> -> memref<128xi32, #tpu.memory_space<hbm>>
        %dma_wait3A_71 = arith.constant 0 : i32
        %dma_wait3A_72 = tpu.memref_slice %arg6[%add3A_57, %dma_wait3A_71] : memref<96x128xi32, #tpu.memory_space<hbm>> -> memref<1x128xi32, #tpu.memory_space<hbm>>
        %dma_wait3A_73 = tpu.memref_squeeze %dma_wait3A_72 : memref<1x128xi32, #tpu.memory_space<hbm>> -> memref<128xi32, #tpu.memory_space<hbm>>
        tpu.wait_dma2 semaphore(%run_scoped3A : memref<!tpu.dma_semaphore, #tpu.memory_space<semaphore_mem>>) src(%dma_wait3A_73 : memref<128xi32, #tpu.memory_space<hbm>>) dst(%arg10 : memref<128xi32, #tpu.memory_space<vmem>>)
        tpu.yield
      }) : () -> ()
      "tpu.region"() ({
        %run_scoped3A = tpu.sem_alloc : memref<!tpu.dma_semaphore, #tpu.memory_space<semaphore_mem>>
        %dma_start3A_62 = arith.constant 0 : i32
        %dma_start3A_63 = tpu.memref_slice %arg7[%add3A_57, %dma_start3A_62] : memref<96x128xi32, #tpu.memory_space<hbm>> -> memref<1x128xi32, #tpu.memory_space<hbm>>
        %dma_start3A_64 = tpu.memref_squeeze %dma_start3A_63 : memref<1x128xi32, #tpu.memory_space<hbm>> -> memref<128xi32, #tpu.memory_space<hbm>>
        %dma_start3A_65 = arith.constant 0 : i32
        %dma_start3A_66 = tpu.memref_slice %arg7[%add3A_57, %dma_start3A_65] : memref<96x128xi32, #tpu.memory_space<hbm>> -> memref<1x128xi32, #tpu.memory_space<hbm>>
        %dma_start3A_67 = tpu.memref_squeeze %dma_start3A_66 : memref<1x128xi32, #tpu.memory_space<hbm>> -> memref<128xi32, #tpu.memory_space<hbm>>
        tpu.enqueue_dma source(%dma_start3A_67 : memref<128xi32, #tpu.memory_space<hbm>>) target(%arg11 : memref<128xi32, #tpu.memory_space<vmem>>) target_semaphore(%run_scoped3A : memref<!tpu.dma_semaphore, #tpu.memory_space<semaphore_mem>>)
        %dma_wait3A_68 = arith.constant 0 : i32
        %dma_wait3A_69 = tpu.memref_slice %arg7[%add3A_57, %dma_wait3A_68] : memref<96x128xi32, #tpu.memory_space<hbm>> -> memref<1x128xi32, #tpu.memory_space<hbm>>
        %dma_wait3A_70 = tpu.memref_squeeze %dma_wait3A_69 : memref<1x128xi32, #tpu.memory_space<hbm>> -> memref<128xi32, #tpu.memory_space<hbm>>
        %dma_wait3A_71 = arith.constant 0 : i32
        %dma_wait3A_72 = tpu.memref_slice %arg7[%add3A_57, %dma_wait3A_71] : memref<96x128xi32, #tpu.memory_space<hbm>> -> memref<1x128xi32, #tpu.memory_space<hbm>>
        %dma_wait3A_73 = tpu.memref_squeeze %dma_wait3A_72 : memref<1x128xi32, #tpu.memory_space<hbm>> -> memref<128xi32, #tpu.memory_space<hbm>>
        tpu.wait_dma2 semaphore(%run_scoped3A : memref<!tpu.dma_semaphore, #tpu.memory_space<semaphore_mem>>) src(%dma_wait3A_73 : memref<128xi32, #tpu.memory_space<hbm>>) dst(%arg11 : memref<128xi32, #tpu.memory_space<vmem>>)
        tpu.yield
      }) : () -> ()
      %dma_start3A = arith.constant 0 : i32
      %dma_start3A_58 = arith.constant 0 : i32
      %dma_start3A_59 = tpu.memref_slice %arg3[%dma_start3A, %dma_start3A_58] : memref<10000x128xf32, #tpu.memory_space<hbm>> -> memref<10000x128xf32, #tpu.memory_space<hbm>>
      tpu.enqueue_indirect_dma source(%dma_start3A_59 : memref<10000x128xf32, #tpu.memory_space<hbm>>) target(%arg12 : memref<128x128xf32, #tpu.memory_space<vmem>>) offsets(%arg10 : memref<128xi32, #tpu.memory_space<vmem>>) semaphore(%arg15 : memref<!tpu.dma_semaphore, #tpu.memory_space<semaphore_mem>>)
      %dma_wait3A = arith.constant 0 : i32
      %dma_wait3A_60 = arith.constant 0 : i32
      %dma_wait3A_61 = tpu.memref_slice %arg3[%dma_wait3A, %dma_wait3A_60] : memref<10000x128xf32, #tpu.memory_space<hbm>> -> memref<10000x128xf32, #tpu.memory_space<hbm>>
      tpu.wait_indirect_dma semaphore(%arg15 : memref<!tpu.dma_semaphore, #tpu.memory_space<semaphore_mem>>) src(%dma_wait3A_61 : memref<10000x128xf32, #tpu.memory_space<hbm>>) dst(%arg12 : memref<128x128xf32, #tpu.memory_space<vmem>>)
      "tpu.region"() ({
        %run_scoped3A = tpu.sem_alloc : memref<!tpu.dma_semaphore, #tpu.memory_space<semaphore_mem>>
        %dma_start3A_62 = arith.constant 0 : i32
        %dma_start3A_63 = arith.constant 0 : i32
        %dma_start3A_64 = tpu.memref_slice %arg14[%dma_start3A_62, %dma_start3A_63] : memref<10240x128xf32, #tpu.memory_space<vmem_shared>> -> memref<10240x128xf32, #tpu.memory_space<vmem_shared>>
        tpu.enqueue_indirect_dma source(%arg12 : memref<128x128xf32, #tpu.memory_space<vmem>>) target(%dma_start3A_64 : memref<10240x128xf32, #tpu.memory_space<vmem_shared>>) offsets(%arg11 : memref<128xi32, #tpu.memory_space<vmem>>) semaphore(%run_scoped3A : memref<!tpu.dma_semaphore, #tpu.memory_space<semaphore_mem>>) {add = true}
        %dma_wait3A_65 = arith.constant 0 : i32
        %dma_wait3A_66 = arith.constant 0 : i32
        %dma_wait3A_67 = tpu.memref_slice %arg14[%dma_wait3A_65, %dma_wait3A_66] : memref<10240x128xf32, #tpu.memory_space<vmem_shared>> -> memref<10240x128xf32, #tpu.memory_space<vmem_shared>>
        tpu.wait_indirect_dma semaphore(%run_scoped3A : memref<!tpu.dma_semaphore, #tpu.memory_space<semaphore_mem>>) src(%arg12 : memref<128x128xf32, #tpu.memory_space<vmem>>) dst(%dma_wait3A_67 : memref<10240x128xf32, #tpu.memory_space<vmem_shared>>)
        tpu.yield
      }) : () -> ()
    }
    %scan3A_43 = arith.constant 3 : i32
    %barrier3A_44 = arith.constant 0 : index
    tpu.barrier barrier_id(%barrier3A_44)
    %mul3A_45 = arith.constant 168 : i32
    %mul3A_46 = arith.muli %arg1, %mul3A_45 : i32
    %scan3A_47 = arith.constant 0 : i32
    %scan3A_48 = arith.constant 3 : i32
    %scan3A_49 = arith.addi %scan3A_47, %scan3A_48 : i32
    %scan3A_50 = arith.constant 1 : i32
    scf.for %scan3A_52 = %scan3A_47 to %scan3A_49 step %scan3A_50  : i32 {
      %mul3A_53 = arith.constant 1 : i32
      %mul3A_54 = arith.muli %scan3A_52, %mul3A_53 : i32
      %add3A_55 = arith.constant 0 : i32
      %add3A_56 = arith.addi %add3A_55, %mul3A_54 : i32
      %mul3A_57 = arith.constant 56 : i32
      %mul3A_58 = arith.muli %add3A_56, %mul3A_57 : i32
      %add3A_59 = arith.addi %mul3A_46, %mul3A_58 : i32
      %multiple_of3A = tpu.assume_multiple %add3A_59, 8 : i32
      "tpu.region"() ({
        %run_scoped3A = tpu.sem_alloc : memref<!tpu.dma_semaphore, #tpu.memory_space<semaphore_mem>>
        %dma_start3A = arith.constant 0 : i32
        %dma_start3A_60 = tpu.memref_slice %arg9[%arg0, %multiple_of3A, %dma_start3A] : memref<2x2688x128xf32, #tpu.memory_space<hbm>> -> memref<1x56x128xf32, #tpu.memory_space<hbm>>
        %dma_start3A_61 = tpu.memref_squeeze %dma_start3A_60 : memref<1x56x128xf32, #tpu.memory_space<hbm>> -> memref<56x128xf32, #tpu.memory_space<hbm>>
        %dma_start3A_62 = arith.constant 0 : i32
        %dma_start3A_63 = tpu.memref_slice %arg14[%multiple_of3A, %dma_start3A_62] : memref<10240x128xf32, #tpu.memory_space<vmem_shared>> -> memref<56x128xf32, #tpu.memory_space<vmem_shared>>
        tpu.enqueue_dma source(%dma_start3A_63 : memref<56x128xf32, #tpu.memory_space<vmem_shared>>) target(%dma_start3A_61 : memref<56x128xf32, #tpu.memory_space<hbm>>) target_semaphore(%run_scoped3A : memref<!tpu.dma_semaphore, #tpu.memory_space<semaphore_mem>>)
        %dma_wait3A = arith.constant 0 : i32
        %dma_wait3A_64 = tpu.memref_slice %arg9[%arg0, %multiple_of3A, %dma_wait3A] : memref<2x2688x128xf32, #tpu.memory_space<hbm>> -> memref<1x56x128xf32, #tpu.memory_space<hbm>>
        %dma_wait3A_65 = tpu.memref_squeeze %dma_wait3A_64 : memref<1x56x128xf32, #tpu.memory_space<hbm>> -> memref<56x128xf32, #tpu.memory_space<hbm>>
        %dma_wait3A_66 = arith.constant 0 : i32
        %dma_wait3A_67 = tpu.memref_slice %arg14[%multiple_of3A, %dma_wait3A_66] : memref<10240x128xf32, #tpu.memory_space<vmem_shared>> -> memref<56x128xf32, #tpu.memory_space<vmem_shared>>
        tpu.wait_dma2 semaphore(%run_scoped3A : memref<!tpu.dma_semaphore, #tpu.memory_space<semaphore_mem>>) src(%dma_wait3A_67 : memref<56x128xf32, #tpu.memory_space<vmem_shared>>) dst(%dma_wait3A_65 : memref<56x128xf32, #tpu.memory_space<hbm>>)
        tpu.yield
      }) : () -> ()
    }
    %scan3A_51 = arith.constant 3 : i32
    return
  }
}

#map = affine_map<(d0, d1) -> (0, 0)>
#map1 = affine_map<(d0, d1) -> (0, 0, 0)>
module attributes {stable_mosaic.version = 14 : i64} {
  func.func @_sc_agg1(%arg0: i32, %arg1: i32, %arg2: memref<10000x128xf32, #tpu.memory_space<hbm>>, %arg3: memref<300059x128xf32, #tpu.memory_space<hbm>>, %arg4: memref<416x128xi32, #tpu.memory_space<hbm>>, %arg5: memref<2528x128xi32, #tpu.memory_space<hbm>>, %arg6: memref<2528x128xi32, #tpu.memory_space<hbm>>, %arg7: memref<2x10240x128xf32, #tpu.memory_space<hbm>>, %arg8: memref<53248x128xf32, #tpu.memory_space<hbm>>, %arg9: memref<128xi32, #tpu.memory_space<vmem>>, %arg10: memref<128xi32, #tpu.memory_space<vmem>>, %arg11: memref<128x128xf32, #tpu.memory_space<vmem>>, %arg12: memref<128x128xf32, #tpu.memory_space<vmem>>, %arg13: memref<10240x128xf32, #tpu.memory_space<vmem_shared>>, %arg14: memref<!tpu.dma_semaphore, #tpu.memory_space<semaphore_mem>>) attributes {dimension_semantics = [#tpu.dimension_semantics<core_parallel>, #tpu.dimension_semantics<subcore_parallel>], iteration_bounds = array<i64: 2, 16>, scalar_prefetch = 0 : i64, scratch_operands = 6 : i64, tpu.core_type = #tpu.core_type<sc_vector_subcore>, window_params = [{transform_indices = #map}, {transform_indices = #map}, {transform_indices = #map}, {transform_indices = #map}, {transform_indices = #map}, {transform_indices = #map1}, {transform_indices = #map}]} {
    %mul3A = arith.constant 2 : i32
    %mul3A_0 = arith.muli %arg1, %mul3A : i32
    %add3A = arith.addi %mul3A_0, %arg0 : i32
    %broadcast_in_dim3A = arith.constant 0.000000e+00 : f32
    %broadcast_in_dim3A_1 = vector.broadcast %broadcast_in_dim3A : f32 to vector<16xf32>
    %scan3A = arith.constant 0 : i32
    %scan3A_2 = arith.constant 128 : i32
    %scan3A_3 = arith.addi %scan3A, %scan3A_2 : i32
    %scan3A_4 = arith.constant 1 : i32
    scf.for %scan3A_35 = %scan3A to %scan3A_3 step %scan3A_4  : i32 {
      %mul3A_36 = arith.constant 1 : i32
      %mul3A_37 = arith.muli %scan3A_35, %mul3A_36 : i32
      %add3A_38 = arith.constant 0 : i32
      %add3A_39 = arith.addi %add3A_38, %mul3A_37 : i32
      %swap3A = arith.index_cast %add3A_39 : i32 to index
      %swap3A_40 = arith.constant 0 : index
      %swap3A_41 = tpu.vector_load %arg12[%swap3A, %swap3A_40] {strides = array<i32>} : memref<128x128xf32, #tpu.memory_space<vmem>>, vector<1x16xf32>,
      %swap3A_42 = vector.shape_cast %swap3A_41 : vector<1x16xf32> to vector<16xf32>
      %swap3A_43 = vector.shape_cast %broadcast_in_dim3A_1 : vector<16xf32> to vector<1x16xf32>
      tpu.vector_store %arg12[%swap3A, %swap3A_40], %swap3A_43 {strides = array<i32>} : memref<128x128xf32, #tpu.memory_space<vmem>>, vector<1x16xf32>,
      %swap3A_44 = arith.index_cast %add3A_39 : i32 to index
      %swap3A_45 = arith.constant 16 : index
      %swap3A_46 = tpu.vector_load %arg12[%swap3A_44, %swap3A_45] {strides = array<i32>} : memref<128x128xf32, #tpu.memory_space<vmem>>, vector<1x16xf32>,
      %swap3A_47 = vector.shape_cast %swap3A_46 : vector<1x16xf32> to vector<16xf32>
      %swap3A_48 = vector.shape_cast %broadcast_in_dim3A_1 : vector<16xf32> to vector<1x16xf32>
      tpu.vector_store %arg12[%swap3A_44, %swap3A_45], %swap3A_48 {strides = array<i32>} : memref<128x128xf32, #tpu.memory_space<vmem>>, vector<1x16xf32>,
      %swap3A_49 = arith.index_cast %add3A_39 : i32 to index
      %swap3A_50 = arith.constant 32 : index
      %swap3A_51 = tpu.vector_load %arg12[%swap3A_49, %swap3A_50] {strides = array<i32>} : memref<128x128xf32, #tpu.memory_space<vmem>>, vector<1x16xf32>,
      %swap3A_52 = vector.shape_cast %swap3A_51 : vector<1x16xf32> to vector<16xf32>
      %swap3A_53 = vector.shape_cast %broadcast_in_dim3A_1 : vector<16xf32> to vector<1x16xf32>
      tpu.vector_store %arg12[%swap3A_49, %swap3A_50], %swap3A_53 {strides = array<i32>} : memref<128x128xf32, #tpu.memory_space<vmem>>, vector<1x16xf32>,
      %swap3A_54 = arith.index_cast %add3A_39 : i32 to index
      %swap3A_55 = arith.constant 48 : index
      %swap3A_56 = tpu.vector_load %arg12[%swap3A_54, %swap3A_55] {strides = array<i32>} : memref<128x128xf32, #tpu.memory_space<vmem>>, vector<1x16xf32>,
      %swap3A_57 = vector.shape_cast %swap3A_56 : vector<1x16xf32> to vector<16xf32>
      %swap3A_58 = vector.shape_cast %broadcast_in_dim3A_1 : vector<16xf32> to vector<1x16xf32>
      tpu.vector_store %arg12[%swap3A_54, %swap3A_55], %swap3A_58 {strides = array<i32>} : memref<128x128xf32, #tpu.memory_space<vmem>>, vector<1x16xf32>,
      %swap3A_59 = arith.index_cast %add3A_39 : i32 to index
      %swap3A_60 = arith.constant 64 : index
      %swap3A_61 = tpu.vector_load %arg12[%swap3A_59, %swap3A_60] {strides = array<i32>} : memref<128x128xf32, #tpu.memory_space<vmem>>, vector<1x16xf32>,
      %swap3A_62 = vector.shape_cast %swap3A_61 : vector<1x16xf32> to vector<16xf32>
      %swap3A_63 = vector.shape_cast %broadcast_in_dim3A_1 : vector<16xf32> to vector<1x16xf32>
      tpu.vector_store %arg12[%swap3A_59, %swap3A_60], %swap3A_63 {strides = array<i32>} : memref<128x128xf32, #tpu.memory_space<vmem>>, vector<1x16xf32>,
      %swap3A_64 = arith.index_cast %add3A_39 : i32 to index
      %swap3A_65 = arith.constant 80 : index
      %swap3A_66 = tpu.vector_load %arg12[%swap3A_64, %swap3A_65] {strides = array<i32>} : memref<128x128xf32, #tpu.memory_space<vmem>>, vector<1x16xf32>,
      %swap3A_67 = vector.shape_cast %swap3A_66 : vector<1x16xf32> to vector<16xf32>
      %swap3A_68 = vector.shape_cast %broadcast_in_dim3A_1 : vector<16xf32> to vector<1x16xf32>
      tpu.vector_store %arg12[%swap3A_64, %swap3A_65], %swap3A_68 {strides = array<i32>} : memref<128x128xf32, #tpu.memory_space<vmem>>, vector<1x16xf32>,
      %swap3A_69 = arith.index_cast %add3A_39 : i32 to index
      %swap3A_70 = arith.constant 96 : index
      %swap3A_71 = tpu.vector_load %arg12[%swap3A_69, %swap3A_70] {strides = array<i32>} : memref<128x128xf32, #tpu.memory_space<vmem>>, vector<1x16xf32>,
      %swap3A_72 = vector.shape_cast %swap3A_71 : vector<1x16xf32> to vector<16xf32>
      %swap3A_73 = vector.shape_cast %broadcast_in_dim3A_1 : vector<16xf32> to vector<1x16xf32>
      tpu.vector_store %arg12[%swap3A_69, %swap3A_70], %swap3A_73 {strides = array<i32>} : memref<128x128xf32, #tpu.memory_space<vmem>>, vector<1x16xf32>,
      %swap3A_74 = arith.index_cast %add3A_39 : i32 to index
      %swap3A_75 = arith.constant 112 : index
      %swap3A_76 = tpu.vector_load %arg12[%swap3A_74, %swap3A_75] {strides = array<i32>} : memref<128x128xf32, #tpu.memory_space<vmem>>, vector<1x16xf32>,
      %swap3A_77 = vector.shape_cast %swap3A_76 : vector<1x16xf32> to vector<16xf32>
      %swap3A_78 = vector.shape_cast %broadcast_in_dim3A_1 : vector<16xf32> to vector<1x16xf32>
      tpu.vector_store %arg12[%swap3A_74, %swap3A_75], %swap3A_78 {strides = array<i32>} : memref<128x128xf32, #tpu.memory_space<vmem>>, vector<1x16xf32>,
    }
    %scan3A_5 = arith.constant 128 : i32
    %mul3A_6 = arith.constant 13 : i32
    %mul3A_7 = arith.muli %add3A, %mul3A_6 : i32
    %scan3A_8 = arith.constant 0 : i32
    %scan3A_9 = arith.constant 13 : i32
    %scan3A_10 = arith.addi %scan3A_8, %scan3A_9 : i32
    %scan3A_11 = arith.constant 1 : i32
    scf.for %scan3A_35 = %scan3A_8 to %scan3A_10 step %scan3A_11  : i32 {
      %mul3A_36 = arith.constant 1 : i32
      %mul3A_37 = arith.muli %scan3A_35, %mul3A_36 : i32
      %add3A_38 = arith.constant 0 : i32
      %add3A_39 = arith.addi %add3A_38, %mul3A_37 : i32
      %add3A_40 = arith.addi %mul3A_7, %add3A_39 : i32
      "tpu.region"() ({
        %run_scoped3A = tpu.sem_alloc : memref<!tpu.dma_semaphore, #tpu.memory_space<semaphore_mem>>
        %dma_start3A_47 = arith.constant 0 : i32
        %dma_start3A_48 = tpu.memref_slice %arg4[%add3A_40, %dma_start3A_47] : memref<416x128xi32, #tpu.memory_space<hbm>> -> memref<1x128xi32, #tpu.memory_space<hbm>>
        %dma_start3A_49 = tpu.memref_squeeze %dma_start3A_48 : memref<1x128xi32, #tpu.memory_space<hbm>> -> memref<128xi32, #tpu.memory_space<hbm>>
        %dma_start3A_50 = arith.constant 0 : i32
        %dma_start3A_51 = tpu.memref_slice %arg4[%add3A_40, %dma_start3A_50] : memref<416x128xi32, #tpu.memory_space<hbm>> -> memref<1x128xi32, #tpu.memory_space<hbm>>
        %dma_start3A_52 = tpu.memref_squeeze %dma_start3A_51 : memref<1x128xi32, #tpu.memory_space<hbm>> -> memref<128xi32, #tpu.memory_space<hbm>>
        tpu.enqueue_dma source(%dma_start3A_52 : memref<128xi32, #tpu.memory_space<hbm>>) target(%arg9 : memref<128xi32, #tpu.memory_space<vmem>>) target_semaphore(%run_scoped3A : memref<!tpu.dma_semaphore, #tpu.memory_space<semaphore_mem>>)
        %dma_wait3A_53 = arith.constant 0 : i32
        %dma_wait3A_54 = tpu.memref_slice %arg4[%add3A_40, %dma_wait3A_53] : memref<416x128xi32, #tpu.memory_space<hbm>> -> memref<1x128xi32, #tpu.memory_space<hbm>>
        %dma_wait3A_55 = tpu.memref_squeeze %dma_wait3A_54 : memref<1x128xi32, #tpu.memory_space<hbm>> -> memref<128xi32, #tpu.memory_space<hbm>>
        %dma_wait3A_56 = arith.constant 0 : i32
        %dma_wait3A_57 = tpu.memref_slice %arg4[%add3A_40, %dma_wait3A_56] : memref<416x128xi32, #tpu.memory_space<hbm>> -> memref<1x128xi32, #tpu.memory_space<hbm>>
        %dma_wait3A_58 = tpu.memref_squeeze %dma_wait3A_57 : memref<1x128xi32, #tpu.memory_space<hbm>> -> memref<128xi32, #tpu.memory_space<hbm>>
        tpu.wait_dma2 semaphore(%run_scoped3A : memref<!tpu.dma_semaphore, #tpu.memory_space<semaphore_mem>>) src(%dma_wait3A_58 : memref<128xi32, #tpu.memory_space<hbm>>) dst(%arg9 : memref<128xi32, #tpu.memory_space<vmem>>)
        tpu.yield
      }) : () -> ()
      %dma_start3A = arith.constant 0 : i32
      %dma_start3A_41 = arith.constant 0 : i32
      %dma_start3A_42 = tpu.memref_slice %arg3[%dma_start3A, %dma_start3A_41] : memref<300059x128xf32, #tpu.memory_space<hbm>> -> memref<300059x128xf32, #tpu.memory_space<hbm>>
      tpu.enqueue_indirect_dma source(%dma_start3A_42 : memref<300059x128xf32, #tpu.memory_space<hbm>>) target(%arg11 : memref<128x128xf32, #tpu.memory_space<vmem>>) offsets(%arg9 : memref<128xi32, #tpu.memory_space<vmem>>) semaphore(%arg14 : memref<!tpu.dma_semaphore, #tpu.memory_space<semaphore_mem>>)
      %dma_wait3A = arith.constant 0 : i32
      %dma_wait3A_43 = arith.constant 0 : i32
      %dma_wait3A_44 = tpu.memref_slice %arg3[%dma_wait3A, %dma_wait3A_43] : memref<300059x128xf32, #tpu.memory_space<hbm>> -> memref<300059x128xf32, #tpu.memory_space<hbm>>
      tpu.wait_indirect_dma semaphore(%arg14 : memref<!tpu.dma_semaphore, #tpu.memory_space<semaphore_mem>>) src(%dma_wait3A_44 : memref<300059x128xf32, #tpu.memory_space<hbm>>) dst(%arg11 : memref<128x128xf32, #tpu.memory_space<vmem>>)
      %mul3A_45 = arith.constant 128 : i32
      %mul3A_46 = arith.muli %add3A_40, %mul3A_45 : i32
      "tpu.region"() ({
        %run_scoped3A = tpu.sem_alloc : memref<!tpu.dma_semaphore, #tpu.memory_space<semaphore_mem>>
        %dma_start3A_47 = arith.constant 0 : i32
        %dma_start3A_48 = tpu.memref_slice %arg8[%mul3A_46, %dma_start3A_47] : memref<53248x128xf32, #tpu.memory_space<hbm>> -> memref<128x128xf32, #tpu.memory_space<hbm>>
        %dma_start3A_49 = arith.constant 0 : i32
        %dma_start3A_50 = tpu.memref_slice %arg8[%mul3A_46, %dma_start3A_49] : memref<53248x128xf32, #tpu.memory_space<hbm>> -> memref<128x128xf32, #tpu.memory_space<hbm>>
        tpu.enqueue_dma source(%arg11 : memref<128x128xf32, #tpu.memory_space<vmem>>) target(%dma_start3A_50 : memref<128x128xf32, #tpu.memory_space<hbm>>) target_semaphore(%run_scoped3A : memref<!tpu.dma_semaphore, #tpu.memory_space<semaphore_mem>>)
        %dma_wait3A_51 = arith.constant 0 : i32
        %dma_wait3A_52 = tpu.memref_slice %arg8[%mul3A_46, %dma_wait3A_51] : memref<53248x128xf32, #tpu.memory_space<hbm>> -> memref<128x128xf32, #tpu.memory_space<hbm>>
        %dma_wait3A_53 = arith.constant 0 : i32
        %dma_wait3A_54 = tpu.memref_slice %arg8[%mul3A_46, %dma_wait3A_53] : memref<53248x128xf32, #tpu.memory_space<hbm>> -> memref<128x128xf32, #tpu.memory_space<hbm>>
        tpu.wait_dma2 semaphore(%run_scoped3A : memref<!tpu.dma_semaphore, #tpu.memory_space<semaphore_mem>>) src(%arg11 : memref<128x128xf32, #tpu.memory_space<vmem>>) dst(%dma_wait3A_54 : memref<128x128xf32, #tpu.memory_space<hbm>>)
        tpu.yield
      }) : () -> ()
    }
    %scan3A_12 = arith.constant 13 : i32
    %mul3A_13 = arith.constant 640 : i32
    %mul3A_14 = arith.muli %arg1, %mul3A_13 : i32
    %scan3A_15 = arith.constant 0 : i32
    %scan3A_16 = arith.constant 5 : i32
    %scan3A_17 = arith.addi %scan3A_15, %scan3A_16 : i32
    %scan3A_18 = arith.constant 1 : i32
    scf.for %scan3A_35 = %scan3A_15 to %scan3A_17 step %scan3A_18  : i32 {
      %mul3A_36 = arith.constant 1 : i32
      %mul3A_37 = arith.muli %scan3A_35, %mul3A_36 : i32
      %add3A_38 = arith.constant 0 : i32
      %add3A_39 = arith.addi %add3A_38, %mul3A_37 : i32
      %mul3A_40 = arith.constant 128 : i32
      %mul3A_41 = arith.muli %add3A_39, %mul3A_40 : i32
      %add3A_42 = arith.addi %mul3A_14, %mul3A_41 : i32
      %multiple_of3A = tpu.assume_multiple %add3A_42, 8 : i32
      "tpu.region"() ({
        %run_scoped3A = tpu.sem_alloc : memref<!tpu.dma_semaphore, #tpu.memory_space<semaphore_mem>>
        %dma_start3A = arith.constant 0 : i32
        %dma_start3A_43 = arith.constant 0 : i32
        %dma_start3A_44 = tpu.memref_slice %arg12[%dma_start3A, %dma_start3A_43] : memref<128x128xf32, #tpu.memory_space<vmem>> -> memref<128x128xf32, #tpu.memory_space<vmem>>
        %dma_start3A_45 = arith.constant 0 : i32
        %dma_start3A_46 = tpu.memref_slice %arg13[%multiple_of3A, %dma_start3A_45] : memref<10240x128xf32, #tpu.memory_space<vmem_shared>> -> memref<128x128xf32, #tpu.memory_space<vmem_shared>>
        %dma_start3A_47 = arith.constant 0 : i32
        %dma_start3A_48 = tpu.memref_slice %arg13[%multiple_of3A, %dma_start3A_47] : memref<10240x128xf32, #tpu.memory_space<vmem_shared>> -> memref<128x128xf32, #tpu.memory_space<vmem_shared>>
        %dma_start3A_49 = arith.constant 0 : i32
        %dma_start3A_50 = arith.constant 0 : i32
        %dma_start3A_51 = tpu.memref_slice %arg12[%dma_start3A_49, %dma_start3A_50] : memref<128x128xf32, #tpu.memory_space<vmem>> -> memref<128x128xf32, #tpu.memory_space<vmem>>
        tpu.enqueue_dma source(%dma_start3A_51 : memref<128x128xf32, #tpu.memory_space<vmem>>) target(%dma_start3A_48 : memref<128x128xf32, #tpu.memory_space<vmem_shared>>) target_semaphore(%run_scoped3A : memref<!tpu.dma_semaphore, #tpu.memory_space<semaphore_mem>>)
        %dma_wait3A = arith.constant 0 : i32
        %dma_wait3A_52 = arith.constant 0 : i32
        %dma_wait3A_53 = tpu.memref_slice %arg12[%dma_wait3A, %dma_wait3A_52] : memref<128x128xf32, #tpu.memory_space<vmem>> -> memref<128x128xf32, #tpu.memory_space<vmem>>
        %dma_wait3A_54 = arith.constant 0 : i32
        %dma_wait3A_55 = tpu.memref_slice %arg13[%multiple_of3A, %dma_wait3A_54] : memref<10240x128xf32, #tpu.memory_space<vmem_shared>> -> memref<128x128xf32, #tpu.memory_space<vmem_shared>>
        %dma_wait3A_56 = arith.constant 0 : i32
        %dma_wait3A_57 = tpu.memref_slice %arg13[%multiple_of3A, %dma_wait3A_56] : memref<10240x128xf32, #tpu.memory_space<vmem_shared>> -> memref<128x128xf32, #tpu.memory_space<vmem_shared>>
        %dma_wait3A_58 = arith.constant 0 : i32
        %dma_wait3A_59 = arith.constant 0 : i32
        %dma_wait3A_60 = tpu.memref_slice %arg12[%dma_wait3A_58, %dma_wait3A_59] : memref<128x128xf32, #tpu.memory_space<vmem>> -> memref<128x128xf32, #tpu.memory_space<vmem>>
        tpu.wait_dma2 semaphore(%run_scoped3A : memref<!tpu.dma_semaphore, #tpu.memory_space<semaphore_mem>>) src(%dma_wait3A_60 : memref<128x128xf32, #tpu.memory_space<vmem>>) dst(%dma_wait3A_57 : memref<128x128xf32, #tpu.memory_space<vmem_shared>>)
        tpu.yield
      }) : () -> ()
    }
    %scan3A_19 = arith.constant 5 : i32
    %barrier3A = arith.constant 0 : index
    tpu.barrier barrier_id(%barrier3A)
    %mul3A_20 = arith.constant 79 : i32
    %mul3A_21 = arith.muli %add3A, %mul3A_20 : i32
    %scan3A_22 = arith.constant 0 : i32
    %scan3A_23 = arith.constant 79 : i32
    %scan3A_24 = arith.addi %scan3A_22, %scan3A_23 : i32
    %scan3A_25 = arith.constant 1 : i32
    scf.for %scan3A_35 = %scan3A_22 to %scan3A_24 step %scan3A_25  : i32 {
      %mul3A_36 = arith.constant 1 : i32
      %mul3A_37 = arith.muli %scan3A_35, %mul3A_36 : i32
      %add3A_38 = arith.constant 0 : i32
      %add3A_39 = arith.addi %add3A_38, %mul3A_37 : i32
      %add3A_40 = arith.addi %mul3A_21, %add3A_39 : i32
      "tpu.region"() ({
        %run_scoped3A = tpu.sem_alloc : memref<!tpu.dma_semaphore, #tpu.memory_space<semaphore_mem>>
        %dma_start3A_45 = arith.constant 0 : i32
        %dma_start3A_46 = tpu.memref_slice %arg5[%add3A_40, %dma_start3A_45] : memref<2528x128xi32, #tpu.memory_space<hbm>> -> memref<1x128xi32, #tpu.memory_space<hbm>>
        %dma_start3A_47 = tpu.memref_squeeze %dma_start3A_46 : memref<1x128xi32, #tpu.memory_space<hbm>> -> memref<128xi32, #tpu.memory_space<hbm>>
        %dma_start3A_48 = arith.constant 0 : i32
        %dma_start3A_49 = tpu.memref_slice %arg5[%add3A_40, %dma_start3A_48] : memref<2528x128xi32, #tpu.memory_space<hbm>> -> memref<1x128xi32, #tpu.memory_space<hbm>>
        %dma_start3A_50 = tpu.memref_squeeze %dma_start3A_49 : memref<1x128xi32, #tpu.memory_space<hbm>> -> memref<128xi32, #tpu.memory_space<hbm>>
        tpu.enqueue_dma source(%dma_start3A_50 : memref<128xi32, #tpu.memory_space<hbm>>) target(%arg9 : memref<128xi32, #tpu.memory_space<vmem>>) target_semaphore(%run_scoped3A : memref<!tpu.dma_semaphore, #tpu.memory_space<semaphore_mem>>)
        %dma_wait3A_51 = arith.constant 0 : i32
        %dma_wait3A_52 = tpu.memref_slice %arg5[%add3A_40, %dma_wait3A_51] : memref<2528x128xi32, #tpu.memory_space<hbm>> -> memref<1x128xi32, #tpu.memory_space<hbm>>
        %dma_wait3A_53 = tpu.memref_squeeze %dma_wait3A_52 : memref<1x128xi32, #tpu.memory_space<hbm>> -> memref<128xi32, #tpu.memory_space<hbm>>
        %dma_wait3A_54 = arith.constant 0 : i32
        %dma_wait3A_55 = tpu.memref_slice %arg5[%add3A_40, %dma_wait3A_54] : memref<2528x128xi32, #tpu.memory_space<hbm>> -> memref<1x128xi32, #tpu.memory_space<hbm>>
        %dma_wait3A_56 = tpu.memref_squeeze %dma_wait3A_55 : memref<1x128xi32, #tpu.memory_space<hbm>> -> memref<128xi32, #tpu.memory_space<hbm>>
        tpu.wait_dma2 semaphore(%run_scoped3A : memref<!tpu.dma_semaphore, #tpu.memory_space<semaphore_mem>>) src(%dma_wait3A_56 : memref<128xi32, #tpu.memory_space<hbm>>) dst(%arg9 : memref<128xi32, #tpu.memory_space<vmem>>)
        tpu.yield
      }) : () -> ()
      "tpu.region"() ({
        %run_scoped3A = tpu.sem_alloc : memref<!tpu.dma_semaphore, #tpu.memory_space<semaphore_mem>>
        %dma_start3A_45 = arith.constant 0 : i32
        %dma_start3A_46 = tpu.memref_slice %arg6[%add3A_40, %dma_start3A_45] : memref<2528x128xi32, #tpu.memory_space<hbm>> -> memref<1x128xi32, #tpu.memory_space<hbm>>
        %dma_start3A_47 = tpu.memref_squeeze %dma_start3A_46 : memref<1x128xi32, #tpu.memory_space<hbm>> -> memref<128xi32, #tpu.memory_space<hbm>>
        %dma_start3A_48 = arith.constant 0 : i32
        %dma_start3A_49 = tpu.memref_slice %arg6[%add3A_40, %dma_start3A_48] : memref<2528x128xi32, #tpu.memory_space<hbm>> -> memref<1x128xi32, #tpu.memory_space<hbm>>
        %dma_start3A_50 = tpu.memref_squeeze %dma_start3A_49 : memref<1x128xi32, #tpu.memory_space<hbm>> -> memref<128xi32, #tpu.memory_space<hbm>>
        tpu.enqueue_dma source(%dma_start3A_50 : memref<128xi32, #tpu.memory_space<hbm>>) target(%arg10 : memref<128xi32, #tpu.memory_space<vmem>>) target_semaphore(%run_scoped3A : memref<!tpu.dma_semaphore, #tpu.memory_space<semaphore_mem>>)
        %dma_wait3A_51 = arith.constant 0 : i32
        %dma_wait3A_52 = tpu.memref_slice %arg6[%add3A_40, %dma_wait3A_51] : memref<2528x128xi32, #tpu.memory_space<hbm>> -> memref<1x128xi32, #tpu.memory_space<hbm>>
        %dma_wait3A_53 = tpu.memref_squeeze %dma_wait3A_52 : memref<1x128xi32, #tpu.memory_space<hbm>> -> memref<128xi32, #tpu.memory_space<hbm>>
        %dma_wait3A_54 = arith.constant 0 : i32
        %dma_wait3A_55 = tpu.memref_slice %arg6[%add3A_40, %dma_wait3A_54] : memref<2528x128xi32, #tpu.memory_space<hbm>> -> memref<1x128xi32, #tpu.memory_space<hbm>>
        %dma_wait3A_56 = tpu.memref_squeeze %dma_wait3A_55 : memref<1x128xi32, #tpu.memory_space<hbm>> -> memref<128xi32, #tpu.memory_space<hbm>>
        tpu.wait_dma2 semaphore(%run_scoped3A : memref<!tpu.dma_semaphore, #tpu.memory_space<semaphore_mem>>) src(%dma_wait3A_56 : memref<128xi32, #tpu.memory_space<hbm>>) dst(%arg10 : memref<128xi32, #tpu.memory_space<vmem>>)
        tpu.yield
      }) : () -> ()
      %dma_start3A = arith.constant 0 : i32
      %dma_start3A_41 = arith.constant 0 : i32
      %dma_start3A_42 = tpu.memref_slice %arg2[%dma_start3A, %dma_start3A_41] : memref<10000x128xf32, #tpu.memory_space<hbm>> -> memref<10000x128xf32, #tpu.memory_space<hbm>>
      tpu.enqueue_indirect_dma source(%dma_start3A_42 : memref<10000x128xf32, #tpu.memory_space<hbm>>) target(%arg11 : memref<128x128xf32, #tpu.memory_space<vmem>>) offsets(%arg9 : memref<128xi32, #tpu.memory_space<vmem>>) semaphore(%arg14 : memref<!tpu.dma_semaphore, #tpu.memory_space<semaphore_mem>>)
      %dma_wait3A = arith.constant 0 : i32
      %dma_wait3A_43 = arith.constant 0 : i32
      %dma_wait3A_44 = tpu.memref_slice %arg2[%dma_wait3A, %dma_wait3A_43] : memref<10000x128xf32, #tpu.memory_space<hbm>> -> memref<10000x128xf32, #tpu.memory_space<hbm>>
      tpu.wait_indirect_dma semaphore(%arg14 : memref<!tpu.dma_semaphore, #tpu.memory_space<semaphore_mem>>) src(%dma_wait3A_44 : memref<10000x128xf32, #tpu.memory_space<hbm>>) dst(%arg11 : memref<128x128xf32, #tpu.memory_space<vmem>>)
      "tpu.region"() ({
        %run_scoped3A = tpu.sem_alloc : memref<!tpu.dma_semaphore, #tpu.memory_space<semaphore_mem>>
        %dma_start3A_45 = arith.constant 0 : i32
        %dma_start3A_46 = arith.constant 0 : i32
        %dma_start3A_47 = tpu.memref_slice %arg13[%dma_start3A_45, %dma_start3A_46] : memref<10240x128xf32, #tpu.memory_space<vmem_shared>> -> memref<10240x128xf32, #tpu.memory_space<vmem_shared>>
        tpu.enqueue_indirect_dma source(%arg11 : memref<128x128xf32, #tpu.memory_space<vmem>>) target(%dma_start3A_47 : memref<10240x128xf32, #tpu.memory_space<vmem_shared>>) offsets(%arg10 : memref<128xi32, #tpu.memory_space<vmem>>) semaphore(%run_scoped3A : memref<!tpu.dma_semaphore, #tpu.memory_space<semaphore_mem>>) {add = true}
        %dma_wait3A_48 = arith.constant 0 : i32
        %dma_wait3A_49 = arith.constant 0 : i32
        %dma_wait3A_50 = tpu.memref_slice %arg13[%dma_wait3A_48, %dma_wait3A_49] : memref<10240x128xf32, #tpu.memory_space<vmem_shared>> -> memref<10240x128xf32, #tpu.memory_space<vmem_shared>>
        tpu.wait_indirect_dma semaphore(%run_scoped3A : memref<!tpu.dma_semaphore, #tpu.memory_space<semaphore_mem>>) src(%arg11 : memref<128x128xf32, #tpu.memory_space<vmem>>) dst(%dma_wait3A_50 : memref<10240x128xf32, #tpu.memory_space<vmem_shared>>)
        tpu.yield
      }) : () -> ()
    }
    %scan3A_26 = arith.constant 79 : i32
    %barrier3A_27 = arith.constant 0 : index
    tpu.barrier barrier_id(%barrier3A_27)
    %mul3A_28 = arith.constant 640 : i32
    %mul3A_29 = arith.muli %arg1, %mul3A_28 : i32
    %scan3A_30 = arith.constant 0 : i32
    %scan3A_31 = arith.constant 5 : i32
    %scan3A_32 = arith.addi %scan3A_30, %scan3A_31 : i32
    %scan3A_33 = arith.constant 1 : i32
    scf.for %scan3A_35 = %scan3A_30 to %scan3A_32 step %scan3A_33  : i32 {
      %mul3A_36 = arith.constant 1 : i32
      %mul3A_37 = arith.muli %scan3A_35, %mul3A_36 : i32
      %add3A_38 = arith.constant 0 : i32
      %add3A_39 = arith.addi %add3A_38, %mul3A_37 : i32
      %mul3A_40 = arith.constant 128 : i32
      %mul3A_41 = arith.muli %add3A_39, %mul3A_40 : i32
      %add3A_42 = arith.addi %mul3A_29, %mul3A_41 : i32
      %multiple_of3A = tpu.assume_multiple %add3A_42, 8 : i32
      "tpu.region"() ({
        %run_scoped3A = tpu.sem_alloc : memref<!tpu.dma_semaphore, #tpu.memory_space<semaphore_mem>>
        %dma_start3A = arith.constant 0 : i32
        %dma_start3A_43 = tpu.memref_slice %arg7[%arg0, %multiple_of3A, %dma_start3A] : memref<2x10240x128xf32, #tpu.memory_space<hbm>> -> memref<1x128x128xf32, #tpu.memory_space<hbm>>
        %dma_start3A_44 = tpu.memref_squeeze %dma_start3A_43 : memref<1x128x128xf32, #tpu.memory_space<hbm>> -> memref<128x128xf32, #tpu.memory_space<hbm>>
        %dma_start3A_45 = arith.constant 0 : i32
        %dma_start3A_46 = tpu.memref_slice %arg13[%multiple_of3A, %dma_start3A_45] : memref<10240x128xf32, #tpu.memory_space<vmem_shared>> -> memref<128x128xf32, #tpu.memory_space<vmem_shared>>
        tpu.enqueue_dma source(%dma_start3A_46 : memref<128x128xf32, #tpu.memory_space<vmem_shared>>) target(%dma_start3A_44 : memref<128x128xf32, #tpu.memory_space<hbm>>) target_semaphore(%run_scoped3A : memref<!tpu.dma_semaphore, #tpu.memory_space<semaphore_mem>>)
        %dma_wait3A = arith.constant 0 : i32
        %dma_wait3A_47 = tpu.memref_slice %arg7[%arg0, %multiple_of3A, %dma_wait3A] : memref<2x10240x128xf32, #tpu.memory_space<hbm>> -> memref<1x128x128xf32, #tpu.memory_space<hbm>>
        %dma_wait3A_48 = tpu.memref_squeeze %dma_wait3A_47 : memref<1x128x128xf32, #tpu.memory_space<hbm>> -> memref<128x128xf32, #tpu.memory_space<hbm>>
        %dma_wait3A_49 = arith.constant 0 : i32
        %dma_wait3A_50 = tpu.memref_slice %arg13[%multiple_of3A, %dma_wait3A_49] : memref<10240x128xf32, #tpu.memory_space<vmem_shared>> -> memref<128x128xf32, #tpu.memory_space<vmem_shared>>
        tpu.wait_dma2 semaphore(%run_scoped3A : memref<!tpu.dma_semaphore, #tpu.memory_space<semaphore_mem>>) src(%dma_wait3A_50 : memref<128x128xf32, #tpu.memory_space<vmem_shared>>) dst(%dma_wait3A_48 : memref<128x128xf32, #tpu.memory_space<hbm>>)
        tpu.yield
      }) : () -> ()
    }
    %scan3A_34 = arith.constant 5 : i32
    return
  }
}

module attributes {stable_mosaic.version = 14 : i64} {
  func.func @_tc1p_body(%arg0: i32, %arg1: memref<2x1000x128xf32, #tpu.memory_space<vmem>>, %arg2: memref<2x1000x128xf32, #tpu.memory_space<vmem>>, %arg3: memref<2x1000x128xf32, #tpu.memory_space<vmem>>, %arg4: memref<2x1000x128xf32, #tpu.memory_space<vmem>>, %arg5: memref<1000x128xf32, #tpu.memory_space<vmem>>, %arg6: memref<128x128xf32, #tpu.memory_space<vmem>>, %arg7: memref<128x128xf32, #tpu.memory_space<vmem>>, %arg8: memref<128x128xf32, #tpu.memory_space<vmem>>, %arg9: memref<128x128xf32, #tpu.memory_space<vmem>>, %arg10: memref<128xf32, #tpu.memory_space<vmem>>, %arg11: memref<128xf32, #tpu.memory_space<vmem>>, %arg12: memref<1000x128xf32, #tpu.memory_space<vmem>>, %arg13: memref<1000x1xf32, #tpu.memory_space<vmem>>) attributes {dimension_semantics = [#tpu.dimension_semantics<arbitrary>], iteration_bounds = array<i64: 10>, scalar_prefetch = 0 : i64, scratch_operands = 0 : i64, tpu.core_type = #tpu.core_type<tc>, window_params = [{transform_indices = @transform_0, window_bounds = array<i64: 2, 1000, 128>}, {transform_indices = @transform_1, window_bounds = array<i64: 2, 1000, 128>}, {transform_indices = @transform_2, window_bounds = array<i64: 2, 1000, 128>}, {transform_indices = @transform_3, window_bounds = array<i64: 2, 1000, 128>}, {transform_indices = @transform_4, window_bounds = array<i64: 1000, 128>}, {pipeline_mode = #tpu.pipeline_mode<synchronous>, transform_indices = @transform_5, window_bounds = array<i64: 128, 128>}, {pipeline_mode = #tpu.pipeline_mode<synchronous>, transform_indices = @transform_6, window_bounds = array<i64: 128, 128>}, {pipeline_mode = #tpu.pipeline_mode<synchronous>, transform_indices = @transform_7, window_bounds = array<i64: 128, 128>}, {pipeline_mode = #tpu.pipeline_mode<synchronous>, transform_indices = @transform_8, window_bounds = array<i64: 128, 128>}, {pipeline_mode = #tpu.pipeline_mode<synchronous>, transform_indices = @transform_9, window_bounds = array<i64: 128>}, {pipeline_mode = #tpu.pipeline_mode<synchronous>, transform_indices = @transform_10, window_bounds = array<i64: 128>}, {transform_indices = @transform_11, window_bounds = array<i64: 1000, 128>}, {transform_indices = @transform_12, window_bounds = array<i64: 1000, 1>}]} {
    %get3A = arith.constant 0 : index
    %get3A_0 = arith.constant 0 : index
    %get3A_1 = arith.constant 0 : index
    %get3A_2 = vector.load %arg1[%get3A, %get3A_0, %get3A_1] : memref<2x1000x128xf32, #tpu.memory_space<vmem>>, vector<2x1000x128xf32>
    %get3A_3 = arith.constant 0 : index
    %get3A_4 = arith.constant 0 : index
    %get3A_5 = arith.constant 0 : index
    %get3A_6 = vector.load %arg2[%get3A_3, %get3A_4, %get3A_5] : memref<2x1000x128xf32, #tpu.memory_space<vmem>>, vector<2x1000x128xf32>
    %slice3A = vector.extract_strided_slice %get3A_6 {offsets = [0, 0, 0], sizes = [1, 1000, 128], strides = [1, 1, 1]} : vector<2x1000x128xf32> to vector<1x1000x128xf32>
    %squeeze3A = vector.shape_cast %slice3A : vector<1x1000x128xf32> to vector<1000x128xf32>
    %slice3A_7 = vector.extract_strided_slice %get3A_6 {offsets = [1, 0, 0], sizes = [1, 1000, 128], strides = [1, 1, 1]} : vector<2x1000x128xf32> to vector<1x1000x128xf32>
    %squeeze3A_8 = vector.shape_cast %slice3A_7 : vector<1x1000x128xf32> to vector<1000x128xf32>
    %add3A = arith.addf %squeeze3A, %squeeze3A_8 : vector<1000x128xf32>
    %reduce_max3A = arith.constant dense<0xFF800000> : vector<1000xf32>
    %reduce_max3A_9 = vector.multi_reduction <maximumf>, %add3A, %reduce_max3A [1] : vector<1000x128xf32> to vector<1000xf32>
    %broadcast_in_dim3A = vector.shape_cast %reduce_max3A_9 : vector<1000xf32> to vector<1000x1xf32>
    %max3A = arith.constant 1.000000e+00 : f32
    %max3A_10 = vector.broadcast %max3A : f32 to vector<1000x1xf32>
    %max3A_11 = arith.maximumf %broadcast_in_dim3A, %max3A_10 : vector<1000x1xf32>
    %slice3A_12 = vector.extract_strided_slice %get3A_2 {offsets = [0, 0, 0], sizes = [1, 1000, 128], strides = [1, 1, 1]} : vector<2x1000x128xf32> to vector<1x1000x128xf32>
    %squeeze3A_13 = vector.shape_cast %slice3A_12 : vector<1x1000x128xf32> to vector<1000x128xf32>
    %slice3A_14 = vector.extract_strided_slice %get3A_2 {offsets = [1, 0, 0], sizes = [1, 1000, 128], strides = [1, 1, 1]} : vector<2x1000x128xf32> to vector<1x1000x128xf32>
    %squeeze3A_15 = vector.shape_cast %slice3A_14 : vector<1x1000x128xf32> to vector<1000x128xf32>
    %add3A_16 = arith.addf %squeeze3A_13, %squeeze3A_15 : vector<1000x128xf32>
    %div3A = vector.broadcast %max3A_11 : vector<1000x1xf32> to vector<1000x128xf32>
    %div3A_17 = arith.divf %add3A_16, %div3A : vector<1000x128xf32>
    %get3A_18 = arith.constant 0 : index
    %get3A_19 = arith.constant 0 : index
    %get3A_20 = arith.constant 0 : index
    %get3A_21 = vector.load %arg3[%get3A_18, %get3A_19, %get3A_20] : memref<2x1000x128xf32, #tpu.memory_space<vmem>>, vector<2x1000x128xf32>
    %get3A_22 = arith.constant 0 : index
    %get3A_23 = arith.constant 0 : index
    %get3A_24 = arith.constant 0 : index
    %get3A_25 = vector.load %arg4[%get3A_22, %get3A_23, %get3A_24] : memref<2x1000x128xf32, #tpu.memory_space<vmem>>, vector<2x1000x128xf32>
    %slice3A_26 = vector.extract_strided_slice %get3A_25 {offsets = [0, 0, 0], sizes = [1, 1000, 128], strides = [1, 1, 1]} : vector<2x1000x128xf32> to vector<1x1000x128xf32>
    %squeeze3A_27 = vector.shape_cast %slice3A_26 : vector<1x1000x128xf32> to vector<1000x128xf32>
    %slice3A_28 = vector.extract_strided_slice %get3A_25 {offsets = [1, 0, 0], sizes = [1, 1000, 128], strides = [1, 1, 1]} : vector<2x1000x128xf32> to vector<1x1000x128xf32>
    %squeeze3A_29 = vector.shape_cast %slice3A_28 : vector<1x1000x128xf32> to vector<1000x128xf32>
    %add3A_30 = arith.addf %squeeze3A_27, %squeeze3A_29 : vector<1000x128xf32>
    %reduce_max3A_31 = arith.constant dense<0xFF800000> : vector<1000xf32>
    %reduce_max3A_32 = vector.multi_reduction <maximumf>, %add3A_30, %reduce_max3A_31 [1] : vector<1000x128xf32> to vector<1000xf32>
    %broadcast_in_dim3A_33 = vector.shape_cast %reduce_max3A_32 : vector<1000xf32> to vector<1000x1xf32>
    %max3A_34 = arith.constant 1.000000e+00 : f32
    %max3A_35 = vector.broadcast %max3A_34 : f32 to vector<1000x1xf32>
    %max3A_36 = arith.maximumf %broadcast_in_dim3A_33, %max3A_35 : vector<1000x1xf32>
    %slice3A_37 = vector.extract_strided_slice %get3A_21 {offsets = [0, 0, 0], sizes = [1, 1000, 128], strides = [1, 1, 1]} : vector<2x1000x128xf32> to vector<1x1000x128xf32>
    %squeeze3A_38 = vector.shape_cast %slice3A_37 : vector<1x1000x128xf32> to vector<1000x128xf32>
    %slice3A_39 = vector.extract_strided_slice %get3A_21 {offsets = [1, 0, 0], sizes = [1, 1000, 128], strides = [1, 1, 1]} : vector<2x1000x128xf32> to vector<1x1000x128xf32>
    %squeeze3A_40 = vector.shape_cast %slice3A_39 : vector<1x1000x128xf32> to vector<1000x128xf32>
    %add3A_41 = arith.addf %squeeze3A_38, %squeeze3A_40 : vector<1000x128xf32>
    %div3A_42 = vector.broadcast %max3A_36 : vector<1000x1xf32> to vector<1000x128xf32>
    %div3A_43 = arith.divf %add3A_41, %div3A_42 : vector<1000x128xf32>
    %get3A_44 = arith.constant 0 : index
    %get3A_45 = arith.constant 0 : index
    %get3A_46 = vector.load %arg6[%get3A_44, %get3A_45] : memref<128x128xf32, #tpu.memory_space<vmem>>, vector<128x128xf32>
    %dot_general3A = arith.constant dense<0.000000e+00> : vector<1000x128xf32>
    %dot_general3A_47 = tpu.matmul %div3A_17, %get3A_46, %dot_general3A {dimension_numbers = #tpu.dot_dimension_numbers<[1], [0], [0], [1], [0, 0, 1, 1], [], []>, transpose_lhs_hint = false} : vector<1000x128xf32>, vector<128x128xf32>, vector<1000x128xf32> -> vector<1000x128xf32>
    %get3A_48 = arith.constant 0 : index
    %get3A_49 = arith.constant 0 : index
    %get3A_50 = vector.load %arg7[%get3A_48, %get3A_49] : memref<128x128xf32, #tpu.memory_space<vmem>>, vector<128x128xf32>
    %dot_general3A_51 = arith.constant dense<0.000000e+00> : vector<1000x128xf32>
    %dot_general3A_52 = tpu.matmul %div3A_43, %get3A_50, %dot_general3A_51 {dimension_numbers = #tpu.dot_dimension_numbers<[1], [0], [0], [1], [0, 0, 1, 1], [], []>, transpose_lhs_hint = false} : vector<1000x128xf32>, vector<128x128xf32>, vector<1000x128xf32> -> vector<1000x128xf32>
    %add3A_53 = arith.addf %dot_general3A_47, %dot_general3A_52 : vector<1000x128xf32>
    %get3A_54 = arith.constant 0 : index
    %get3A_55 = arith.constant 0 : index
    %get3A_56 = vector.load %arg5[%get3A_54, %get3A_55] : memref<1000x128xf32, #tpu.memory_space<vmem>>, vector<1000x128xf32>
    %get3A_57 = arith.constant 0 : index
    %get3A_58 = arith.constant 0 : index
    %get3A_59 = vector.load %arg8[%get3A_57, %get3A_58] : memref<128x128xf32, #tpu.memory_space<vmem>>, vector<128x128xf32>
    %get3A_60 = arith.constant 0 : index
    %get3A_61 = arith.constant 0 : index
    %get3A_62 = vector.load %arg9[%get3A_60, %get3A_61] : memref<128x128xf32, #tpu.memory_space<vmem>>, vector<128x128xf32>
    %add3A_63 = arith.addf %get3A_59, %get3A_62 : vector<128x128xf32>
    %dot_general3A_64 = arith.constant dense<0.000000e+00> : vector<1000x128xf32>
    %dot_general3A_65 = tpu.matmul %get3A_56, %add3A_63, %dot_general3A_64 {dimension_numbers = #tpu.dot_dimension_numbers<[1], [0], [0], [1], [0, 0, 1, 1], [], []>, transpose_lhs_hint = false} : vector<1000x128xf32>, vector<128x128xf32>, vector<1000x128xf32> -> vector<1000x128xf32>
    %add3A_66 = arith.addf %add3A_53, %dot_general3A_65 : vector<1000x128xf32>
    %get3A_67 = arith.constant 0 : index
    %get3A_68 = vector.load %arg10[%get3A_67] : memref<128xf32, #tpu.memory_space<vmem>>, vector<128xf32>
    %broadcast_in_dim3A_69 = vector.shape_cast %get3A_68 : vector<128xf32> to vector<1x128xf32>
    %add3A_70 = vector.broadcast %broadcast_in_dim3A_69 : vector<1x128xf32> to vector<1000x128xf32>
    %add3A_71 = arith.addf %add3A_66, %add3A_70 : vector<1000x128xf32>
    %get3A_72 = arith.constant 0 : index
    %get3A_73 = vector.load %arg11[%get3A_72] : memref<128xf32, #tpu.memory_space<vmem>>, vector<128xf32>
    %broadcast_in_dim3A_74 = vector.shape_cast %get3A_73 : vector<128xf32> to vector<1x128xf32>
    %add3A_75 = vector.broadcast %broadcast_in_dim3A_74 : vector<1x128xf32> to vector<1000x128xf32>
    %add3A_76 = arith.addf %add3A_71, %add3A_75 : vector<1000x128xf32>
    %max3A_77 = arith.constant 0.000000e+00 : f32
    %max3A_78 = vector.broadcast %max3A_77 : f32 to vector<1000x128xf32>
    %max3A_79 = arith.maximumf %add3A_76, %max3A_78 : vector<1000x128xf32>
    %swap3A = arith.constant 0 : index
    %swap3A_80 = arith.constant 0 : index
    %swap3A_81 = vector.load %arg12[%swap3A, %swap3A_80] : memref<1000x128xf32, #tpu.memory_space<vmem>>, vector<1000x128xf32>
    tpu.vector_store %arg12[%swap3A, %swap3A_80], %max3A_79 {strides = array<i32>} : memref<1000x128xf32, #tpu.memory_space<vmem>>, vector<1000x128xf32>,
    %div3A_82 = arith.constant 1.000000e+00 : f32
    %div3A_83 = vector.broadcast %div3A_82 : f32 to vector<1000x1xf32>
    %div3A_84 = arith.divf %div3A_83, %max3A_11 : vector<1000x1xf32>
    %swap3A_85 = arith.constant 0 : index
    %swap3A_86 = arith.constant 0 : index
    %swap3A_87 = vector.load %arg13[%swap3A_85, %swap3A_86] : memref<1000x1xf32, #tpu.memory_space<vmem>>, vector<1000x1xf32>
    tpu.vector_store %arg13[%swap3A_85, %swap3A_86], %div3A_84 {strides = array<i32>} : memref<1000x1xf32, #tpu.memory_space<vmem>>, vector<1000x1xf32>,
    return
  }
  func.func @transform_0(%arg0: i32) -> (i32, i32, i32) {
    %c0_i32 = arith.constant 0 : i32
    %c0_i32_0 = arith.constant 0 : i32
    %c0_i32_1 = arith.constant 0 : i32
    return %c0_i32, %arg0, %c0_i32_0 : i32, i32, i32
  }
  func.func @transform_1(%arg0: i32) -> (i32, i32, i32) {
    %c0_i32 = arith.constant 0 : i32
    %c0_i32_0 = arith.constant 0 : i32
    %c0_i32_1 = arith.constant 0 : i32
    return %c0_i32, %arg0, %c0_i32_0 : i32, i32, i32
  }
  func.func @transform_2(%arg0: i32) -> (i32, i32, i32) {
    %c0_i32 = arith.constant 0 : i32
    %c0_i32_0 = arith.constant 0 : i32
    %c0_i32_1 = arith.constant 0 : i32
    return %c0_i32, %arg0, %c0_i32_0 : i32, i32, i32
  }
  func.func @transform_3(%arg0: i32) -> (i32, i32, i32) {
    %c0_i32 = arith.constant 0 : i32
    %c0_i32_0 = arith.constant 0 : i32
    %c0_i32_1 = arith.constant 0 : i32
    return %c0_i32, %arg0, %c0_i32_0 : i32, i32, i32
  }
  func.func @transform_4(%arg0: i32) -> (i32, i32) {
    %c0_i32 = arith.constant 0 : i32
    %c0_i32_0 = arith.constant 0 : i32
    return %arg0, %c0_i32 : i32, i32
  }
  func.func @transform_5(%arg0: i32) -> (i32, i32) {
    %c0_i32 = arith.constant 0 : i32
    %c0_i32_0 = arith.constant 0 : i32
    %c0_i32_1 = arith.constant 0 : i32
    return %c0_i32, %c0_i32_0 : i32, i32
  }
  func.func @transform_6(%arg0: i32) -> (i32, i32) {
    %c0_i32 = arith.constant 0 : i32
    %c0_i32_0 = arith.constant 0 : i32
    %c0_i32_1 = arith.constant 0 : i32
    return %c0_i32, %c0_i32_0 : i32, i32
  }
  func.func @transform_7(%arg0: i32) -> (i32, i32) {
    %c0_i32 = arith.constant 0 : i32
    %c0_i32_0 = arith.constant 0 : i32
    %c0_i32_1 = arith.constant 0 : i32
    return %c0_i32, %c0_i32_0 : i32, i32
  }
  func.func @transform_8(%arg0: i32) -> (i32, i32) {
    %c0_i32 = arith.constant 0 : i32
    %c0_i32_0 = arith.constant 0 : i32
    %c0_i32_1 = arith.constant 0 : i32
    return %c0_i32, %c0_i32_0 : i32, i32
  }
  func.func @transform_9(%arg0: i32) -> i32 {
    %c0_i32 = arith.constant 0 : i32
    %c0_i32_0 = arith.constant 0 : i32
    return %c0_i32 : i32
  }
  func.func @transform_10(%arg0: i32) -> i32 {
    %c0_i32 = arith.constant 0 : i32
    %c0_i32_0 = arith.constant 0 : i32
    return %c0_i32 : i32
  }
  func.func @transform_11(%arg0: i32) -> (i32, i32) {
    %c0_i32 = arith.constant 0 : i32
    %c0_i32_0 = arith.constant 0 : i32
    return %arg0, %c0_i32 : i32, i32
  }
  func.func @transform_12(%arg0: i32) -> (i32, i32) {
    %c0_i32 = arith.constant 0 : i32
    %c0_i32_0 = arith.constant 0 : i32
    return %arg0, %c0_i32 : i32, i32
  }
}

module attributes {stable_mosaic.version = 14 : i64} {
  func.func @_tc1j_body(%arg0: memref<2x2688x128xf32, #tpu.memory_space<vmem>>, %arg1: memref<2x2688x128xf32, #tpu.memory_space<vmem>>, %arg2: memref<2566x128xf32, #tpu.memory_space<vmem>>, %arg3: memref<128x128xf32, #tpu.memory_space<vmem>>, %arg4: memref<128x128xf32, #tpu.memory_space<vmem>>, %arg5: memref<128xf32, #tpu.memory_space<vmem>>, %arg6: memref<2566x128xf32, #tpu.memory_space<vmem>>, %arg7: memref<2566x1xf32, #tpu.memory_space<vmem>>) attributes {dimension_semantics = [], scalar_prefetch = 0 : i64, scratch_operands = 0 : i64, tpu.core_type = #tpu.core_type<tc>} {
    %get3A = arith.constant 0 : index
    %get3A_0 = arith.constant 0 : index
    %get3A_1 = arith.constant 0 : index
    %get3A_2 = vector.load %arg0[%get3A, %get3A_0, %get3A_1] : memref<2x2688x128xf32, #tpu.memory_space<vmem>>, vector<2x2688x128xf32>
    %get3A_3 = arith.constant 0 : index
    %get3A_4 = arith.constant 0 : index
    %get3A_5 = arith.constant 0 : index
    %get3A_6 = vector.load %arg1[%get3A_3, %get3A_4, %get3A_5] : memref<2x2688x128xf32, #tpu.memory_space<vmem>>, vector<2x2688x128xf32>
    %slice3A = vector.extract_strided_slice %get3A_6 {offsets = [0, 0, 0], sizes = [1, 2566, 128], strides = [1, 1, 1]} : vector<2x2688x128xf32> to vector<1x2566x128xf32>
    %squeeze3A = vector.shape_cast %slice3A : vector<1x2566x128xf32> to vector<2566x128xf32>
    %slice3A_7 = vector.extract_strided_slice %get3A_6 {offsets = [1, 0, 0], sizes = [1, 2566, 128], strides = [1, 1, 1]} : vector<2x2688x128xf32> to vector<1x2566x128xf32>
    %squeeze3A_8 = vector.shape_cast %slice3A_7 : vector<1x2566x128xf32> to vector<2566x128xf32>
    %add3A = arith.addf %squeeze3A, %squeeze3A_8 : vector<2566x128xf32>
    %reduce_max3A = arith.constant dense<0xFF800000> : vector<2566xf32>
    %reduce_max3A_9 = vector.multi_reduction <maximumf>, %add3A, %reduce_max3A [1] : vector<2566x128xf32> to vector<2566xf32>
    %broadcast_in_dim3A = vector.shape_cast %reduce_max3A_9 : vector<2566xf32> to vector<2566x1xf32>
    %max3A = arith.constant 1.000000e+00 : f32
    %max3A_10 = vector.broadcast %max3A : f32 to vector<2566x1xf32>
    %max3A_11 = arith.maximumf %broadcast_in_dim3A, %max3A_10 : vector<2566x1xf32>
    %slice3A_12 = vector.extract_strided_slice %get3A_2 {offsets = [0, 0, 0], sizes = [1, 2566, 128], strides = [1, 1, 1]} : vector<2x2688x128xf32> to vector<1x2566x128xf32>
    %squeeze3A_13 = vector.shape_cast %slice3A_12 : vector<1x2566x128xf32> to vector<2566x128xf32>
    %slice3A_14 = vector.extract_strided_slice %get3A_2 {offsets = [1, 0, 0], sizes = [1, 2566, 128], strides = [1, 1, 1]} : vector<2x2688x128xf32> to vector<1x2566x128xf32>
    %squeeze3A_15 = vector.shape_cast %slice3A_14 : vector<1x2566x128xf32> to vector<2566x128xf32>
    %add3A_16 = arith.addf %squeeze3A_13, %squeeze3A_15 : vector<2566x128xf32>
    %div3A = vector.broadcast %max3A_11 : vector<2566x1xf32> to vector<2566x128xf32>
    %div3A_17 = arith.divf %add3A_16, %div3A : vector<2566x128xf32>
    %get3A_18 = arith.constant 0 : index
    %get3A_19 = arith.constant 0 : index
    %get3A_20 = vector.load %arg3[%get3A_18, %get3A_19] : memref<128x128xf32, #tpu.memory_space<vmem>>, vector<128x128xf32>
    %dot_general3A = arith.constant dense<0.000000e+00> : vector<2566x128xf32>
    %dot_general3A_21 = tpu.matmul %div3A_17, %get3A_20, %dot_general3A {dimension_numbers = #tpu.dot_dimension_numbers<[1], [0], [0], [1], [0, 0, 1, 1], [], []>, transpose_lhs_hint = false} : vector<2566x128xf32>, vector<128x128xf32>, vector<2566x128xf32> -> vector<2566x128xf32>
    %get3A_22 = arith.constant 0 : index
    %get3A_23 = arith.constant 0 : index
    %get3A_24 = vector.load %arg2[%get3A_22, %get3A_23] : memref<2566x128xf32, #tpu.memory_space<vmem>>, vector<2566x128xf32>
    %get3A_25 = arith.constant 0 : index
    %get3A_26 = arith.constant 0 : index
    %get3A_27 = vector.load %arg4[%get3A_25, %get3A_26] : memref<128x128xf32, #tpu.memory_space<vmem>>, vector<128x128xf32>
    %dot_general3A_28 = arith.constant dense<0.000000e+00> : vector<2566x128xf32>
    %dot_general3A_29 = tpu.matmul %get3A_24, %get3A_27, %dot_general3A_28 {dimension_numbers = #tpu.dot_dimension_numbers<[1], [0], [0], [1], [0, 0, 1, 1], [], []>, transpose_lhs_hint = false} : vector<2566x128xf32>, vector<128x128xf32>, vector<2566x128xf32> -> vector<2566x128xf32>
    %add3A_30 = arith.addf %dot_general3A_21, %dot_general3A_29 : vector<2566x128xf32>
    %get3A_31 = arith.constant 0 : index
    %get3A_32 = vector.load %arg5[%get3A_31] : memref<128xf32, #tpu.memory_space<vmem>>, vector<128xf32>
    %broadcast_in_dim3A_33 = vector.shape_cast %get3A_32 : vector<128xf32> to vector<1x128xf32>
    %add3A_34 = vector.broadcast %broadcast_in_dim3A_33 : vector<1x128xf32> to vector<2566x128xf32>
    %add3A_35 = arith.addf %add3A_30, %add3A_34 : vector<2566x128xf32>
    %max3A_36 = arith.constant 0.000000e+00 : f32
    %max3A_37 = vector.broadcast %max3A_36 : f32 to vector<2566x128xf32>
    %max3A_38 = arith.maximumf %add3A_35, %max3A_37 : vector<2566x128xf32>
    %swap3A = arith.constant 0 : index
    %swap3A_39 = arith.constant 0 : index
    %swap3A_40 = vector.load %arg6[%swap3A, %swap3A_39] : memref<2566x128xf32, #tpu.memory_space<vmem>>, vector<2566x128xf32>
    tpu.vector_store %arg6[%swap3A, %swap3A_39], %max3A_38 {strides = array<i32>} : memref<2566x128xf32, #tpu.memory_space<vmem>>, vector<2566x128xf32>,
    %div3A_41 = arith.constant 1.000000e+00 : f32
    %div3A_42 = vector.broadcast %div3A_41 : f32 to vector<2566x1xf32>
    %div3A_43 = arith.divf %div3A_42, %max3A_11 : vector<2566x1xf32>
    %swap3A_44 = arith.constant 0 : index
    %swap3A_45 = arith.constant 0 : index
    %swap3A_46 = vector.load %arg7[%swap3A_44, %swap3A_45] : memref<2566x1xf32, #tpu.memory_space<vmem>>, vector<2566x1xf32>
    tpu.vector_store %arg7[%swap3A_44, %swap3A_45], %div3A_43 {strides = array<i32>} : memref<2566x1xf32, #tpu.memory_space<vmem>>, vector<2566x1xf32>,
    return
  }
}

module attributes {stable_mosaic.version = 14 : i64} {
  func.func @_tc2p_body(%arg0: i32, %arg1: memref<2x1000x128xf32, #tpu.memory_space<vmem>>, %arg2: memref<1000x1xf32, #tpu.memory_space<vmem>>, %arg3: memref<1000x128xf32, #tpu.memory_space<vmem>>, %arg4: memref<128x128xf32, #tpu.memory_space<vmem>>, %arg5: memref<128x128xf32, #tpu.memory_space<vmem>>, %arg6: memref<128xf32, #tpu.memory_space<vmem>>, %arg7: memref<1000x128xf32, #tpu.memory_space<vmem>>) attributes {dimension_semantics = [#tpu.dimension_semantics<arbitrary>], iteration_bounds = array<i64: 10>, scalar_prefetch = 0 : i64, scratch_operands = 0 : i64, tpu.core_type = #tpu.core_type<tc>, window_params = [{transform_indices = @transform_0, window_bounds = array<i64: 2, 1000, 128>}, {transform_indices = @transform_1, window_bounds = array<i64: 1000, 1>}, {transform_indices = @transform_2, window_bounds = array<i64: 1000, 128>}, {pipeline_mode = #tpu.pipeline_mode<synchronous>, transform_indices = @transform_3, window_bounds = array<i64: 128, 128>}, {pipeline_mode = #tpu.pipeline_mode<synchronous>, transform_indices = @transform_4, window_bounds = array<i64: 128, 128>}, {pipeline_mode = #tpu.pipeline_mode<synchronous>, transform_indices = @transform_5, window_bounds = array<i64: 128>}, {transform_indices = @transform_6, window_bounds = array<i64: 1000, 128>}]} {
    %get3A = arith.constant 0 : index
    %get3A_0 = arith.constant 0 : index
    %get3A_1 = arith.constant 0 : index
    %get3A_2 = vector.load %arg1[%get3A, %get3A_0, %get3A_1] : memref<2x1000x128xf32, #tpu.memory_space<vmem>>, vector<2x1000x128xf32>
    %slice3A = vector.extract_strided_slice %get3A_2 {offsets = [0, 0, 0], sizes = [1, 1000, 128], strides = [1, 1, 1]} : vector<2x1000x128xf32> to vector<1x1000x128xf32>
    %squeeze3A = vector.shape_cast %slice3A : vector<1x1000x128xf32> to vector<1000x128xf32>
    %slice3A_3 = vector.extract_strided_slice %get3A_2 {offsets = [1, 0, 0], sizes = [1, 1000, 128], strides = [1, 1, 1]} : vector<2x1000x128xf32> to vector<1x1000x128xf32>
    %squeeze3A_4 = vector.shape_cast %slice3A_3 : vector<1x1000x128xf32> to vector<1000x128xf32>
    %add3A = arith.addf %squeeze3A, %squeeze3A_4 : vector<1000x128xf32>
    %get3A_5 = arith.constant 0 : index
    %get3A_6 = arith.constant 0 : index
    %get3A_7 = vector.load %arg2[%get3A_5, %get3A_6] : memref<1000x1xf32, #tpu.memory_space<vmem>>, vector<1000x1xf32>
    %mul3A = vector.broadcast %get3A_7 : vector<1000x1xf32> to vector<1000x128xf32>
    %mul3A_8 = arith.mulf %add3A, %mul3A : vector<1000x128xf32>
    %get3A_9 = arith.constant 0 : index
    %get3A_10 = arith.constant 0 : index
    %get3A_11 = vector.load %arg4[%get3A_9, %get3A_10] : memref<128x128xf32, #tpu.memory_space<vmem>>, vector<128x128xf32>
    %dot_general3A = arith.constant dense<0.000000e+00> : vector<1000x128xf32>
    %dot_general3A_12 = tpu.matmul %mul3A_8, %get3A_11, %dot_general3A {dimension_numbers = #tpu.dot_dimension_numbers<[1], [0], [0], [1], [0, 0, 1, 1], [], []>, transpose_lhs_hint = false} : vector<1000x128xf32>, vector<128x128xf32>, vector<1000x128xf32> -> vector<1000x128xf32>
    %get3A_13 = arith.constant 0 : index
    %get3A_14 = arith.constant 0 : index
    %get3A_15 = vector.load %arg3[%get3A_13, %get3A_14] : memref<1000x128xf32, #tpu.memory_space<vmem>>, vector<1000x128xf32>
    %get3A_16 = arith.constant 0 : index
    %get3A_17 = arith.constant 0 : index
    %get3A_18 = vector.load %arg5[%get3A_16, %get3A_17] : memref<128x128xf32, #tpu.memory_space<vmem>>, vector<128x128xf32>
    %dot_general3A_19 = arith.constant dense<0.000000e+00> : vector<1000x128xf32>
    %dot_general3A_20 = tpu.matmul %get3A_15, %get3A_18, %dot_general3A_19 {dimension_numbers = #tpu.dot_dimension_numbers<[1], [0], [0], [1], [0, 0, 1, 1], [], []>, transpose_lhs_hint = false} : vector<1000x128xf32>, vector<128x128xf32>, vector<1000x128xf32> -> vector<1000x128xf32>
    %add3A_21 = arith.addf %dot_general3A_12, %dot_general3A_20 : vector<1000x128xf32>
    %get3A_22 = arith.constant 0 : index
    %get3A_23 = vector.load %arg6[%get3A_22] : memref<128xf32, #tpu.memory_space<vmem>>, vector<128xf32>
    %broadcast_in_dim3A = vector.shape_cast %get3A_23 : vector<128xf32> to vector<1x128xf32>
    %add3A_24 = vector.broadcast %broadcast_in_dim3A : vector<1x128xf32> to vector<1000x128xf32>
    %add3A_25 = arith.addf %add3A_21, %add3A_24 : vector<1000x128xf32>
    %swap3A = arith.constant 0 : index
    %swap3A_26 = arith.constant 0 : index
    %swap3A_27 = vector.load %arg7[%swap3A, %swap3A_26] : memref<1000x128xf32, #tpu.memory_space<vmem>>, vector<1000x128xf32>
    tpu.vector_store %arg7[%swap3A, %swap3A_26], %add3A_25 {strides = array<i32>} : memref<1000x128xf32, #tpu.memory_space<vmem>>, vector<1000x128xf32>,
    return
  }
  func.func @transform_0(%arg0: i32) -> (i32, i32, i32) {
    %c0_i32 = arith.constant 0 : i32
    %c0_i32_0 = arith.constant 0 : i32
    %c0_i32_1 = arith.constant 0 : i32
    return %c0_i32, %arg0, %c0_i32_0 : i32, i32, i32
  }
  func.func @transform_1(%arg0: i32) -> (i32, i32) {
    %c0_i32 = arith.constant 0 : i32
    %c0_i32_0 = arith.constant 0 : i32
    return %arg0, %c0_i32 : i32, i32
  }
  func.func @transform_2(%arg0: i32) -> (i32, i32) {
    %c0_i32 = arith.constant 0 : i32
    %c0_i32_0 = arith.constant 0 : i32
    return %arg0, %c0_i32 : i32, i32
  }
  func.func @transform_3(%arg0: i32) -> (i32, i32) {
    %c0_i32 = arith.constant 0 : i32
    %c0_i32_0 = arith.constant 0 : i32
    %c0_i32_1 = arith.constant 0 : i32
    return %c0_i32, %c0_i32_0 : i32, i32
  }
  func.func @transform_4(%arg0: i32) -> (i32, i32) {
    %c0_i32 = arith.constant 0 : i32
    %c0_i32_0 = arith.constant 0 : i32
    %c0_i32_1 = arith.constant 0 : i32
    return %c0_i32, %c0_i32_0 : i32, i32
  }
  func.func @transform_5(%arg0: i32) -> i32 {
    %c0_i32 = arith.constant 0 : i32
    %c0_i32_0 = arith.constant 0 : i32
    return %c0_i32 : i32
  }
  func.func @transform_6(%arg0: i32) -> (i32, i32) {
    %c0_i32 = arith.constant 0 : i32
    %c0_i32_0 = arith.constant 0 : i32
    return %arg0, %c0_i32 : i32, i32
  }
}

module attributes {stable_mosaic.version = 14 : i64} {
  func.func @_tc2j_body(%arg0: memref<2x2688x128xf32, #tpu.memory_space<vmem>>, %arg1: memref<2566x1xf32, #tpu.memory_space<vmem>>, %arg2: memref<2566x128xf32, #tpu.memory_space<vmem>>, %arg3: memref<128x128xf32, #tpu.memory_space<vmem>>, %arg4: memref<128x128xf32, #tpu.memory_space<vmem>>, %arg5: memref<128xf32, #tpu.memory_space<vmem>>, %arg6: memref<2566x128xf32, #tpu.memory_space<vmem>>) attributes {dimension_semantics = [], scalar_prefetch = 0 : i64, scratch_operands = 0 : i64, tpu.core_type = #tpu.core_type<tc>} {
    %get3A = arith.constant 0 : index
    %get3A_0 = arith.constant 0 : index
    %get3A_1 = arith.constant 0 : index
    %get3A_2 = vector.load %arg0[%get3A, %get3A_0, %get3A_1] : memref<2x2688x128xf32, #tpu.memory_space<vmem>>, vector<2x2688x128xf32>
    %slice3A = vector.extract_strided_slice %get3A_2 {offsets = [0, 0, 0], sizes = [1, 2566, 128], strides = [1, 1, 1]} : vector<2x2688x128xf32> to vector<1x2566x128xf32>
    %squeeze3A = vector.shape_cast %slice3A : vector<1x2566x128xf32> to vector<2566x128xf32>
    %slice3A_3 = vector.extract_strided_slice %get3A_2 {offsets = [1, 0, 0], sizes = [1, 2566, 128], strides = [1, 1, 1]} : vector<2x2688x128xf32> to vector<1x2566x128xf32>
    %squeeze3A_4 = vector.shape_cast %slice3A_3 : vector<1x2566x128xf32> to vector<2566x128xf32>
    %add3A = arith.addf %squeeze3A, %squeeze3A_4 : vector<2566x128xf32>
    %get3A_5 = arith.constant 0 : index
    %get3A_6 = arith.constant 0 : index
    %get3A_7 = vector.load %arg1[%get3A_5, %get3A_6] : memref<2566x1xf32, #tpu.memory_space<vmem>>, vector<2566x1xf32>
    %mul3A = vector.broadcast %get3A_7 : vector<2566x1xf32> to vector<2566x128xf32>
    %mul3A_8 = arith.mulf %add3A, %mul3A : vector<2566x128xf32>
    %get3A_9 = arith.constant 0 : index
    %get3A_10 = arith.constant 0 : index
    %get3A_11 = vector.load %arg3[%get3A_9, %get3A_10] : memref<128x128xf32, #tpu.memory_space<vmem>>, vector<128x128xf32>
    %dot_general3A = arith.constant dense<0.000000e+00> : vector<2566x128xf32>
    %dot_general3A_12 = tpu.matmul %mul3A_8, %get3A_11, %dot_general3A {dimension_numbers = #tpu.dot_dimension_numbers<[1], [0], [0], [1], [0, 0, 1, 1], [], []>, transpose_lhs_hint = false} : vector<2566x128xf32>, vector<128x128xf32>, vector<2566x128xf32> -> vector<2566x128xf32>
    %get3A_13 = arith.constant 0 : index
    %get3A_14 = arith.constant 0 : index
    %get3A_15 = vector.load %arg2[%get3A_13, %get3A_14] : memref<2566x128xf32, #tpu.memory_space<vmem>>, vector<2566x128xf32>
    %get3A_16 = arith.constant 0 : index
    %get3A_17 = arith.constant 0 : index
    %get3A_18 = vector.load %arg4[%get3A_16, %get3A_17] : memref<128x128xf32, #tpu.memory_space<vmem>>, vector<128x128xf32>
    %dot_general3A_19 = arith.constant dense<0.000000e+00> : vector<2566x128xf32>
    %dot_general3A_20 = tpu.matmul %get3A_15, %get3A_18, %dot_general3A_19 {dimension_numbers = #tpu.dot_dimension_numbers<[1], [0], [0], [1], [0, 0, 1, 1], [], []>, transpose_lhs_hint = false} : vector<2566x128xf32>, vector<128x128xf32>, vector<2566x128xf32> -> vector<2566x128xf32>
    %add3A_21 = arith.addf %dot_general3A_12, %dot_general3A_20 : vector<2566x128xf32>
    %get3A_22 = arith.constant 0 : index
    %get3A_23 = vector.load %arg5[%get3A_22] : memref<128xf32, #tpu.memory_space<vmem>>, vector<128xf32>
    %broadcast_in_dim3A = vector.shape_cast %get3A_23 : vector<128xf32> to vector<1x128xf32>
    %add3A_24 = vector.broadcast %broadcast_in_dim3A : vector<1x128xf32> to vector<2566x128xf32>
    %add3A_25 = arith.addf %add3A_21, %add3A_24 : vector<2566x128xf32>
    %swap3A = arith.constant 0 : index
    %swap3A_26 = arith.constant 0 : index
    %swap3A_27 = vector.load %arg6[%swap3A, %swap3A_26] : memref<2566x128xf32, #tpu.memory_space<vmem>>, vector<2566x128xf32>
    tpu.vector_store %arg6[%swap3A, %swap3A_26], %add3A_25 {strides = array<i32>} : memref<2566x128xf32, #tpu.memory_space<vmem>>, vector<2566x128xf32>,
    return
  }
}

</mosaic_0001>

<sc_bundles>
// kernel: kernel.10.cloned.1.call-start
scs
__scs_entry_jumppad:
0x0: {  	(pc) =	sbr.rel $0x88, $3  }
0x1: {  	(tag) =	ssettag $0x0;
	lr =	simm.s32 $0x1  }
0x2: {  	[smem:$0x3F8B] =	sst lr;
	_ =	strace $0xD0000000  }
0x3: {  	_ = 	snop  }
0x4: {  	_ = 	snop  }
0x5: {  	_ = 	snop  }
0x6: {  	_ = 	snop  }
0x7: {  	_ = 	snop  }
__scs_overlays_trampoline_lowered:
0x8: {  	[smem:$0x3F9A] =	sst s0  }
0x9: {  	[smem:$0x3F9B] =	sst s1  }
0xa: {  	[smem:$0x3F9C] =	sst s2  }
0xb: {  	[smem:$0x3F9D] =	sst s3  }
0xc: {  	[smem:$0x3F9E] =	sst s4  }
0xd: {  	[smem:$0x3F9F] =	sst s5  }
0xe: {  	[smem:$0x3FA0] =	sst s6  }
0xf: {  	[smem:$0x3FA1] =	sst s7  }
0x10: {  	[smem:$0x3FA2] =	sst s8  }
0x11: {  	[smem:$0x3FA3] =	sst s9;
	s0 =	simm.s32 @!p0 $0x0  }
0x12: {  	s1 =	sld [smem:$0x3F89];
	s0 =	simm.s32 @p0 $0x1  }
0x13: {  	[smem:$0x3FA4] =	sst s0;
	s0 =	simm.s32 @!p1 $0x0  }
0x14: {  	s2 =	sld [smem:$0x3F88];
	s0 =	simm.s32 @p1 $0x1  }
0x15: {  	[smem:$0x3FA5] =	sst s0;
	s0 =	simm.s32 @!p2 $0x0  }
0x16: {  	s3 =	sld [smem:$0x3FDB];
	s0 =	simm.s32 @p2 $0x1  }
0x17: {  	s4 =	simm.s32 $0x1BF5;
	[smem:$0x3FA7] =	sst s0  }
0x18: {  	s0 =	sld [smem:$0x3F8A];
	_ =	swait.ge [sflag:s4], $0x0  }
0x19: {  	s7 =	sld [smem:$0x3F8B]  }
0x1a: {  	s8 =	sadd.s32 $0xFFFFE003, lr  }
0x1b: {  	s9 =	sadd.s32 $0xFFFFFEF7, lr;
	s5 =	simm.s32 $0xFFFFFFFF;
	p2 =	slt.u32 s8, $0xFFFFF086  }
0x1c: {  	p1 =	slt.u32 s9, $0xF7A;
	s5 =	simm.s32 @!p2 $0x0  }
0x1d: {  	s5 =	simm.s32 @p1 $0x1;
	p0 =	seq.s32 s7, s2  }
0x1e: {  	s7 =	smul.u32 @!p0 $0xF7A, s2;
	p2 =	seq.s32 @!p0 s5, $0x0  }
0x1f: {  	s9 =	smul.u32 $0xF7A, s1;
	s8 =	simm.s32 @!p0 $0x1BF5;
	p2 =	por !p2, p0  }
0x20: {  	[sflag:s8] =	ssyncset.s32 @!p0 $0xFFFFF086;
	s6 =	sadd.s32 @!p0 s3, s7;
	s7 =	simm.s32 @!p0 $0x108  }
0x21: {  	s3 =	sadd.s32 s3, s9;
	s6 =	sadd.s32 @!p0 $0x88, s6;
	s7 =	simm.s32 @p2 $0x1082  }
0x22: {  	[simem:s7], [sflag:s8] =	dma.local @!p0 [hbm:s6], $0xF7A  }
0x23: {  	s9 =	sor.u32 $0xD0000000, s2;
	s6 =	simm.s32 $0x108;
	_ =	swait.ge @!p0 [sflag:s8], $0x0  }
0x24: {  	s3 =	sadd.s32 $0x88, s3;
	s6 =	simm.s32 @!p1 $0x1082;
	[sflag:s4] =	ssyncset.s32 $0xFFFFF086  }
0x25: {  	[simem:s6], [sflag:s4] =	dma.local [hbm:s3], $0xF7A  }
0x26: {  	[smem:$0x3F8B] =	sst s1;
	(tag) =	ssettag s2;
	_ =	strace s9  }
0x27: {  	s1 =	sld [smem:$0x3F9B]  }
0x28: {  	s2 =	sld [smem:$0x3F9C]  }
0x29: {  	s4 =	sld [smem:$0x3F9E]  }
0x2a: {  	p0 =	seq.s32 s5, $0x0;
	s5 =	sld [smem:$0x3F9F]  }
0x2b: {  	s6 =	sld [smem:$0x3FA0]  }
0x2c: {  	s7 =	sld [smem:$0x3FA1]  }
0x2d: {  	s3 =	simm.s32 $0x108;
	s8 =	sld [smem:$0x3FA2]  }
0x2e: {  	s3 =	simm.s32 @!p0 $0x1082;
	s9 =	sld [smem:$0x3FA3]  }
0x2f: {  	lr =	sadd.s32 s0, s3;
	s0 =	sld [smem:$0x3F9A]  }
0x30: {  	s3 =	sld [smem:$0x3F9D]  }
0x31: {  	[smem:$0x3FA6] =	sst s10  }
0x32: {  	s10 =	sld [smem:$0x3FA4];
	_ =	sdelay $0x3  }
0x33: {  	p0 =	seq.s32 s10, $0x1;
	s10 =	sld [smem:$0x3FA6];
	_ =	sdelay $0x3  }
0x34: {  	[smem:$0x3FA6] =	sst s10  }
0x35: {  	s10 =	sld [smem:$0x3FA5];
	_ =	sdelay $0x3  }
0x36: {  	p1 =	seq.s32 s10, $0x1;
	s10 =	sld [smem:$0x3FA6];
	_ =	sdelay $0x3  }
0x37: {  	[smem:$0x3FA6] =	sst s10  }
0x38: {  	s10 =	sld [smem:$0x3FA7]  }
0x39: {  	_ = 	snop;
	(pc) =	sbr.ind lr, $3  }
0x3a: {  	_ = 	snop  }
0x3b: {  	_ = 	snop  }
0x3c: {  	p2 =	seq.s32 s10, $0x1;
	s10 =	sld [smem:$0x3FA6]  }
0x3d: {  	_ =	shalt  }
0x3e: {  	_ =	shalt  }
0x3f: {  	_ =	shalt  }
0x40: {  	_ =	shalt  }
0x41: {  	_ =	shalt  }
0x42: {  	_ =	shalt  }
0x43: {  	_ =	shalt  }
0x44: {  	_ =	shalt  }
0x45: {  	_ =	shalt  }
0x46: {  	_ =	shalt  }
0x47: {  	_ =	shalt  }
0x48: {  	_ =	shalt  }
0x49: {  	_ =	shalt  }
0x4a: {  	_ =	shalt  }
0x4b: {  	_ =	shalt  }
0x4c: {  	_ =	shalt  }
0x4d: {  	_ =	shalt  }
0x4e: {  	_ =	shalt  }
0x4f: {  	_ =	shalt  }
0x50: {  	_ =	shalt  }
0x51: {  	_ =	shalt  }
0x52: {  	_ =	shalt  }
0x53: {  	_ =	shalt  }
0x54: {  	_ =	shalt  }
0x55: {  	_ =	shalt  }
0x56: {  	_ =	shalt  }
0x57: {  	_ =	shalt  }
0x58: {  	_ =	shalt  }
0x59: {  	_ =	shalt  }
0x5a: {  	_ =	shalt  }
0x5b: {  	_ =	shalt  }
0x5c: {  	_ =	shalt  }
0x5d: {  	_ =	shalt  }
0x5e: {  	_ =	shalt  }
0x5f: {  	_ =	shalt  }
0x60: {  	_ =	shalt  }
0x61: {  	_ =	shalt  }
0x62: {  	_ =	shalt  }
0x63: {  	_ =	shalt  }
0x64: {  	_ =	shalt  }
0x65: {  	_ =	shalt  }
0x66: {  	_ =	shalt  }
0x67: {  	_ =	shalt  }
0x68: {  	_ =	shalt  }
0x69: {  	_ =	shalt  }
0x6a: {  	_ =	shalt  }
0x6b: {  	_ =	shalt  }
0x6c: {  	_ =	shalt  }
0x6d: {  	_ =	shalt  }
0x6e: {  	_ =	shalt  }
0x6f: {  	_ =	shalt  }
0x70: {  	_ =	shalt  }
0x71: {  	_ =	shalt  }
0x72: {  	_ =	shalt  }
0x73: {  	_ =	shalt  }
0x74: {  	_ =	shalt  }
0x75: {  	_ =	shalt  }
0x76: {  	_ =	shalt  }
0x77: {  	_ =	shalt  }
0x78: {  	_ =	shalt  }
0x79: {  	_ =	shalt  }
0x7a: {  	_ =	shalt  }
0x7b: {  	_ =	shalt  }
0x7c: {  	_ =	shalt  }
0x7d: {  	_ =	shalt  }
0x7e: {  	_ =	shalt  }
0x7f: {  	_ =	shalt  }
0x80: {  	_ =	shalt  }
0x81: {  	_ =	shalt  }
0x82: {  	_ =	shalt  }
0x83: {  	_ =	shalt  }
0x84: {  	_ =	shalt  }
0x85: {  	_ =	shalt  }
0x86: {  	_ =	shalt  }
0x87: {  	_ =	shalt  }
.Lfunc_end0:
.L_simem_size_0:
called_computation_lowered:
.L_overlay_start_0:
0x88: {  	s2 =	sld [smem:$0x3FD9]  }
0x89: {  	s3 =	sld [smem:$0x3FFE];
	_ =	sdelay $0x1  }
0x8a: {  	s1 =	srdreg.scid  }
0x8b: {  	s0 =	sand.u32 $0x1, s1  }
0x8c: {  	s15 =	sshll.u32 s0, $0xA;
	s2 =	sadd.s32 s3, s2  }
0x8d: {  	s2 =	sadd.s32 s2, s15  }
0x8e: {  	[smem:$0x3FB2] =	sst s2  }
0x8f: {  	_ = 	snop  }
0x90: {  	s2 =	sld [smem:$0x3FD0];
	_ =	sdelay $0x2  }
0x91: {  	s16 =	simm.s32 $0xB;
	s4 =	simm.s32 $0x10  }
0x92: {  	[smem:s4], [sflag:s16] =	dma.local [hbm:s2], $0x1  }
0x93: {  	_ =	swait.eq [sflag:s16], $0x1  }
0x94: {  	[sflag:s16] =	ssyncset.done $0x0  }
0x95: {  	[sflag:s16] =	ssyncadd.s32 $0xFFFFFFFF  }
0x96: {  	s17 =	sld [smem:$0x11];
	(tm) =	ssettm $0x1  }
0x97: {  	s18 =	sld [smem:$0x3FFB];
	_ =	sdelay $0x3  }
0x98: {  	_ =	strace s18  }
0x99: {  	s2 =	sld [smem:$0x3FFC];
	_ =	sdelay $0x3  }
0x9a: {  	_ =	strace s2  }
0x9b: {  	s2 =	sld [smem:$0x3FFD];
	_ =	sdelay $0x3  }
0x9c: {  	_ =	strace s2  }
0x9d: {  	_ =	strace $0x8FFFFFFF  }
0x9e: {  	s19 =	sld [smem:$0x3FDB];
	_ =	sdelay $0x1  }
0x9f: {  	s20 =	simm.s32 $_scs_section_size  }
0xa0: {  	s5 =	simm.s32 $_size__tile_overlayer_lowered;
	s6 =	simm.s32 $_tile_overlayer_lowered  }
0xa1: {  	s7 =	simm.s32 $0x1BFF;
	s21 =	sshll.u32 s6, $0x1;
	s4 =	sadd.s32 s20, s19  }
0xa2: {  	s22 =	simm.s32 $0x0;
	s5 =	sshll.u32 s5, $0x1;
	s6 =	sadd.s32 s21, s4  }
0xa3: {  	[timem:s22], [sflag:s7] =	dma.local [hbm:s6], s5  }
0xa4: {  	_ =	swait.ge [sflag:s7], s5  }
0xa5: {  	s5 =	ssub.s32 $0x0, s5;
	[sflag:s7] =	ssyncset.done $0x0  }
0xa6: {  	[sflag:s7] =	ssyncadd.s32 s5;
	_ =	sdelay $0x1  }
0xa7: {  	s23 =	simm.s32 $0x1B8B  }
0xa8: {  	_ =	swait.ge [sflag:s23], $0x1  }
0xa9: {  	[sflag:s23] =	ssyncset.done $0x0  }
0xaa: {  	[sflag:s23] =	ssyncadd.s32 $0xFFFFFFFF  }
0xab: {  	s5 =	sld [smem:$0x0]  }
0xac: {  	s6 =	sand.u32 $0xFFFFFFFE, s1  }
0xad: {  	p0 =	sne.s32 s1, s6  }
0xae: {  	s6 =	sshll.u32 @p0 s6, $0xE  }
0xaf: {  	s6 =	sadd.s32 @p0 $0x11B8D, s6;
	s7 =	sshll.u32 @p0 s5, $0x11  }
0xb0: {  	s6 =	sor.u32 @p0 s7, s6  }
0xb1: {  	[sflag:s6] =	ssyncadd.remote.s32 @p0 $0x1;
	_ =	sdelay $0x1  }
0xb2: {  	s6 =	simm.s32 @p0 $0x1B8D  }
0xb3: {  	_ =	swait.eq @p0 [sflag:s6], $0x1  }
0xb4: {  	[sflag:s6] =	ssyncadd.s32 @p0 $0xFFFFFFFF  }
0xb5: {  	s7 =	sshll.u32 @!p0 s1, $0xE  }
0xb6: {  	s7 =	sor.u32 @!p0 $0x4000, s7;
	s6 =	simm.s32 @!p0 $0x1B8D  }
0xb7: {  	s5 =	sshll.u32 @!p0 s5, $0x11;
	s7 =	sadd.s32 @!p0 $0x11B8D, s7;
	_ =	swait.eq @!p0 [sflag:s6], $0x1  }
0xb8: {  	s5 =	sor.u32 @!p0 s5, s7;
	[sflag:s6] =	ssyncadd.s32 @!p0 $0xFFFFFFFF  }
0xb9: {  	s25 =	simm.s32 $0x1B8E;
	s24 =	sld [smem:$0x3FFE];
	[sflag:s5] =	ssyncadd.remote.s32 @!p0 $0x1  }
0xba: {  	s26 =	simm.s32 $execute0_lowered;
	[smem:$0x3FD2] =	sst s25  }
0xbb: {  	s6 =	sshll.u32 s26, $0x1;
	_ =	strace $0x80000049;
	[dreg:$0x1] =	wrdreg $0xFFFFFFFF  }
0xbc: {  	s28 =	simm.s32 $_size_execute0_lowered;
	s4 =	sadd.s32 s4, s6;
	[dreg:$0x0] =	wrdreg $0x0  }
0xbd: {  	s6 =	sshll.u32 s28, $0x1;
	[dreg:$0x2] =	wrdreg s4  }
0xbe: {  	[dreg:$0x3] =	wrdreg s6  }
0xbf: {  	[dreg:$0x4] =	wrdreg $0xC0  }
0xc0: {  	_ =	task [dreg:s22], $0x5FFFF  }
0xc1: {  	[dreg:$0x1] =	wrdreg $0xFFFFFFFF  }
0xc2: {  	[dreg:$0x0] =	wrdreg $0x60  }
0xc3: {  	[dreg:$0x2] =	wrdreg s17  }
0xc4: {  	[dreg:$0x3] =	wrdreg s24  }
0xc5: {  	[dreg:$0x4] =	wrdreg $0x80800  }
0xc6: {  	[dreg:$0x5] =	wrdreg $0x9  }
0xc7: {  	_ =	task.clear_ibuf [dreg:s22], $0x6FFFF;
	_ =	strace $0x90000049  }
0xc8: {  	s29 =	simm.s32 $0x9;
	_ =	strace $0x8000004B  }
0xc9: {  	_ =	swait.ge [sflag:s29], $0x1  }
0xca: {  	[sflag:s29] =	ssyncadd.s32 $0xFFFFFFFF  }
0xcb: {  	_ =	strace $0x9000004B  }
0xcc: {  	_ =	sfence  }
0xcd: {  	s30 =	sld [smem:$0x0];
	_ =	sdelay $0x2  }
0xce: {  	s31 =	sshll.u32 s1, $0xD;
	s1 =	sshrl.u32 s1, $0x2  }
0xcf: {  	s4 =	sand.u32 $0x4000, s31;
	s1 =	sadd.s32 s1, s30  }
0xd0: {  	s0 =	sor.u32 s4, s0;
	s1 =	sshll.u32 s1, $0x11  }
0xd1: {  	s0 =	sor.u32 s1, s0  }
0xd2: {  	s0 =	sadd.s32 $0x8F2B, s0  }
0xd3: {  	[sflag:s0] =	ssyncadd.remote.s32 $0x1  }
0xd4: {  	_ =	sfence.sel $0xFFFF  }
0xd5: {  	[dreg:$0x0] =	wrdreg $0xFFFFFFFF;
	(pc) =	sbr.abs _section_cstart, $3  }
0xd6: {  	[dreg:$0x1] =	wrdreg $0xFFFFFFFF  }
0xd7: {  	_ =	task.clear_ibuf [dreg:s22], $0x2FFFF;
	_ =	strace $0x9FFFFFFF  }
0xd8: {  	(tm) =	ssettm $0x7FFFFFFF  }
0xd9: {  	_ =	shalt  }
tec
execute0_lowered:
.L_overlay_start_1:
0x0: {  	(tag) =	ssettag $0x1  }
0x1: {  	s20 =	stileid.u32;
	s4 =	rddreg [dreg:$0x1]  }
0x2: {  	s0 =	srdreg.scid;
	s7 =	smul.u32 $0x5400, s20;
	s8 =	sadd.s32 $0x135C00, s4  }
0x3: {  	s0 =	sand.u32 $0x1, s0;
	s10 =	smul.u32 $0x14000, s20;
	s11 =	sadd.s32 $0x185C00, s4  }
0x4: {  	s1 =	sshll.u32 s20, $0x1;
	s12 =	sadd.s32 $0x1D5C00, s4;
	s3 =	smul.u32 $0x140000, s0  }
0x5: {  	s1 =	sor.u32 s0, s1;
	s5 =	smul.u32 $0x54000, s0;
	s6 =	ssub.s32 $0x2, s0  }
0x6: {  	s2 =	smul.u32 $0x30, s1;
	s1 =	simm.s32 $0x0;
	s9 =	sshrl.u32 s6, $0x1  }
0x7: {  	s14 =	sadd.s32 $0x4000, s10;
	s21 =	sadd.s32 $0xC000, s10;
	[smem:$0x7FF] =	sst s1  }
0x8: {  	s6 =	ssub.s32 s6, s9;
	s22 =	sadd.s32 s5, s7;
	s13 =	sadd.s32 s3, s10  }
0x9: {  	s15 =	sadd.s32 s3, s14;
	s17 =	sadd.s32 s3, s21;
	s9 =	sshrl.u32 s22, $0x3  }
0xa: {  	s13 =	sshrl.u32 s13, $0x3;
	s24 =	sshrl.u32 s15, $0x3;
	s9 =	sadd.s32 s12, s9  }
0xb: {  	s17 =	sshrl.u32 s17, $0x3;
	s23 =	sadd.s32 s8, s13;
	[dreg:$0x4] =	wrdreg s9  }
0xc: {  	s15 =	sadd.s32 s8, s24;
	s25 =	sadd.s32 s8, s17;
	[dreg:$0x5] =	wrdreg s23  }
0xd: {  	s26 =	sadd.s32 s11, s13;
	s13 =	sadd.s32 s11, s24;
	[dreg:$0x6] =	wrdreg s15  }
0xe: {  	s19 =	sadd.s32 s11, s17;
	s24 =	smul.u32 $0x4F0, s0;
	[dreg:$0x8] =	wrdreg s25  }
0xf: {  	s0 =	smul.u32 $0x280, s0;
	s15 =	sadd.s32 $0x8000, s10;
	[dreg:$0xa] =	wrdreg s26  }
0x10: {  	s10 =	sadd.s32 $0x10000, s10;
	[dreg:$0xb] =	wrdreg s13;
	s16 =	sadd.s32 s3, s15  }
0x11: {  	[dreg:$0xd] =	wrdreg s19;
	s3 =	sadd.s32 s3, s10;
	s16 =	sshrl.u32 s16, $0x3  }
0x12: {  	s25 =	rddreg [dreg:$0x0];
	s3 =	sshrl.u32 s3, $0x3;
	s18 =	sadd.s32 s8, s16  }
0x13: {  	s23 =	smul.u32 $0x9E0, s20;
	s8 =	sadd.s32 s8, s3;
	[dreg:$0x7] =	wrdreg s18  }
0x14: {  	s26 =	smul.u32 $0x500, s20;
	s3 =	sadd.s32 s11, s3;
	[dreg:$0x9] =	wrdreg s8  }
0x15: {  	s19 =	sadd.s32 $0x130C00, s4;
	s13 =	smul.u32 $0x15000, s20;
	[dreg:$0xe] =	wrdreg s3  }
0x16: {  	s18 =	sadd.s32 s11, s16;
	s8 =	sadd.s32 $0x1C00, s7;
	s16 =	rddreg [dreg:$0x2]  }
0x17: {  	s3 =	sadd.s32 $0x3800, s7;
	s11 =	sadd.s32 s2, s4;
	[dreg:$0xc] =	wrdreg s18  }
0x18: {  	s22 =	sadd.s32 s5, s8;
	s5 =	sadd.s32 s5, s3;
	s18 =	sadd.s32 s0, s26  }
0x19: {  	s26 =	sshrl.u32 s13, $0x2;
	s28 =	sadd.s32 s8, s16;
	s29 =	sadd.s32 s3, s16  }
0x1a: {  	s30 =	sadd.s32 $0x130600, s11;
	s31 =	sadd.s32 $0x130610, s11;
	s7 =	sshrl.u32 s22, $0x3  }
0x1b: {  	s8 =	simm.s32 $0x0;
	s5 =	sshrl.u32 s5, $0x3;
	s7 =	sadd.s32 s12, s7  }
0x1c: {  	s22 =	smax.u32 s6, $0x1;
	s5 =	sadd.s32 s12, s5;
	[dreg:$0xf] =	wrdreg s7  }
0x1d: {  	s26 =	sadd.s32 s26, s16;
	s6 =	simm.s32 $0x1;
	[dreg:$0x10] =	wrdreg s5  }
0x1e: {  	s5 =	sadd.s32 s23, s25;
	s7 =	smul.u32 $0x50000, s20;
	s23 =	sadd.s32 s14, s16  }
0x1f: {  	s25 =	sadd.s32 s21, s16;
	_ =	strace $0x8000004A;
	[dreg:$0x11] =	wrdreg s22  }
0x20: {  	s17 =	sadd.s32 s24, s5;
	[dreg:$0x12] =	wrdreg s23;
	s24 =	sadd.s32 s15, s16  }
0x21: {  	[dreg:$0x14] =	wrdreg s25;
	s25 =	sadd.s32 s10, s16;
	s12 =	sshrl.u32 s7, $0x2  }
0x22: {  	s15 =	sadd.s32 $0x130620, s11;
	s5 =	simm.s32 $0x4080;
	s20 =	sadd.s32 s12, s16  }
0x23: {  	[dreg:$0x13] =	wrdreg s24;
	s7 =	simm.s32 $0x80;
	s0 =	sadd.s32 $0x4000, s20  }
0x24: {  	v0 =	vimm.f32 $0.0e+00;
	v1 =	vimm.f32 $1.000000000e+00;
	s2 =	sadd.s32 $0x8000, s20;
	s3 =	sadd.s32 $0xC000, s20;
	s4 =	sadd.s32 $0x10000, s20  }
.LBB2_1:
0x25: {  	s9 =	simm.s32 $0x0;
	s10 =	simm.s32 $0x200  }
.LBB2_2:
0x26: {  	p0 =	sne.s32 s10, $0xFE00;
	[tilespmem:s9+$0xF0] =	vst v1  }
0x27: {  	[tilespmem:s9+$0x4080] =	vst v0  }
0x28: {  	[tilespmem:s9+$0x80] =	vst v1  }
0x29: {  	[tilespmem:s9+$0x4090] =	vst v0  }
0x2a: {  	[tilespmem:s9+$0x90] =	vst v1  }
0x2b: {  	[tilespmem:s9+$0x40A0] =	vst v0  }
0x2c: {  	[tilespmem:s9+$0xA0] =	vst v1  }
0x2d: {  	[tilespmem:s9+$0x40B0] =	vst v0  }
0x2e: {  	[tilespmem:s9+$0xB0] =	vst v1  }
0x2f: {  	[tilespmem:s9+$0x40C0] =	vst v0  }
0x30: {  	[tilespmem:s9+$0xC0] =	vst v1  }
.Ltmp0:
0x31: {  	[tilespmem:s9+$0x40D0] =	vst v0;
	(pc) =	sbr.rel @p0 .LBB2_2-.Ltmp0, $4  }
0x32: {  	[tilespmem:s9+$0xD0] =	vst v1  }
0x33: {  	[tilespmem:s9+$0x40E0] =	vst v0  }
0x34: {  	[tilespmem:s9+$0xE0] =	vst v1  }
0x35: {  	[tilespmem:s9+$0x40F0] =	vst v0;
	s9 =	sshra.s32 s10, $0x2;
	s10 =	sadd.s32 $0x200, s10  }
0x36: {  	[tilespmem:s9+$0xF0] =	vst v1  }
0x37: {  	[tilespmem:s9+$0x4080] =	vst v0  }
0x38: {  	[tilespmem:s9+$0x80] =	vst v1  }
0x39: {  	[tilespmem:s9+$0x4090] =	vst v0  }
0x3a: {  	[tilespmem:s9+$0x90] =	vst v1  }
0x3b: {  	[tilespmem:s9+$0x40A0] =	vst v0  }
0x3c: {  	[tilespmem:s9+$0xA0] =	vst v1  }
0x3d: {  	[tilespmem:s9+$0x40B0] =	vst v0  }
0x3e: {  	[tilespmem:s9+$0xB0] =	vst v1  }
0x3f: {  	[tilespmem:s9+$0x40C0] =	vst v0  }
0x40: {  	[tilespmem:s9+$0xC0] =	vst v1  }
0x41: {  	[tilespmem:s9+$0x40D0] =	vst v0  }
0x42: {  	[tilespmem:s9+$0xD0] =	vst v1  }
0x43: {  	[tilespmem:s9+$0x40E0] =	vst v0  }
0x44: {  	[tilespmem:s9+$0xE0] =	vst v1  }
0x45: {  	[tilespmem:s9+$0x40F0] =	vst v0  }
0x46: {  	[spmem:s20] =	stream.linear.scatter [tilespmem:s5], [sflag:$0x1], $0x4000, $0x38;
	[tilespmem:$0x1C080] =	vst v63  }
0x47: {  	_ =	swait.ge [sflag:s6], $0x4000  }
0x48: {  	[sflag:s6] =	ssyncset.done $0x0  }
0x49: {  	[sflag:s6] =	ssyncadd.s32 $0xFFFFC000  }
0x4a: {  	[spmem:s0] =	stream.linear.scatter [tilespmem:s5], [sflag:$0x1], $0x4000, $0x38;
	[tilespmem:$0x1C080] =	vst v63  }
0x4b: {  	_ =	swait.ge [sflag:s6], $0x4000  }
0x4c: {  	[sflag:s6] =	ssyncset.done $0x0  }
0x4d: {  	[sflag:s6] =	ssyncadd.s32 $0xFFFFC000  }
0x4e: {  	[spmem:s2] =	stream.linear.scatter [tilespmem:s5], [sflag:$0x1], $0x4000, $0x38;
	[tilespmem:$0x1C080] =	vst v63  }
0x4f: {  	_ =	swait.ge [sflag:s6], $0x4000  }
0x50: {  	[sflag:s6] =	ssyncset.done $0x0  }
0x51: {  	[sflag:s6] =	ssyncadd.s32 $0xFFFFC000  }
0x52: {  	[spmem:s3] =	stream.linear.scatter [tilespmem:s5], [sflag:$0x1], $0x4000, $0x38;
	[tilespmem:$0x1C080] =	vst v63  }
0x53: {  	_ =	swait.ge [sflag:s6], $0x4000  }
0x54: {  	[sflag:s6] =	ssyncset.done $0x0  }
0x55: {  	[sflag:s6] =	ssyncadd.s32 $0xFFFFC000  }
0x56: {  	[spmem:s4] =	stream.linear.scatter [tilespmem:s5], [sflag:$0x1], $0x4000, $0x38;
	[tilespmem:$0x1C080] =	vst v63  }
0x57: {  	_ =	swait.ge [sflag:s6], $0x4000  }
0x58: {  	[sflag:s6] =	ssyncset.done $0x0  }
0x59: {  	[sflag:s6] =	ssyncadd.s32 $0xFFFFC000  }
0x5a: {  	s24 =	sadd.s32 $0x0, s17;
	[bflag:$0x0] =	sbarrier.arrive $0xFFFF  }
0x5b: {  	[tilespmem:s1], [sflag:$0x1] =	stream.linear.gather [hbm4b:s24+s1], $0x80, $0x38;
	[tilespmem:$0x1C080] =	vst v63  }
0x5c: {  	_ =	swait.ge [sflag:s6], $0x80  }
0x5d: {  	[sflag:s6] =	ssyncset.done $0x0  }
0x5e: {  	[sflag:s6] =	ssyncadd.s32 $0xFFFFFF80  }
0x5f: {  	[spmem:s16] =	stream.indirect.scatter.add.f32 [tilespmem:s7], [sflag:$0x1], $0x80, s1, s7, $0xb8;
	[tilespmem:$0x1C080] =	vst v63  }
0x60: {  	_ =	swait.ge [sflag:s6], $0x4000  }
0x61: {  	s9 =	simm.s32 $0x10;
	s10 =	simm.s32 $0x20;
	[sflag:s6] =	ssyncset.done $0x0  }
.LBB2_4:
0x62: {  	s11 =	sadd.s32 s9, s17  }
0x63: {  	[sflag:s6] =	ssyncadd.s32 $0xFFFFC000;
	s9 =	smov.u32 s10;
	s12 =	sadd.s32 $0x10, s10  }
0x64: {  	[tilespmem:s1], [sflag:$0x1] =	stream.linear.gather [hbm4b:s11+s1], $0x80, $0x38;
	[tilespmem:$0x1C080] =	vst v63  }
0x65: {  	p0 =	sne.s32 s10, $0x4E0;
	_ =	swait.ge [sflag:s6], $0x80  }
.Ltmp1:
0x66: {  	[sflag:s6] =	ssyncset.done $0x0;
	(pc) =	sbr.rel @p0 .LBB2_4-.Ltmp1, $4  }
0x67: {  	[sflag:s6] =	ssyncadd.s32 $0xFFFFFF80  }
0x68: {  	[spmem:s16] =	stream.indirect.scatter.add.f32 [tilespmem:s7], [sflag:$0x1], $0x80, s1, s7, $0xb8;
	[tilespmem:$0x1C080] =	vst v63  }
0x69: {  	_ =	swait.ge [sflag:s6], $0x4000  }
0x6a: {  	s10 =	smov.u32 s12;
	[sflag:s6] =	ssyncset.done $0x0  }
0x6b: {  	s9 =	sadd.s32 s9, s17;
	[sflag:s6] =	ssyncadd.s32 $0xFFFFC000  }
0x6c: {  	[tilespmem:s1], [sflag:$0x1] =	stream.linear.gather [hbm4b:s9+s1], $0x80, $0x38;
	[tilespmem:$0x1C080] =	vst v63  }
0x6d: {  	_ =	swait.ge [sflag:s6], $0x80  }
0x6e: {  	[sflag:s6] =	ssyncset.done $0x0  }
0x6f: {  	[sflag:s6] =	ssyncadd.s32 $0xFFFFFF80  }
0x70: {  	[spmem:s16] =	stream.indirect.scatter.add.f32 [tilespmem:s7], [sflag:$0x1], $0x80, s1, s7, $0xb8;
	[tilespmem:$0x1C080] =	vst v63  }
0x71: {  	_ =	swait.ge [sflag:s6], $0x4000  }
0x72: {  	[sflag:s6] =	ssyncset.done $0x0  }
0x73: {  	s13 =	stileid.u32;
	[sflag:s6] =	ssyncadd.s32 $0xFFFFC000  }
0x74: {  	s9 =	sshll.u32 s13, $0x6;
	[bflag:$0x0] =	sbarrier.arrive $0xFFFF  }
0x75: {  	s10 =	sshrl.u32 s20, $0x3;
	s9 =	sor.u32 $0x1C01, s9;
	s11 =	rddreg [dreg:$0x5]  }
0x76: {  	[hbm:s11], [sflag:s9] =	dma.local [spmem:s10], $0x800  }
0x77: {  	_ =	swait.ge [sflag:s6], $0x800  }
0x78: {  	[sflag:s6] =	ssyncset.done $0x0;
	s14 =	rddreg [dreg:$0x12]  }
0x79: {  	s12 =	rddreg [dreg:$0x6];
	[sflag:s6] =	ssyncadd.s32 $0xFFFFF800;
	s11 =	sshrl.u32 s14, $0x3  }
0x7a: {  	[hbm:s12], [sflag:s9] =	dma.local [spmem:s11], $0x800  }
0x7b: {  	_ =	swait.ge [sflag:s6], $0x800  }
0x7c: {  	[sflag:s6] =	ssyncset.done $0x0;
	s21 =	rddreg [dreg:$0x13]  }
0x7d: {  	s13 =	rddreg [dreg:$0x7];
	[sflag:s6] =	ssyncadd.s32 $0xFFFFF800;
	s12 =	sshrl.u32 s21, $0x3  }
0x7e: {  	[hbm:s13], [sflag:s9] =	dma.local [spmem:s12], $0x800  }
0x7f: {  	_ =	swait.ge [sflag:s6], $0x800  }
0x80: {  	[sflag:s6] =	ssyncset.done $0x0;
	s22 =	rddreg [dreg:$0x14]  }
0x81: {  	s14 =	rddreg [dreg:$0x8];
	[sflag:s6] =	ssyncadd.s32 $0xFFFFF800;
	s13 =	sshrl.u32 s22, $0x3  }
0x82: {  	[hbm:s14], [sflag:s9] =	dma.local [spmem:s13], $0x800  }
0x83: {  	_ =	swait.ge [sflag:s6], $0x800  }
0x84: {  	[sflag:s6] =	ssyncset.done $0x0  }
0x85: {  	s14 =	sshrl.u32 s25, $0x3;
	s21 =	rddreg [dreg:$0x9];
	[sflag:s6] =	ssyncadd.s32 $0xFFFFF800  }
0x86: {  	[hbm:s21], [sflag:s9] =	dma.local [spmem:s14], $0x800  }
0x87: {  	_ =	swait.ge [sflag:s6], $0x800  }
0x88: {  	[sflag:s6] =	ssyncset.done $0x0  }
0x89: {  	[sflag:s6] =	ssyncadd.s32 $0xFFFFF800  }
0x8a: {  	[bflag:$0x0] =	sbarrier.arrive $0xFFFF  }
0x8b: {  	[spmem:s20] =	stream.linear.scatter [tilespmem:s5], [sflag:$0x1], $0x4000, $0x38;
	[tilespmem:$0x1C080] =	vst v63  }
0x8c: {  	_ =	swait.ge [sflag:s6], $0x4000  }
0x8d: {  	[sflag:s6] =	ssyncset.done $0x0  }
0x8e: {  	[sflag:s6] =	ssyncadd.s32 $0xFFFFC000  }
0x8f: {  	[spmem:s0] =	stream.linear.scatter [tilespmem:s5], [sflag:$0x1], $0x4000, $0x38;
	[tilespmem:$0x1C080] =	vst v63  }
0x90: {  	_ =	swait.ge [sflag:s6], $0x4000  }
0x91: {  	[sflag:s6] =	ssyncset.done $0x0  }
0x92: {  	[sflag:s6] =	ssyncadd.s32 $0xFFFFC000  }
0x93: {  	[spmem:s2] =	stream.linear.scatter [tilespmem:s5], [sflag:$0x1], $0x4000, $0x38;
	[tilespmem:$0x1C080] =	vst v63  }
0x94: {  	_ =	swait.ge [sflag:s6], $0x4000  }
0x95: {  	[sflag:s6] =	ssyncset.done $0x0  }
0x96: {  	[sflag:s6] =	ssyncadd.s32 $0xFFFFC000  }
0x97: {  	[spmem:s3] =	stream.linear.scatter [tilespmem:s5], [sflag:$0x1], $0x4000, $0x38;
	[tilespmem:$0x1C080] =	vst v63  }
0x98: {  	_ =	swait.ge [sflag:s6], $0x4000  }
0x99: {  	[sflag:s6] =	ssyncset.done $0x0  }
0x9a: {  	[sflag:s6] =	ssyncadd.s32 $0xFFFFC000  }
0x9b: {  	[spmem:s4] =	stream.linear.scatter [tilespmem:s5], [sflag:$0x1], $0x4000, $0x38;
	[tilespmem:$0x1C080] =	vst v63  }
0x9c: {  	s23 =	simm.s32 $0x0;
	_ =	swait.ge [sflag:s6], $0x4000  }
0x9d: {  	s22 =	sadd.s32 $0x0, s18;
	s21 =	sand.u32 $0x70, s23;
	[sflag:s6] =	ssyncset.done $0x0  }
0x9e: {  	s22 =	sand.u32 $0xFFFFF80, s22;
	s21 =	sadd.s32 s19, s21;
	[sflag:s6] =	ssyncadd.s32 $0xFFFFC000  }
0x9f: {  	s21 =	sadd.s32 s22, s21;
	[bflag:$0x0] =	sbarrier.arrive $0xFFFF  }
0xa0: {  	[tilespmem:s1], [sflag:$0x1] =	stream.linear.gather [hbm4b:s21+s1], $0x80, $0x38;
	[tilespmem:$0x1C080] =	vst v63  }
0xa1: {  	_ =	swait.ge [sflag:s6], $0x80  }
0xa2: {  	[sflag:s6] =	ssyncset.done $0x0  }
0xa3: {  	s24 =	simm.s32 $0x10;
	s23 =	sadd.s32 $0x10, s18;
	[sflag:s6] =	ssyncadd.s32 $0xFFFFFF80  }
0xa4: {  	[spmem:s16] =	stream.indirect.scatter.add.f32 [tilespmem:s7], [sflag:$0x1], $0x80, s1, s7, $0xb8;
	[tilespmem:$0x1C080] =	vst v63  }
0xa5: {  	s24 =	sand.u32 $0x70, s24;
	s22 =	sand.u32 $0xFFFFF80, s23;
	_ =	swait.ge [sflag:s6], $0x4000  }
0xa6: {  	s23 =	sadd.s32 s19, s24;
	s21 =	simm.s32 $0x20;
	[sflag:s6] =	ssyncset.done $0x0  }
.LBB2_6:
0xa7: {  	s22 =	sadd.s32 s22, s23  }
0xa8: {  	[sflag:s6] =	ssyncadd.s32 $0xFFFFC000;
	s23 =	smov.u32 s21;
	s24 =	sadd.s32 $0x10, s21  }
0xa9: {  	[tilespmem:s1], [sflag:$0x1] =	stream.linear.gather [hbm4b:s22+s1], $0x80, $0x38;
	[tilespmem:$0x1C080] =	vst v63  }
0xaa: {  	p0 =	sne.s32 s21, $0x270;
	_ =	swait.ge [sflag:s6], $0x80  }
.Ltmp2:
0xab: {  	[sflag:s6] =	ssyncset.done $0x0;
	(pc) =	sbr.rel @p0 .LBB2_6-.Ltmp2, $4  }
0xac: {  	s21 =	sadd.s32 s23, s18;
	[sflag:s6] =	ssyncadd.s32 $0xFFFFFF80  }
0xad: {  	[spmem:s16] =	stream.indirect.scatter.add.f32 [tilespmem:s7], [sflag:$0x1], $0x80, s1, s7, $0xb8;
	[tilespmem:$0x1C080] =	vst v63  }
0xae: {  	s23 =	sand.u32 $0x70, s23;
	s22 =	sand.u32 $0xFFFFF80, s21;
	_ =	swait.ge [sflag:s6], $0x4000  }
0xaf: {  	s23 =	sadd.s32 s19, s23;
	s21 =	smov.u32 s24;
	[sflag:s6] =	ssyncset.done $0x0  }
0xb0: {  	s21 =	sadd.s32 s22, s23;
	[sflag:s6] =	ssyncadd.s32 $0xFFFFC000  }
0xb1: {  	[tilespmem:s1], [sflag:$0x1] =	stream.linear.gather [hbm4b:s21+s1], $0x80, $0x38;
	[tilespmem:$0x1C080] =	vst v63  }
0xb2: {  	_ =	swait.ge [sflag:s6], $0x80  }
0xb3: {  	[sflag:s6] =	ssyncset.done $0x0  }
0xb4: {  	[sflag:s6] =	ssyncadd.s32 $0xFFFFFF80  }
0xb5: {  	[spmem:s16] =	stream.indirect.scatter.add.f32 [tilespmem:s7], [sflag:$0x1], $0x80, s1, s7, $0xb8;
	[tilespmem:$0x1C080] =	vst v63  }
0xb6: {  	_ =	swait.ge [sflag:s6], $0x4000  }
0xb7: {  	[sflag:s6] =	ssyncset.done $0x0  }
0xb8: {  	[sflag:s6] =	ssyncadd.s32 $0xFFFFC000  }
0xb9: {  	[bflag:$0x0] =	sbarrier.arrive $0xFFFF  }
0xba: {  	s24 =	rddreg [dreg:$0xa]  }
0xbb: {  	[hbm:s24], [sflag:s9] =	dma.local [spmem:s10], $0x800  }
0xbc: {  	_ =	swait.ge [sflag:s6], $0x800  }
0xbd: {  	[sflag:s6] =	ssyncset.done $0x0  }
0xbe: {  	s22 =	rddreg [dreg:$0xb];
	[sflag:s6] =	ssyncadd.s32 $0xFFFFF800  }
0xbf: {  	[hbm:s22], [sflag:s9] =	dma.local [spmem:s11], $0x800  }
0xc0: {  	_ =	swait.ge [sflag:s6], $0x800  }
0xc1: {  	[sflag:s6] =	ssyncset.done $0x0  }
0xc2: {  	s23 =	rddreg [dreg:$0xc];
	[sflag:s6] =	ssyncadd.s32 $0xFFFFF800  }
0xc3: {  	[hbm:s23], [sflag:s9] =	dma.local [spmem:s12], $0x800  }
0xc4: {  	_ =	swait.ge [sflag:s6], $0x800  }
0xc5: {  	[sflag:s6] =	ssyncset.done $0x0  }
0xc6: {  	s24 =	rddreg [dreg:$0xd];
	[sflag:s6] =	ssyncadd.s32 $0xFFFFF800  }
0xc7: {  	[hbm:s24], [sflag:s9] =	dma.local [spmem:s13], $0x800  }
0xc8: {  	_ =	swait.ge [sflag:s6], $0x800  }
0xc9: {  	[sflag:s6] =	ssyncset.done $0x0  }
0xca: {  	s11 =	rddreg [dreg:$0xe];
	[sflag:s6] =	ssyncadd.s32 $0xFFFFF800  }
0xcb: {  	[hbm:s11], [sflag:s9] =	dma.local [spmem:s14], $0x800  }
0xcc: {  	_ =	swait.ge [sflag:s6], $0x800  }
0xcd: {  	[sflag:s6] =	ssyncset.done $0x0  }
0xce: {  	[sflag:s6] =	ssyncadd.s32 $0xFFFFF800  }
0xcf: {  	[bflag:$0x0] =	sbarrier.arrive $0xFFFF  }
0xd0: {  	[spmem:s26] =	stream.linear.scatter [tilespmem:s5], [sflag:$0x1], $0x1C00, $0x38;
	[tilespmem:$0x1C080] =	vst v63  }
0xd1: {  	_ =	swait.ge [sflag:s6], $0x1C00  }
0xd2: {  	[sflag:s6] =	ssyncset.done $0x0  }
0xd3: {  	[sflag:s6] =	ssyncadd.s32 $0xFFFFE400  }
0xd4: {  	[spmem:s28] =	stream.linear.scatter [tilespmem:s5], [sflag:$0x1], $0x1C00, $0x38;
	[tilespmem:$0x1C080] =	vst v63  }
0xd5: {  	_ =	swait.ge [sflag:s6], $0x1C00  }
0xd6: {  	[sflag:s6] =	ssyncset.done $0x0  }
0xd7: {  	[sflag:s6] =	ssyncadd.s32 $0xFFFFE400  }
0xd8: {  	[spmem:s29] =	stream.linear.scatter [tilespmem:s5], [sflag:$0x1], $0x1C00, $0x38;
	[tilespmem:$0x1C080] =	vst v63  }
0xd9: {  	_ =	swait.ge [sflag:s6], $0x1C00  }
0xda: {  	[sflag:s6] =	ssyncset.done $0x0  }
0xdb: {  	[sflag:s6] =	ssyncadd.s32 $0xFFFFE400  }
0xdc: {  	[bflag:$0x0] =	sbarrier.arrive $0xFFFF  }
0xdd: {  	[tilespmem:s1], [sflag:$0x1] =	stream.linear.gather [hbm4b:s30+s1], $0x80, $0x38;
	[tilespmem:$0x1C080] =	vst v63  }
0xde: {  	_ =	swait.ge [sflag:s6], $0x80  }
0xdf: {  	[sflag:s6] =	ssyncset.done $0x0  }
0xe0: {  	[sflag:s6] =	ssyncadd.s32 $0xFFFFFF80  }
0xe1: {  	[spmem:s16] =	stream.indirect.scatter.add.f32 [tilespmem:s7], [sflag:$0x1], $0x80, s1, s7, $0xb8;
	[tilespmem:$0x1C080] =	vst v63  }
0xe2: {  	_ =	swait.ge [sflag:s6], $0x4000  }
0xe3: {  	[sflag:s6] =	ssyncset.done $0x0  }
0xe4: {  	[sflag:s6] =	ssyncadd.s32 $0xFFFFC000  }
0xe5: {  	[tilespmem:s1], [sflag:$0x1] =	stream.linear.gather [hbm4b:s31+s1], $0x80, $0x38;
	[tilespmem:$0x1C080] =	vst v63  }
0xe6: {  	_ =	swait.ge [sflag:s6], $0x80  }
0xe7: {  	[sflag:s6] =	ssyncset.done $0x0  }
0xe8: {  	[sflag:s6] =	ssyncadd.s32 $0xFFFFFF80  }
0xe9: {  	[spmem:s16] =	stream.indirect.scatter.add.f32 [tilespmem:s7], [sflag:$0x1], $0x80, s1, s7, $0xb8;
	[tilespmem:$0x1C080] =	vst v63  }
0xea: {  	_ =	swait.ge [sflag:s6], $0x4000  }
0xeb: {  	[sflag:s6] =	ssyncset.done $0x0  }
0xec: {  	[sflag:s6] =	ssyncadd.s32 $0xFFFFC000  }
0xed: {  	[tilespmem:s1], [sflag:$0x1] =	stream.linear.gather [hbm4b:s15+s1], $0x80, $0x38;
	[tilespmem:$0x1C080] =	vst v63  }
0xee: {  	_ =	swait.ge [sflag:s6], $0x80  }
0xef: {  	[sflag:s6] =	ssyncset.done $0x0  }
0xf0: {  	[sflag:s6] =	ssyncadd.s32 $0xFFFFFF80  }
0xf1: {  	[spmem:s16] =	stream.indirect.scatter.add.f32 [tilespmem:s7], [sflag:$0x1], $0x80, s1, s7, $0xb8;
	[tilespmem:$0x1C080] =	vst v63  }
0xf2: {  	_ =	swait.ge [sflag:s6], $0x4000  }
0xf3: {  	[sflag:s6] =	ssyncset.done $0x0  }
0xf4: {  	[sflag:s6] =	ssyncadd.s32 $0xFFFFC000  }
0xf5: {  	[bflag:$0x0] =	sbarrier.arrive $0xFFFF  }
0xf6: {  	s12 =	sshrl.u32 s26, $0x3;
	s13 =	rddreg [dreg:$0x4]  }
0xf7: {  	[hbm:s13], [sflag:s9] =	dma.local [spmem:s12], $0x380  }
0xf8: {  	_ =	swait.ge [sflag:s6], $0x380  }
0xf9: {  	[sflag:s6] =	ssyncset.done $0x0  }
0xfa: {  	s14 =	sshrl.u32 s28, $0x3;
	s21 =	rddreg [dreg:$0xf];
	[sflag:s6] =	ssyncadd.s32 $0xFFFFFC80  }
0xfb: {  	[hbm:s21], [sflag:s9] =	dma.local [spmem:s14], $0x380  }
0xfc: {  	_ =	swait.ge [sflag:s6], $0x380  }
0xfd: {  	[sflag:s6] =	ssyncset.done $0x0  }
0xfe: {  	s22 =	sshrl.u32 s29, $0x3;
	s23 =	rddreg [dreg:$0x10];
	[sflag:s6] =	ssyncadd.s32 $0xFFFFFC80  }
0xff: {  	[hbm:s23], [sflag:s9] =	dma.local [spmem:s22], $0x380  }
0x100: {  	_ =	swait.ge [sflag:s6], $0x380  }
0x101: {  	s8 =	sadd.s32 $0x1, s8;
	s24 =	rddreg [dreg:$0x11]  }
0x102: {  	p0 =	sne.s32 s8, s24  }
.Ltmp3:
0x103: {  	_ = 	snop;
	(pc) =	sbr.rel @p0 .LBB2_1-.Ltmp3, $3  }
0x104: {  	_ =	sdelay $0x1  }
0x105: {  	[sflag:s6] =	ssyncset.done $0x0  }
0x106: {  	[sflag:s6] =	ssyncadd.s32 $0xFFFFFC80  }
0x107: {  	_ =	sfence.sel $0x180000  }
0x108: {  	[bflag:$0x0] =	sbarrier.arrive $0xFFFF  }
0x109: {  	_ =	strace $0x9000004A  }
0x10a: {  	s0 =	stileid.u32;
	[bflag:$0x2] =	sbarrier.arrive $0xFFFF  }
0x10b: {  	p0 =	sne.s32 s0, $0x0;
	s0 =	rddreg [dreg:$0x3]  }
0x10c: {  	s0 =	sadd.s32 @!p0 $0x100000, s0  }
0x10d: {  	[sflag:s0] =	ssyncadd.tile.s32 @!p0 $0x1;
	_ =	shalt  }
.Lfunc_end2:
_tile_overlayer_lowered:
.L_overlay_start_2:
0x10e: {  	(tag) =	ssettag $0x2  }
0x10f: {  	s0 =	rddreg [dreg:$0x0];
	s2 =	stileid.u32  }
0x110: {  	s1 =	rddreg [dreg:$0x1];
	p0 =	sne.s32 s2, $0x0  }
0x111: {  	s3 =	rddreg [dreg:$0x2];
	[bflag:$0x3] =	sbarrier.arrive $0xFFFF;
	s2 =	simm.s32 @!p0 $0x1C01  }
0x112: {  	[timem:s3], [sflag:s2] =	dma.local @!p0 [hbm:s0], s1  }
0x113: {  	s0 =	simm.s32 @!p0 $0x1  }
0x114: {  	_ =	swait.ge @!p0 [sflag:s0], s1  }
0x115: {  	s1 =	ssub.s32 @!p0 $0x0, s1;
	[sflag:s0] =	ssyncset.done @!p0 $0x0  }
0x116: {  	[sflag:s0] =	ssyncadd.s32 @!p0 s1  }
0x117: {  	[bflag:$0x3] =	sbarrier.arrive $0xFFFF  }
0x118: {  	_ =	shalt  }

// kernel: kernel.13.cloned.1.call-start
scs
__scs_entry_jumppad:
0x0: {  	(pc) =	sbr.rel $0x88, $3  }
0x1: {  	(tag) =	ssettag $0x0;
	lr =	simm.s32 $0x1  }
0x2: {  	[smem:$0x3F8B] =	sst lr;
	_ =	strace $0xD0000000  }
0x3: {  	_ = 	snop  }
0x4: {  	_ = 	snop  }
0x5: {  	_ = 	snop  }
0x6: {  	_ = 	snop  }
0x7: {  	_ = 	snop  }
__scs_overlays_trampoline_lowered:
0x8: {  	[smem:$0x3F9A] =	sst s0  }
0x9: {  	[smem:$0x3F9B] =	sst s1  }
0xa: {  	[smem:$0x3F9C] =	sst s2  }
0xb: {  	[smem:$0x3F9D] =	sst s3  }
0xc: {  	[smem:$0x3F9E] =	sst s4  }
0xd: {  	[smem:$0x3F9F] =	sst s5  }
0xe: {  	[smem:$0x3FA0] =	sst s6  }
0xf: {  	[smem:$0x3FA1] =	sst s7  }
0x10: {  	[smem:$0x3FA2] =	sst s8  }
0x11: {  	[smem:$0x3FA3] =	sst s9;
	s0 =	simm.s32 @!p0 $0x0  }
0x12: {  	s1 =	sld [smem:$0x3F89];
	s0 =	simm.s32 @p0 $0x1  }
0x13: {  	[smem:$0x3FA4] =	sst s0;
	s0 =	simm.s32 @!p1 $0x0  }
0x14: {  	s2 =	sld [smem:$0x3F88];
	s0 =	simm.s32 @p1 $0x1  }
0x15: {  	[smem:$0x3FA5] =	sst s0;
	s0 =	simm.s32 @!p2 $0x0  }
0x16: {  	s3 =	sld [smem:$0x3FDB];
	s0 =	simm.s32 @p2 $0x1  }
0x17: {  	s4 =	simm.s32 $0x1BF5;
	[smem:$0x3FA7] =	sst s0  }
0x18: {  	s0 =	sld [smem:$0x3F8A];
	_ =	swait.ge [sflag:s4], $0x0  }
0x19: {  	s7 =	sld [smem:$0x3F8B]  }
0x1a: {  	s8 =	sadd.s32 $0xFFFFE003, lr  }
0x1b: {  	s9 =	sadd.s32 $0xFFFFFEF7, lr;
	s5 =	simm.s32 $0xFFFFFFFF;
	p2 =	slt.u32 s8, $0xFFFFF086  }
0x1c: {  	p1 =	slt.u32 s9, $0xF7A;
	s5 =	simm.s32 @!p2 $0x0  }
0x1d: {  	s5 =	simm.s32 @p1 $0x1;
	p0 =	seq.s32 s7, s2  }
0x1e: {  	s7 =	smul.u32 @!p0 $0xF7A, s2;
	p2 =	seq.s32 @!p0 s5, $0x0  }
0x1f: {  	s9 =	smul.u32 $0xF7A, s1;
	s8 =	simm.s32 @!p0 $0x1BF5;
	p2 =	por !p2, p0  }
0x20: {  	[sflag:s8] =	ssyncset.s32 @!p0 $0xFFFFF086;
	s6 =	sadd.s32 @!p0 s3, s7;
	s7 =	simm.s32 @!p0 $0x108  }
0x21: {  	s3 =	sadd.s32 s3, s9;
	s6 =	sadd.s32 @!p0 $0x88, s6;
	s7 =	simm.s32 @p2 $0x1082  }
0x22: {  	[simem:s7], [sflag:s8] =	dma.local @!p0 [hbm:s6], $0xF7A  }
0x23: {  	s9 =	sor.u32 $0xD0000000, s2;
	s6 =	simm.s32 $0x108;
	_ =	swait.ge @!p0 [sflag:s8], $0x0  }
0x24: {  	s3 =	sadd.s32 $0x88, s3;
	s6 =	simm.s32 @!p1 $0x1082;
	[sflag:s4] =	ssyncset.s32 $0xFFFFF086  }
0x25: {  	[simem:s6], [sflag:s4] =	dma.local [hbm:s3], $0xF7A  }
0x26: {  	[smem:$0x3F8B] =	sst s1;
	(tag) =	ssettag s2;
	_ =	strace s9  }
0x27: {  	s1 =	sld [smem:$0x3F9B]  }
0x28: {  	s2 =	sld [smem:$0x3F9C]  }
0x29: {  	s4 =	sld [smem:$0x3F9E]  }
0x2a: {  	p0 =	seq.s32 s5, $0x0;
	s5 =	sld [smem:$0x3F9F]  }
0x2b: {  	s6 =	sld [smem:$0x3FA0]  }
0x2c: {  	s7 =	sld [smem:$0x3FA1]  }
0x2d: {  	s3 =	simm.s32 $0x108;
	s8 =	sld [smem:$0x3FA2]  }
0x2e: {  	s3 =	simm.s32 @!p0 $0x1082;
	s9 =	sld [smem:$0x3FA3]  }
0x2f: {  	lr =	sadd.s32 s0, s3;
	s0 =	sld [smem:$0x3F9A]  }
0x30: {  	s3 =	sld [smem:$0x3F9D]  }
0x31: {  	[smem:$0x3FA6] =	sst s10  }
0x32: {  	s10 =	sld [smem:$0x3FA4];
	_ =	sdelay $0x3  }
0x33: {  	p0 =	seq.s32 s10, $0x1;
	s10 =	sld [smem:$0x3FA6];
	_ =	sdelay $0x3  }
0x34: {  	[smem:$0x3FA6] =	sst s10  }
0x35: {  	s10 =	sld [smem:$0x3FA5];
	_ =	sdelay $0x3  }
0x36: {  	p1 =	seq.s32 s10, $0x1;
	s10 =	sld [smem:$0x3FA6];
	_ =	sdelay $0x3  }
0x37: {  	[smem:$0x3FA6] =	sst s10  }
0x38: {  	s10 =	sld [smem:$0x3FA7]  }
0x39: {  	_ = 	snop;
	(pc) =	sbr.ind lr, $3  }
0x3a: {  	_ = 	snop  }
0x3b: {  	_ = 	snop  }
0x3c: {  	p2 =	seq.s32 s10, $0x1;
	s10 =	sld [smem:$0x3FA6]  }
0x3d: {  	_ =	shalt  }
0x3e: {  	_ =	shalt  }
0x3f: {  	_ =	shalt  }
0x40: {  	_ =	shalt  }
0x41: {  	_ =	shalt  }
0x42: {  	_ =	shalt  }
0x43: {  	_ =	shalt  }
0x44: {  	_ =	shalt  }
0x45: {  	_ =	shalt  }
0x46: {  	_ =	shalt  }
0x47: {  	_ =	shalt  }
0x48: {  	_ =	shalt  }
0x49: {  	_ =	shalt  }
0x4a: {  	_ =	shalt  }
0x4b: {  	_ =	shalt  }
0x4c: {  	_ =	shalt  }
0x4d: {  	_ =	shalt  }
0x4e: {  	_ =	shalt  }
0x4f: {  	_ =	shalt  }
0x50: {  	_ =	shalt  }
0x51: {  	_ =	shalt  }
0x52: {  	_ =	shalt  }
0x53: {  	_ =	shalt  }
0x54: {  	_ =	shalt  }
0x55: {  	_ =	shalt  }
0x56: {  	_ =	shalt  }
0x57: {  	_ =	shalt  }
0x58: {  	_ =	shalt  }
0x59: {  	_ =	shalt  }
0x5a: {  	_ =	shalt  }
0x5b: {  	_ =	shalt  }
0x5c: {  	_ =	shalt  }
0x5d: {  	_ =	shalt  }
0x5e: {  	_ =	shalt  }
0x5f: {  	_ =	shalt  }
0x60: {  	_ =	shalt  }
0x61: {  	_ =	shalt  }
0x62: {  	_ =	shalt  }
0x63: {  	_ =	shalt  }
0x64: {  	_ =	shalt  }
0x65: {  	_ =	shalt  }
0x66: {  	_ =	shalt  }
0x67: {  	_ =	shalt  }
0x68: {  	_ =	shalt  }
0x69: {  	_ =	shalt  }
0x6a: {  	_ =	shalt  }
0x6b: {  	_ =	shalt  }
0x6c: {  	_ =	shalt  }
0x6d: {  	_ =	shalt  }
0x6e: {  	_ =	shalt  }
0x6f: {  	_ =	shalt  }
0x70: {  	_ =	shalt  }
0x71: {  	_ =	shalt  }
0x72: {  	_ =	shalt  }
0x73: {  	_ =	shalt  }
0x74: {  	_ =	shalt  }
0x75: {  	_ =	shalt  }
0x76: {  	_ =	shalt  }
0x77: {  	_ =	shalt  }
0x78: {  	_ =	shalt  }
0x79: {  	_ =	shalt  }
0x7a: {  	_ =	shalt  }
0x7b: {  	_ =	shalt  }
0x7c: {  	_ =	shalt  }
0x7d: {  	_ =	shalt  }
0x7e: {  	_ =	shalt  }
0x7f: {  	_ =	shalt  }
0x80: {  	_ =	shalt  }
0x81: {  	_ =	shalt  }
0x82: {  	_ =	shalt  }
0x83: {  	_ =	shalt  }
0x84: {  	_ =	shalt  }
0x85: {  	_ =	shalt  }
0x86: {  	_ =	shalt  }
0x87: {  	_ =	shalt  }
.Lfunc_end0:
.L_simem_size_0:
called_computation.1_lowered:
.L_overlay_start_0:
0x88: {  	s2 =	sld [smem:$0x3FD9]  }
0x89: {  	s3 =	sld [smem:$0x3FFE];
	_ =	sdelay $0x1  }
0x8a: {  	s1 =	srdreg.scid  }
0x8b: {  	s0 =	sand.u32 $0x1, s1  }
0x8c: {  	s14 =	sshll.u32 s0, $0xA;
	s2 =	sadd.s32 s3, s2  }
0x8d: {  	s2 =	sadd.s32 s2, s14  }
0x8e: {  	[smem:$0x3FB2] =	sst s2  }
0x8f: {  	_ = 	snop  }
0x90: {  	s2 =	sld [smem:$0x3FD0];
	_ =	sdelay $0x1  }
0x91: {  	s15 =	sld [smem:$0x3FC9]  }
0x92: {  	s5 =	simm.s32 $0xB;
	s6 =	simm.s32 $0x10;
	s4 =	sld [smem:$0x3FC3]  }
0x93: {  	[smem:s6], [sflag:s5] =	dma.local [hbm:s2], $0x1  }
0x94: {  	_ =	swait.eq [sflag:s5], $0x1  }
0x95: {  	[sflag:s5] =	ssyncset.done $0x0  }
0x96: {  	[sflag:s5] =	ssyncadd.s32 $0xFFFFFFFF  }
0x97: {  	s16 =	sld [smem:$0x11];
	(tm) =	ssettm $0x1  }
0x98: {  	s17 =	sld [smem:$0x3FFB];
	_ =	sdelay $0x3  }
0x99: {  	_ =	strace s17  }
0x9a: {  	s5 =	sld [smem:$0x3FFC];
	_ =	sdelay $0x3  }
0x9b: {  	_ =	strace s5  }
0x9c: {  	s5 =	sld [smem:$0x3FFD];
	_ =	sdelay $0x3  }
0x9d: {  	_ =	strace s5  }
0x9e: {  	_ =	strace $0x8FFFFFFF  }
0x9f: {  	s18 =	sld [smem:$0x3FDB];
	_ =	sdelay $0x1  }
0xa0: {  	s19 =	simm.s32 $_scs_section_size  }
0xa1: {  	s7 =	simm.s32 $_size__tile_overlayer_lowered;
	s8 =	simm.s32 $_tile_overlayer_lowered  }
0xa2: {  	s22 =	simm.s32 $0x1BFF;
	s21 =	sshll.u32 s8, $0x1;
	s5 =	sadd.s32 s19, s18  }
0xa3: {  	s9 =	simm.s32 $0x0;
	s20 =	sshll.u32 s7, $0x1;
	s7 =	sadd.s32 s21, s5  }
0xa4: {  	[timem:s9], [sflag:s22] =	dma.local [hbm:s7], s20  }
0xa5: {  	_ =	swait.ge [sflag:s22], s20  }
0xa6: {  	s6 =	ssub.s32 $0x0, s20;
	[sflag:s22] =	ssyncset.done $0x0  }
0xa7: {  	[sflag:s22] =	ssyncadd.s32 s6;
	_ =	sdelay $0x1  }
0xa8: {  	s23 =	simm.s32 $0x1B8B  }
0xa9: {  	_ =	swait.ge [sflag:s23], $0x1  }
0xaa: {  	[sflag:s23] =	ssyncset.done $0x0  }
0xab: {  	s25 =	simm.s32 $0x1B8E;
	s24 =	sld [smem:$0x3FFE];
	[sflag:s23] =	ssyncadd.s32 $0xFFFFFFFF  }
0xac: {  	s26 =	simm.s32 $execute0_lowered;
	[smem:$0x3FD2] =	sst s25  }
0xad: {  	s7 =	sshll.u32 s26, $0x1;
	_ =	strace $0x80000046;
	[dreg:$0x1] =	wrdreg $0xFFFFFFFF  }
0xae: {  	s28 =	simm.s32 $_size_execute0_lowered;
	s5 =	sadd.s32 s5, s7;
	[dreg:$0x0] =	wrdreg $0x0  }
0xaf: {  	s7 =	sshll.u32 s28, $0x1;
	[dreg:$0x2] =	wrdreg s5  }
0xb0: {  	[dreg:$0x3] =	wrdreg s7  }
0xb1: {  	[dreg:$0x4] =	wrdreg $0xC0  }
0xb2: {  	_ =	task [dreg:s9], $0x5FFFF  }
0xb3: {  	[dreg:$0x1] =	wrdreg $0xFFFFFFFF  }
0xb4: {  	[dreg:$0x0] =	wrdreg $0x60  }
0xb5: {  	[dreg:$0x2] =	wrdreg s15  }
0xb6: {  	[dreg:$0x3] =	wrdreg s4  }
0xb7: {  	[dreg:$0x4] =	wrdreg s24  }
0xb8: {  	[dreg:$0x5] =	wrdreg s16  }
0xb9: {  	[dreg:$0x6] =	wrdreg $0x81000  }
0xba: {  	[dreg:$0x7] =	wrdreg $0xA  }
0xbb: {  	_ =	task.clear_ibuf [dreg:s9], $0x8FFFF;
	_ =	strace $0x90000046  }
0xbc: {  	s29 =	simm.s32 $0xA;
	_ =	strace $0x80000048  }
0xbd: {  	_ =	swait.ge [sflag:s29], $0x1  }
0xbe: {  	[sflag:s29] =	ssyncadd.s32 $0xFFFFFFFF  }
0xbf: {  	_ =	strace $0x90000048  }
0xc0: {  	_ =	sfence  }
0xc1: {  	s30 =	sld [smem:$0x0];
	_ =	sdelay $0x2  }
0xc2: {  	s31 =	sshll.u32 s1, $0xD;
	s1 =	sshrl.u32 s1, $0x2  }
0xc3: {  	s3 =	sand.u32 $0x4000, s31;
	s1 =	sadd.s32 s1, s30  }
0xc4: {  	s0 =	sor.u32 s3, s0;
	s1 =	sshll.u32 s1, $0x11  }
0xc5: {  	s0 =	sor.u32 s1, s0  }
0xc6: {  	s0 =	sadd.s32 $0x8F2B, s0  }
0xc7: {  	[sflag:s0] =	ssyncadd.remote.s32 $0x1  }
0xc8: {  	_ =	sfence.sel $0xFFFF  }
0xc9: {  	[dreg:$0x0] =	wrdreg $0xFFFFFFFF;
	(pc) =	sbr.abs _section_cstart, $3  }
0xca: {  	[dreg:$0x1] =	wrdreg $0xFFFFFFFF  }
0xcb: {  	_ =	task.clear_ibuf [dreg:s9], $0x2FFFF;
	_ =	strace $0x9FFFFFFF  }
0xcc: {  	(tm) =	ssettm $0x7FFFFFFF  }
0xcd: {  	_ =	shalt  }
tec
execute0_lowered:
.L_overlay_start_1:
0x0: {  	(tag) =	ssettag $0x1  }
0x1: {  	s1 =	rddreg [dreg:$0x0]  }
0x2: {  	s3 =	rddreg [dreg:$0x1]  }
0x3: {  	s0 =	rddreg [dreg:$0x2];
	s12 =	stileid.u32  }
0x4: {  	s2 =	rddreg [dreg:$0x3];
	s6 =	smul.u32 $0x1A0, s12  }
0x5: {  	s4 =	rddreg [dreg:$0x4];
	s5 =	simm.s32 $0x0;
	s7 =	smul.u32 $0x9E0, s12  }
0x6: {  	s9 =	srdreg.scid;
	s29 =	simm.s32 $0x1;
	s8 =	smul.u32 $0xD000, s12  }
0x7: {  	s30 =	simm.s32 $0x4100;
	s31 =	simm.s32 $0x0;
	s26 =	smul.u32 $0x50000, s12  }
0x8: {  	[smem:$0x7FF] =	sst s5;
	s17 =	sand.u32 $0x1, s9;
	s12 =	smul.u32 $0x14000, s12  }
0x9: {  	s13 =	sadd.s32 $0xE0000, s0;
	_ =	strace $0x80000047;
	s14 =	ssub.s32 $0x2, s17  }
0xa: {  	s11 =	smul.u32 $0x140000, s17;
	s15 =	sadd.s32 s6, s0;
	s19 =	sadd.s32 s7, s0  }
0xb: {  	s10 =	sshrl.u32 s14, $0x1;
	s0 =	sadd.s32 s8, s0;
	s21 =	sshrl.u32 s26, $0x2  }
0xc: {  	s18 =	sadd.s32 $0x4000, s12;
	s20 =	sadd.s32 $0x8000, s12;
	s2 =	sadd.s32 s7, s2  }
0xd: {  	s16 =	ssub.s32 s14, s10;
	s22 =	sadd.s32 s11, s12;
	s6 =	sadd.s32 s21, s4  }
0xe: {  	s23 =	sadd.s32 s11, s18;
	s26 =	sadd.s32 s11, s20;
	s21 =	sadd.s32 $0xC000, s12  }
0xf: {  	s9 =	sshrl.u32 s22, $0x3;
	s24 =	sshrl.u32 s23, $0x3;
	s8 =	smax.u32 s16, $0x1  }
0x10: {  	s10 =	sshrl.u32 s26, $0x3;
	s22 =	sadd.s32 $0x10000, s12;
	s16 =	smul.u32 $0x6800, s17  }
0x11: {  	s23 =	smul.u32 $0xD0, s17;
	s26 =	sadd.s32 s21, s4;
	s9 =	sadd.s32 s13, s9  }
0x12: {  	[dreg:$0x7] =	wrdreg s8;
	s25 =	sadd.s32 s13, s24;
	s10 =	sadd.s32 s13, s10  }
0x13: {  	s8 =	sadd.s32 s11, s21;
	s11 =	sadd.s32 s11, s22;
	s24 =	smul.u32 $0x4F0, s17  }
0x14: {  	s28 =	sadd.s32 s22, s4;
	s21 =	simm.s32 $0x2;
	[dreg:$0x6] =	wrdreg s9  }
0x15: {  	[dreg:$0x8] =	wrdreg s25;
	s12 =	sshrl.u32 s8, $0x3;
	s14 =	sshrl.u32 s11, $0x3  }
0x16: {  	s0 =	sadd.s32 s16, s0;
	s23 =	sadd.s32 s23, s15;
	s15 =	sadd.s32 $0xC000, s6  }
0x17: {  	s16 =	sadd.s32 $0x10000, s6;
	s9 =	sadd.s32 s18, s4;
	s25 =	sadd.s32 s20, s4  }
0x18: {  	s11 =	sadd.s32 s13, s12;
	s12 =	sadd.s32 s13, s14;
	s13 =	sadd.s32 $0x4000, s6  }
0x19: {  	s14 =	sadd.s32 $0x8000, s6;
	s17 =	sadd.s32 $0x10000, s0;
	s18 =	sadd.s32 $0x4800, s23  }
0x1a: {  	s23 =	sadd.s32 s24, s19;
	s20 =	sadd.s32 s24, s2;
	s22 =	sshrl.u32 s9, $0x3  }
0x1b: {  	s24 =	sshrl.u32 s26, $0x3;
	s26 =	simm.s32 $0x80;
	s19 =	sadd.s32 $0x6200, s23  }
0x1c: {  	v0 =	vimm.f32 $0.0e+00;
	s23 =	sshrl.u32 s25, $0x3;
	s25 =	sshrl.u32 s28, $0x3;
	s28 =	simm.s32 $0x100  }
.LBB2_1:
0x1d: {  	s0 =	simm.s32 $0x0;
	s2 =	simm.s32 $0x200  }
.LBB2_2:
0x1e: {  	p0 =	sne.s32 s2, $0xFE00;
	[tilespmem:s0+$0x4170] =	vst v0  }
0x1f: {  	[tilespmem:s0+$0x4100] =	vst v0  }
0x20: {  	[tilespmem:s0+$0x4110] =	vst v0  }
.Ltmp0:
0x21: {  	[tilespmem:s0+$0x4120] =	vst v0;
	(pc) =	sbr.rel @p0 .LBB2_2-.Ltmp0, $4  }
0x22: {  	[tilespmem:s0+$0x4130] =	vst v0  }
0x23: {  	[tilespmem:s0+$0x4140] =	vst v0  }
0x24: {  	[tilespmem:s0+$0x4150] =	vst v0  }
0x25: {  	[tilespmem:s0+$0x4160] =	vst v0;
	s0 =	sshra.s32 s2, $0x2;
	s2 =	sadd.s32 $0x200, s2  }
0x26: {  	[tilespmem:s0+$0x4170] =	vst v0  }
0x27: {  	[tilespmem:s0+$0x4100] =	vst v0  }
0x28: {  	[tilespmem:s0+$0x4110] =	vst v0  }
0x29: {  	[tilespmem:s0+$0x4120] =	vst v0  }
0x2a: {  	[tilespmem:s0+$0x4130] =	vst v0  }
0x2b: {  	[tilespmem:s0+$0x4140] =	vst v0  }
0x2c: {  	[tilespmem:s0+$0x4150] =	vst v0  }
0x2d: {  	[tilespmem:s0+$0x4160] =	vst v0;
	s9 =	sadd.s32 $0x0, s18  }
0x2e: {  	[tilespmem:s5], [sflag:$0x2] =	stream.linear.gather [hbm4b:s9+s5], $0x80, $0x38;
	[tilespmem:$0x1C100] =	vst v63  }
0x2f: {  	_ =	swait.ge [sflag:s21], $0x80  }
0x30: {  	[sflag:s21] =	ssyncset.done $0x0  }
0x31: {  	[sflag:s21] =	ssyncadd.s32 $0xFFFFFF80  }
0x32: {  	[tilespmem:s28], [sflag:$0x1] =	stream.indirect.gather [hbm4b:s3+s26], $0x80, s5, s26, $0xb8;
	[tilespmem:$0x1C100] =	vst v63  }
0x33: {  	_ =	swait.ge [sflag:s29], $0x4000  }
0x34: {  	[sflag:s29] =	ssyncset.done $0x0  }
0x35: {  	[sflag:s29] =	ssyncadd.s32 $0xFFFFC000  }
0x36: {  	[hbm4b:s17+s5] =	stream.linear.scatter [tilespmem:s28], [sflag:$0x2], $0x4000, $0x38;
	[tilespmem:$0x1C100] =	vst v63  }
0x37: {  	s2 =	simm.s32 $0x10;
	_ =	swait.ge [sflag:s21], $0x4000  }
0x38: {  	s7 =	simm.s32 $0x20;
	s0 =	sadd.s32 $0x800, s17;
	[sflag:s21] =	ssyncset.done $0x0  }
.LBB2_4:
0x39: {  	s8 =	sadd.s32 s2, s18  }
0x3a: {  	[sflag:s21] =	ssyncadd.s32 $0xFFFFC000;
	s2 =	smov.u32 s7;
	s9 =	sadd.s32 $0x10, s7  }
0x3b: {  	[tilespmem:s5], [sflag:$0x2] =	stream.linear.gather [hbm4b:s8+s5], $0x80, $0x38;
	[tilespmem:$0x1C100] =	vst v63  }
0x3c: {  	p0 =	sne.s32 s7, $0xC0;
	_ =	swait.ge [sflag:s21], $0x80  }
0x3d: {  	[sflag:s21] =	ssyncset.done $0x0  }
0x3e: {  	[sflag:s21] =	ssyncadd.s32 $0xFFFFFF80  }
0x3f: {  	[tilespmem:s28], [sflag:$0x1] =	stream.indirect.gather [hbm4b:s3+s26], $0x80, s5, s26, $0xb8;
	[tilespmem:$0x1C100] =	vst v63  }
0x40: {  	_ =	swait.ge [sflag:s29], $0x4000  }
.Ltmp1:
0x41: {  	[sflag:s29] =	ssyncset.done $0x0;
	(pc) =	sbr.rel @p0 .LBB2_4-.Ltmp1, $4  }
0x42: {  	[sflag:s29] =	ssyncadd.s32 $0xFFFFC000  }
0x43: {  	[hbm4b:s0+s5] =	stream.linear.scatter [tilespmem:s28], [sflag:$0x2], $0x4000, $0x38;
	[tilespmem:$0x1C100] =	vst v63  }
0x44: {  	_ =	swait.ge [sflag:s21], $0x4000  }
0x45: {  	s7 =	smov.u32 s9;
	s0 =	sadd.s32 $0x800, s0;
	[sflag:s21] =	ssyncset.done $0x0  }
0x46: {  	s2 =	sadd.s32 s2, s18;
	[sflag:s21] =	ssyncadd.s32 $0xFFFFC000  }
0x47: {  	[tilespmem:s5], [sflag:$0x2] =	stream.linear.gather [hbm4b:s2+s5], $0x80, $0x38;
	[tilespmem:$0x1C100] =	vst v63  }
0x48: {  	_ =	swait.ge [sflag:s21], $0x80  }
0x49: {  	[sflag:s21] =	ssyncset.done $0x0  }
0x4a: {  	[sflag:s21] =	ssyncadd.s32 $0xFFFFFF80  }
0x4b: {  	[tilespmem:s28], [sflag:$0x1] =	stream.indirect.gather [hbm4b:s3+s26], $0x80, s5, s26, $0xb8;
	[tilespmem:$0x1C100] =	vst v63  }
0x4c: {  	_ =	swait.ge [sflag:s29], $0x4000  }
0x4d: {  	[sflag:s29] =	ssyncset.done $0x0  }
0x4e: {  	[sflag:s29] =	ssyncadd.s32 $0xFFFFC000  }
0x4f: {  	[hbm4b:s0+s5] =	stream.linear.scatter [tilespmem:s28], [sflag:$0x2], $0x4000, $0x38;
	[tilespmem:$0x1C100] =	vst v63  }
0x50: {  	_ =	swait.ge [sflag:s21], $0x4000  }
0x51: {  	[sflag:s21] =	ssyncset.done $0x0  }
0x52: {  	[sflag:s21] =	ssyncadd.s32 $0xFFFFC000  }
0x53: {  	[spmem:s6] =	stream.linear.scatter [tilespmem:s30], [sflag:$0x2], $0x4000, $0x38;
	[tilespmem:$0x1C100] =	vst v63  }
0x54: {  	_ =	swait.ge [sflag:s21], $0x4000  }
0x55: {  	[sflag:s21] =	ssyncset.done $0x0  }
0x56: {  	[sflag:s21] =	ssyncadd.s32 $0xFFFFC000  }
0x57: {  	[spmem:s13] =	stream.linear.scatter [tilespmem:s30], [sflag:$0x2], $0x4000, $0x38;
	[tilespmem:$0x1C100] =	vst v63  }
0x58: {  	_ =	swait.ge [sflag:s21], $0x4000  }
0x59: {  	[sflag:s21] =	ssyncset.done $0x0  }
0x5a: {  	[sflag:s21] =	ssyncadd.s32 $0xFFFFC000  }
0x5b: {  	[spmem:s14] =	stream.linear.scatter [tilespmem:s30], [sflag:$0x2], $0x4000, $0x38;
	[tilespmem:$0x1C100] =	vst v63  }
0x5c: {  	_ =	swait.ge [sflag:s21], $0x4000  }
0x5d: {  	[sflag:s21] =	ssyncset.done $0x0  }
0x5e: {  	[sflag:s21] =	ssyncadd.s32 $0xFFFFC000  }
0x5f: {  	[spmem:s15] =	stream.linear.scatter [tilespmem:s30], [sflag:$0x2], $0x4000, $0x38;
	[tilespmem:$0x1C100] =	vst v63  }
0x60: {  	_ =	swait.ge [sflag:s21], $0x4000  }
0x61: {  	[sflag:s21] =	ssyncset.done $0x0  }
0x62: {  	[sflag:s21] =	ssyncadd.s32 $0xFFFFC000  }
0x63: {  	[spmem:s16] =	stream.linear.scatter [tilespmem:s30], [sflag:$0x2], $0x4000, $0x38;
	[tilespmem:$0x1C100] =	vst v63  }
0x64: {  	_ =	swait.ge [sflag:s21], $0x4000  }
0x65: {  	[sflag:s21] =	ssyncset.done $0x0  }
0x66: {  	[sflag:s21] =	ssyncadd.s32 $0xFFFFC000  }
0x67: {  	s8 =	sadd.s32 $0x0, s19;
	[bflag:$0x0] =	sbarrier.arrive $0xFFFF  }
0x68: {  	[tilespmem:s5], [sflag:$0x2] =	stream.linear.gather [hbm4b:s8+s5], $0x80, $0x38;
	[tilespmem:$0x1C100] =	vst v63  }
0x69: {  	_ =	swait.ge [sflag:s21], $0x80  }
0x6a: {  	[sflag:s21] =	ssyncset.done $0x0  }
0x6b: {  	s9 =	sadd.s32 $0x0, s20;
	[sflag:s21] =	ssyncadd.s32 $0xFFFFFF80  }
0x6c: {  	[tilespmem:s26], [sflag:$0x2] =	stream.linear.gather [hbm4b:s9+s5], $0x80, $0x38;
	[tilespmem:$0x1C100] =	vst v63  }
0x6d: {  	_ =	swait.ge [sflag:s21], $0x80  }
0x6e: {  	[sflag:s21] =	ssyncset.done $0x0  }
0x6f: {  	[sflag:s21] =	ssyncadd.s32 $0xFFFFFF80  }
0x70: {  	[tilespmem:s28], [sflag:$0x1] =	stream.indirect.gather [hbm4b:s1+s26], $0x80, s5, s26, $0xb8;
	[tilespmem:$0x1C100] =	vst v63  }
0x71: {  	_ =	swait.ge [sflag:s29], $0x4000  }
0x72: {  	[sflag:s29] =	ssyncset.done $0x0  }
0x73: {  	[sflag:s29] =	ssyncadd.s32 $0xFFFFC000  }
0x74: {  	[spmem:s4] =	stream.indirect.scatter.add.f32 [tilespmem:s28], [sflag:$0x2], $0x80, s26, s26, $0xb8;
	[tilespmem:$0x1C100] =	vst v63  }
0x75: {  	_ =	swait.ge [sflag:s21], $0x4000  }
0x76: {  	s2 =	simm.s32 $0x20;
	s0 =	simm.s32 $0x10;
	[sflag:s21] =	ssyncset.done $0x0  }
.LBB2_6:
0x77: {  	s7 =	sadd.s32 s0, s19  }
0x78: {  	[sflag:s21] =	ssyncadd.s32 $0xFFFFC000;
	s8 =	smov.u32 s2;
	s9 =	sadd.s32 $0x10, s2  }
0x79: {  	[tilespmem:s5], [sflag:$0x2] =	stream.linear.gather [hbm4b:s7+s5], $0x80, $0x38;
	[tilespmem:$0x1C100] =	vst v63  }
0x7a: {  	p0 =	sne.s32 s2, $0x4E0;
	_ =	swait.ge [sflag:s21], $0x80  }
0x7b: {  	[sflag:s21] =	ssyncset.done $0x0  }
0x7c: {  	s2 =	sadd.s32 s0, s20;
	s0 =	smov.u32 s8;
	[sflag:s21] =	ssyncadd.s32 $0xFFFFFF80  }
0x7d: {  	[tilespmem:s26], [sflag:$0x2] =	stream.linear.gather [hbm4b:s2+s5], $0x80, $0x38;
	[tilespmem:$0x1C100] =	vst v63  }
0x7e: {  	_ =	swait.ge [sflag:s21], $0x80  }
0x7f: {  	[sflag:s21] =	ssyncset.done $0x0  }
0x80: {  	[sflag:s21] =	ssyncadd.s32 $0xFFFFFF80  }
0x81: {  	[tilespmem:s28], [sflag:$0x1] =	stream.indirect.gather [hbm4b:s1+s26], $0x80, s5, s26, $0xb8;
	[tilespmem:$0x1C100] =	vst v63  }
0x82: {  	_ =	swait.ge [sflag:s29], $0x4000  }
.Ltmp2:
0x83: {  	[sflag:s29] =	ssyncset.done $0x0;
	(pc) =	sbr.rel @p0 .LBB2_6-.Ltmp2, $4  }
0x84: {  	[sflag:s29] =	ssyncadd.s32 $0xFFFFC000  }
0x85: {  	[spmem:s4] =	stream.indirect.scatter.add.f32 [tilespmem:s28], [sflag:$0x2], $0x80, s26, s26, $0xb8;
	[tilespmem:$0x1C100] =	vst v63  }
0x86: {  	_ =	swait.ge [sflag:s21], $0x4000  }
0x87: {  	s2 =	smov.u32 s9;
	[sflag:s21] =	ssyncset.done $0x0  }
0x88: {  	s2 =	sadd.s32 s0, s19;
	[sflag:s21] =	ssyncadd.s32 $0xFFFFC000  }
0x89: {  	[tilespmem:s5], [sflag:$0x2] =	stream.linear.gather [hbm4b:s2+s5], $0x80, $0x38;
	[tilespmem:$0x1C100] =	vst v63  }
0x8a: {  	_ =	swait.ge [sflag:s21], $0x80  }
0x8b: {  	[sflag:s21] =	ssyncset.done $0x0  }
0x8c: {  	s7 =	sadd.s32 s0, s20;
	[sflag:s21] =	ssyncadd.s32 $0xFFFFFF80  }
0x8d: {  	[tilespmem:s26], [sflag:$0x2] =	stream.linear.gather [hbm4b:s7+s5], $0x80, $0x38;
	[tilespmem:$0x1C100] =	vst v63  }
0x8e: {  	_ =	swait.ge [sflag:s21], $0x80  }
0x8f: {  	[sflag:s21] =	ssyncset.done $0x0  }
0x90: {  	[sflag:s21] =	ssyncadd.s32 $0xFFFFFF80  }
0x91: {  	[tilespmem:s28], [sflag:$0x1] =	stream.indirect.gather [hbm4b:s1+s26], $0x80, s5, s26, $0xb8;
	[tilespmem:$0x1C100] =	vst v63  }
0x92: {  	_ =	swait.ge [sflag:s29], $0x4000  }
0x93: {  	[sflag:s29] =	ssyncset.done $0x0  }
0x94: {  	[sflag:s29] =	ssyncadd.s32 $0xFFFFC000  }
0x95: {  	[spmem:s4] =	stream.indirect.scatter.add.f32 [tilespmem:s28], [sflag:$0x2], $0x80, s26, s26, $0xb8;
	[tilespmem:$0x1C100] =	vst v63  }
0x96: {  	_ =	swait.ge [sflag:s21], $0x4000  }
0x97: {  	[sflag:s21] =	ssyncset.done $0x0  }
0x98: {  	s8 =	stileid.u32;
	[sflag:s21] =	ssyncadd.s32 $0xFFFFC000  }
0x99: {  	s0 =	sshll.u32 s8, $0x6;
	[bflag:$0x0] =	sbarrier.arrive $0xFFFF  }
0x9a: {  	s9 =	sshrl.u32 s6, $0x3;
	s0 =	sor.u32 $0x1C02, s0;
	s7 =	rddreg [dreg:$0x6]  }
0x9b: {  	[hbm:s7], [sflag:s0] =	dma.local [spmem:s9], $0x800  }
0x9c: {  	_ =	swait.ge [sflag:s21], $0x800  }
0x9d: {  	[sflag:s21] =	ssyncset.done $0x0  }
0x9e: {  	s8 =	rddreg [dreg:$0x8];
	[sflag:s21] =	ssyncadd.s32 $0xFFFFF800  }
0x9f: {  	[hbm:s8], [sflag:s0] =	dma.local [spmem:s22], $0x800  }
0xa0: {  	_ =	swait.ge [sflag:s21], $0x800  }
0xa1: {  	[sflag:s21] =	ssyncset.done $0x0  }
0xa2: {  	[sflag:s21] =	ssyncadd.s32 $0xFFFFF800  }
0xa3: {  	[hbm:s10], [sflag:s0] =	dma.local [spmem:s23], $0x800  }
0xa4: {  	_ =	swait.ge [sflag:s21], $0x800  }
0xa5: {  	[sflag:s21] =	ssyncset.done $0x0  }
0xa6: {  	[sflag:s21] =	ssyncadd.s32 $0xFFFFF800  }
0xa7: {  	[hbm:s11], [sflag:s0] =	dma.local [spmem:s24], $0x800  }
0xa8: {  	_ =	swait.ge [sflag:s21], $0x800  }
0xa9: {  	[sflag:s21] =	ssyncset.done $0x0  }
0xaa: {  	[sflag:s21] =	ssyncadd.s32 $0xFFFFF800  }
0xab: {  	[hbm:s12], [sflag:s0] =	dma.local [spmem:s25], $0x800  }
0xac: {  	_ =	swait.ge [sflag:s21], $0x800  }
0xad: {  	s31 =	sadd.s32 $0x1, s31;
	s9 =	rddreg [dreg:$0x7]  }
0xae: {  	p0 =	sne.s32 s31, s9  }
.Ltmp3:
0xaf: {  	_ = 	snop;
	(pc) =	sbr.rel @p0 .LBB2_1-.Ltmp3, $3  }
0xb0: {  	_ =	sdelay $0x1  }
0xb1: {  	[sflag:s21] =	ssyncset.done $0x0  }
0xb2: {  	[sflag:s21] =	ssyncadd.s32 $0xFFFFF800  }
0xb3: {  	_ =	sfence.sel $0x180000  }
0xb4: {  	[bflag:$0x0] =	sbarrier.arrive $0xFFFF  }
0xb5: {  	_ =	strace $0x90000047  }
0xb6: {  	s0 =	stileid.u32;
	[bflag:$0x2] =	sbarrier.arrive $0xFFFF  }
0xb7: {  	p0 =	sne.s32 s0, $0x0;
	s0 =	rddreg [dreg:$0x5]  }
0xb8: {  	s0 =	sadd.s32 @!p0 $0x100000, s0  }
0xb9: {  	[sflag:s0] =	ssyncadd.tile.s32 @!p0 $0x1;
	_ =	shalt  }
.Lfunc_end2:
_tile_overlayer_lowered:
.L_overlay_start_2:
0xba: {  	(tag) =	ssettag $0x2  }
0xbb: {  	s0 =	rddreg [dreg:$0x0];
	s2 =	stileid.u32  }
0xbc: {  	s1 =	rddreg [dreg:$0x1];
	p0 =	sne.s32 s2, $0x0  }
0xbd: {  	s3 =	rddreg [dreg:$0x2];
	[bflag:$0x3] =	sbarrier.arrive $0xFFFF;
	s2 =	simm.s32 @!p0 $0x1C02  }
0xbe: {  	[timem:s3], [sflag:s2] =	dma.local @!p0 [hbm:s0], s1  }
0xbf: {  	s0 =	simm.s32 @!p0 $0x2  }
0xc0: {  	_ =	swait.ge @!p0 [sflag:s0], s1  }
0xc1: {  	s1 =	ssub.s32 @!p0 $0x0, s1;
	[sflag:s0] =	ssyncset.done @!p0 $0x0  }
0xc2: {  	[sflag:s0] =	ssyncadd.s32 @!p0 s1  }
0xc3: {  	[bflag:$0x3] =	sbarrier.arrive $0xFFFF  }
0xc4: {  	_ =	shalt  }

// kernel: kernel.16.cloned.1.call-start
scs
__scs_entry_jumppad:
0x0: {  	(pc) =	sbr.rel $0x88, $3  }
0x1: {  	(tag) =	ssettag $0x0;
	lr =	simm.s32 $0x1  }
0x2: {  	[smem:$0x3F8B] =	sst lr;
	_ =	strace $0xD0000000  }
0x3: {  	_ = 	snop  }
0x4: {  	_ = 	snop  }
0x5: {  	_ = 	snop  }
0x6: {  	_ = 	snop  }
0x7: {  	_ = 	snop  }
__scs_overlays_trampoline_lowered:
0x8: {  	[smem:$0x3F9A] =	sst s0  }
0x9: {  	[smem:$0x3F9B] =	sst s1  }
0xa: {  	[smem:$0x3F9C] =	sst s2  }
0xb: {  	[smem:$0x3F9D] =	sst s3  }
0xc: {  	[smem:$0x3F9E] =	sst s4  }
0xd: {  	[smem:$0x3F9F] =	sst s5  }
0xe: {  	[smem:$0x3FA0] =	sst s6  }
0xf: {  	[smem:$0x3FA1] =	sst s7  }
0x10: {  	[smem:$0x3FA2] =	sst s8  }
0x11: {  	[smem:$0x3FA3] =	sst s9;
	s0 =	simm.s32 @!p0 $0x0  }
0x12: {  	s1 =	sld [smem:$0x3F89];
	s0 =	simm.s32 @p0 $0x1  }
0x13: {  	[smem:$0x3FA4] =	sst s0;
	s0 =	simm.s32 @!p1 $0x0  }
0x14: {  	s2 =	sld [smem:$0x3F88];
	s0 =	simm.s32 @p1 $0x1  }
0x15: {  	[smem:$0x3FA5] =	sst s0;
	s0 =	simm.s32 @!p2 $0x0  }
0x16: {  	s3 =	sld [smem:$0x3FDB];
	s0 =	simm.s32 @p2 $0x1  }
0x17: {  	s4 =	simm.s32 $0x1BF5;
	[smem:$0x3FA7] =	sst s0  }
0x18: {  	s0 =	sld [smem:$0x3F8A];
	_ =	swait.ge [sflag:s4], $0x0  }
0x19: {  	s7 =	sld [smem:$0x3F8B]  }
0x1a: {  	s8 =	sadd.s32 $0xFFFFE003, lr  }
0x1b: {  	s9 =	sadd.s32 $0xFFFFFEF7, lr;
	s5 =	simm.s32 $0xFFFFFFFF;
	p2 =	slt.u32 s8, $0xFFFFF086  }
0x1c: {  	p1 =	slt.u32 s9, $0xF7A;
	s5 =	simm.s32 @!p2 $0x0  }
0x1d: {  	s5 =	simm.s32 @p1 $0x1;
	p0 =	seq.s32 s7, s2  }
0x1e: {  	s7 =	smul.u32 @!p0 $0xF7A, s2;
	p2 =	seq.s32 @!p0 s5, $0x0  }
0x1f: {  	s9 =	smul.u32 $0xF7A, s1;
	s8 =	simm.s32 @!p0 $0x1BF5;
	p2 =	por !p2, p0  }
0x20: {  	[sflag:s8] =	ssyncset.s32 @!p0 $0xFFFFF086;
	s6 =	sadd.s32 @!p0 s3, s7;
	s7 =	simm.s32 @!p0 $0x108  }
0x21: {  	s3 =	sadd.s32 s3, s9;
	s6 =	sadd.s32 @!p0 $0x88, s6;
	s7 =	simm.s32 @p2 $0x1082  }
0x22: {  	[simem:s7], [sflag:s8] =	dma.local @!p0 [hbm:s6], $0xF7A  }
0x23: {  	s9 =	sor.u32 $0xD0000000, s2;
	s6 =	simm.s32 $0x108;
	_ =	swait.ge @!p0 [sflag:s8], $0x0  }
0x24: {  	s3 =	sadd.s32 $0x88, s3;
	s6 =	simm.s32 @!p1 $0x1082;
	[sflag:s4] =	ssyncset.s32 $0xFFFFF086  }
0x25: {  	[simem:s6], [sflag:s4] =	dma.local [hbm:s3], $0xF7A  }
0x26: {  	[smem:$0x3F8B] =	sst s1;
	(tag) =	ssettag s2;
	_ =	strace s9  }
0x27: {  	s1 =	sld [smem:$0x3F9B]  }
0x28: {  	s2 =	sld [smem:$0x3F9C]  }
0x29: {  	s4 =	sld [smem:$0x3F9E]  }
0x2a: {  	p0 =	seq.s32 s5, $0x0;
	s5 =	sld [smem:$0x3F9F]  }
0x2b: {  	s6 =	sld [smem:$0x3FA0]  }
0x2c: {  	s7 =	sld [smem:$0x3FA1]  }
0x2d: {  	s3 =	simm.s32 $0x108;
	s8 =	sld [smem:$0x3FA2]  }
0x2e: {  	s3 =	simm.s32 @!p0 $0x1082;
	s9 =	sld [smem:$0x3FA3]  }
0x2f: {  	lr =	sadd.s32 s0, s3;
	s0 =	sld [smem:$0x3F9A]  }
0x30: {  	s3 =	sld [smem:$0x3F9D]  }
0x31: {  	[smem:$0x3FA6] =	sst s10  }
0x32: {  	s10 =	sld [smem:$0x3FA4];
	_ =	sdelay $0x3  }
0x33: {  	p0 =	seq.s32 s10, $0x1;
	s10 =	sld [smem:$0x3FA6];
	_ =	sdelay $0x3  }
0x34: {  	[smem:$0x3FA6] =	sst s10  }
0x35: {  	s10 =	sld [smem:$0x3FA5];
	_ =	sdelay $0x3  }
0x36: {  	p1 =	seq.s32 s10, $0x1;
	s10 =	sld [smem:$0x3FA6];
	_ =	sdelay $0x3  }
0x37: {  	[smem:$0x3FA6] =	sst s10  }
0x38: {  	s10 =	sld [smem:$0x3FA7]  }
0x39: {  	_ = 	snop;
	(pc) =	sbr.ind lr, $3  }
0x3a: {  	_ = 	snop  }
0x3b: {  	_ = 	snop  }
0x3c: {  	p2 =	seq.s32 s10, $0x1;
	s10 =	sld [smem:$0x3FA6]  }
0x3d: {  	_ =	shalt  }
0x3e: {  	_ =	shalt  }
0x3f: {  	_ =	shalt  }
0x40: {  	_ =	shalt  }
0x41: {  	_ =	shalt  }
0x42: {  	_ =	shalt  }
0x43: {  	_ =	shalt  }
0x44: {  	_ =	shalt  }
0x45: {  	_ =	shalt  }
0x46: {  	_ =	shalt  }
0x47: {  	_ =	shalt  }
0x48: {  	_ =	shalt  }
0x49: {  	_ =	shalt  }
0x4a: {  	_ =	shalt  }
0x4b: {  	_ =	shalt  }
0x4c: {  	_ =	shalt  }
0x4d: {  	_ =	shalt  }
0x4e: {  	_ =	shalt  }
0x4f: {  	_ =	shalt  }
0x50: {  	_ =	shalt  }
0x51: {  	_ =	shalt  }
0x52: {  	_ =	shalt  }
0x53: {  	_ =	shalt  }
0x54: {  	_ =	shalt  }
0x55: {  	_ =	shalt  }
0x56: {  	_ =	shalt  }
0x57: {  	_ =	shalt  }
0x58: {  	_ =	shalt  }
0x59: {  	_ =	shalt  }
0x5a: {  	_ =	shalt  }
0x5b: {  	_ =	shalt  }
0x5c: {  	_ =	shalt  }
0x5d: {  	_ =	shalt  }
0x5e: {  	_ =	shalt  }
0x5f: {  	_ =	shalt  }
0x60: {  	_ =	shalt  }
0x61: {  	_ =	shalt  }
0x62: {  	_ =	shalt  }
0x63: {  	_ =	shalt  }
0x64: {  	_ =	shalt  }
0x65: {  	_ =	shalt  }
0x66: {  	_ =	shalt  }
0x67: {  	_ =	shalt  }
0x68: {  	_ =	shalt  }
0x69: {  	_ =	shalt  }
0x6a: {  	_ =	shalt  }
0x6b: {  	_ =	shalt  }
0x6c: {  	_ =	shalt  }
0x6d: {  	_ =	shalt  }
0x6e: {  	_ =	shalt  }
0x6f: {  	_ =	shalt  }
0x70: {  	_ =	shalt  }
0x71: {  	_ =	shalt  }
0x72: {  	_ =	shalt  }
0x73: {  	_ =	shalt  }
0x74: {  	_ =	shalt  }
0x75: {  	_ =	shalt  }
0x76: {  	_ =	shalt  }
0x77: {  	_ =	shalt  }
0x78: {  	_ =	shalt  }
0x79: {  	_ =	shalt  }
0x7a: {  	_ =	shalt  }
0x7b: {  	_ =	shalt  }
0x7c: {  	_ =	shalt  }
0x7d: {  	_ =	shalt  }
0x7e: {  	_ =	shalt  }
0x7f: {  	_ =	shalt  }
0x80: {  	_ =	shalt  }
0x81: {  	_ =	shalt  }
0x82: {  	_ =	shalt  }
0x83: {  	_ =	shalt  }
0x84: {  	_ =	shalt  }
0x85: {  	_ =	shalt  }
0x86: {  	_ =	shalt  }
0x87: {  	_ =	shalt  }
.Lfunc_end0:
.L_simem_size_0:
called_computation.2_lowered:
.L_overlay_start_0:
0x88: {  	s2 =	sld [smem:$0x3FD9]  }
0x89: {  	s3 =	sld [smem:$0x3FFE];
	_ =	sdelay $0x1  }
0x8a: {  	s1 =	srdreg.scid  }
0x8b: {  	s0 =	sand.u32 $0x1, s1  }
0x8c: {  	s15 =	sshll.u32 s0, $0xA;
	s2 =	sadd.s32 s3, s2  }
0x8d: {  	s2 =	sadd.s32 s2, s15  }
0x8e: {  	[smem:$0x3FB2] =	sst s2  }
0x8f: {  	_ = 	snop  }
0x90: {  	s16 =	sld [smem:$0x3FD0];
	_ =	sdelay $0x2  }
0x91: {  	s4 =	simm.s32 $0xB;
	s5 =	simm.s32 $0x10;
	s2 =	sld [smem:$0x3FC9]  }
0x92: {  	[smem:s5], [sflag:s4] =	dma.local [hbm:s16], $0x1  }
0x93: {  	_ =	swait.eq [sflag:s4], $0x1  }
0x94: {  	[sflag:s4] =	ssyncset.done $0x0  }
0x95: {  	[sflag:s4] =	ssyncadd.s32 $0xFFFFFFFF  }
0x96: {  	s17 =	sld [smem:$0x10];
	(tm) =	ssettm $0x1  }
0x97: {  	s18 =	sld [smem:$0x3FFB];
	_ =	sdelay $0x3  }
0x98: {  	_ =	strace s18  }
0x99: {  	s3 =	sld [smem:$0x3FFC];
	_ =	sdelay $0x3  }
0x9a: {  	_ =	strace s3  }
0x9b: {  	s3 =	sld [smem:$0x3FFD];
	_ =	sdelay $0x3  }
0x9c: {  	_ =	strace s3  }
0x9d: {  	_ =	strace $0x8FFFFFFF  }
0x9e: {  	s19 =	sld [smem:$0x3FDB];
	_ =	sdelay $0x1  }
0x9f: {  	s20 =	simm.s32 $_scs_section_size  }
0xa0: {  	s6 =	simm.s32 $_size__tile_overlayer_lowered;
	s7 =	simm.s32 $_tile_overlayer_lowered  }
0xa1: {  	s8 =	simm.s32 $0x1BFF;
	s21 =	sshll.u32 s7, $0x1;
	s5 =	sadd.s32 s20, s19  }
0xa2: {  	s22 =	simm.s32 $0x0;
	s6 =	sshll.u32 s6, $0x1;
	s7 =	sadd.s32 s21, s5  }
0xa3: {  	[timem:s22], [sflag:s8] =	dma.local [hbm:s7], s6  }
0xa4: {  	_ =	swait.ge [sflag:s8], s6  }
0xa5: {  	s6 =	ssub.s32 $0x0, s6;
	[sflag:s8] =	ssyncset.done $0x0  }
0xa6: {  	[sflag:s8] =	ssyncadd.s32 s6;
	_ =	sdelay $0x1  }
0xa7: {  	s23 =	simm.s32 $0x1B8B  }
0xa8: {  	_ =	swait.ge [sflag:s23], $0x1  }
0xa9: {  	[sflag:s23] =	ssyncset.done $0x0  }
0xaa: {  	[sflag:s23] =	ssyncadd.s32 $0xFFFFFFFF  }
0xab: {  	s6 =	sld [smem:$0x0]  }
0xac: {  	s7 =	sand.u32 $0xFFFFFFFE, s1  }
0xad: {  	p0 =	sne.s32 s1, s7  }
0xae: {  	s7 =	sshll.u32 @p0 s7, $0xE  }
0xaf: {  	s7 =	sadd.s32 @p0 $0x11B8D, s7;
	s8 =	sshll.u32 @p0 s6, $0x11  }
0xb0: {  	s7 =	sor.u32 @p0 s8, s7  }
0xb1: {  	[sflag:s7] =	ssyncadd.remote.s32 @p0 $0x1;
	_ =	sdelay $0x1  }
0xb2: {  	s7 =	simm.s32 @p0 $0x1B8D  }
0xb3: {  	_ =	swait.eq @p0 [sflag:s7], $0x1  }
0xb4: {  	[sflag:s7] =	ssyncadd.s32 @p0 $0xFFFFFFFF  }
0xb5: {  	s8 =	sshll.u32 @!p0 s1, $0xE  }
0xb6: {  	s8 =	sor.u32 @!p0 $0x4000, s8;
	s7 =	simm.s32 @!p0 $0x1B8D  }
0xb7: {  	s6 =	sshll.u32 @!p0 s6, $0x11;
	s8 =	sadd.s32 @!p0 $0x11B8D, s8;
	_ =	swait.eq @!p0 [sflag:s7], $0x1  }
0xb8: {  	s6 =	sor.u32 @!p0 s6, s8;
	[sflag:s7] =	ssyncadd.s32 @!p0 $0xFFFFFFFF  }
0xb9: {  	s25 =	simm.s32 $0x1B8E;
	s24 =	sld [smem:$0x3FFE];
	[sflag:s6] =	ssyncadd.remote.s32 @!p0 $0x1  }
0xba: {  	s26 =	simm.s32 $execute0_lowered;
	[smem:$0x3FD2] =	sst s25  }
0xbb: {  	s7 =	sshll.u32 s26, $0x1;
	_ =	strace $0x8000004C;
	[dreg:$0x1] =	wrdreg $0xFFFFFFFF  }
0xbc: {  	s28 =	simm.s32 $_size_execute0_lowered;
	s5 =	sadd.s32 s5, s7;
	[dreg:$0x0] =	wrdreg $0x0  }
0xbd: {  	s7 =	sshll.u32 s28, $0x1;
	[dreg:$0x2] =	wrdreg s5  }
0xbe: {  	[dreg:$0x3] =	wrdreg s7  }
0xbf: {  	[dreg:$0x4] =	wrdreg $0xC0  }
0xc0: {  	_ =	task [dreg:s22], $0x5FFFF  }
0xc1: {  	[dreg:$0x1] =	wrdreg $0xFFFFFFFF  }
0xc2: {  	[dreg:$0x0] =	wrdreg $0x60  }
0xc3: {  	[dreg:$0x2] =	wrdreg s24  }
0xc4: {  	[dreg:$0x3] =	wrdreg s2  }
0xc5: {  	[dreg:$0x4] =	wrdreg s17  }
0xc6: {  	[dreg:$0x5] =	wrdreg $0x81000  }
0xc7: {  	[dreg:$0x6] =	wrdreg $0xA  }
0xc8: {  	_ =	task.clear_ibuf [dreg:s22], $0x7FFFF;
	_ =	strace $0x9000004C  }
0xc9: {  	s29 =	simm.s32 $0xA;
	_ =	strace $0x8000004E  }
0xca: {  	_ =	swait.ge [sflag:s29], $0x1  }
0xcb: {  	[sflag:s29] =	ssyncadd.s32 $0xFFFFFFFF  }
0xcc: {  	_ =	strace $0x9000004E  }
0xcd: {  	_ =	sfence  }
0xce: {  	s30 =	sld [smem:$0x0];
	_ =	sdelay $0x2  }
0xcf: {  	s31 =	sshll.u32 s1, $0xD;
	s1 =	sshrl.u32 s1, $0x2  }
0xd0: {  	s4 =	sand.u32 $0x4000, s31;
	s1 =	sadd.s32 s1, s30  }
0xd1: {  	s0 =	sor.u32 s4, s0;
	s1 =	sshll.u32 s1, $0x11  }
0xd2: {  	s0 =	sor.u32 s1, s0  }
0xd3: {  	s0 =	sadd.s32 $0x8F2B, s0  }
0xd4: {  	[sflag:s0] =	ssyncadd.remote.s32 $0x1  }
0xd5: {  	_ =	sfence.sel $0xFFFF  }
0xd6: {  	[dreg:$0x0] =	wrdreg $0xFFFFFFFF;
	(pc) =	sbr.abs _section_cstart, $3  }
0xd7: {  	[dreg:$0x1] =	wrdreg $0xFFFFFFFF  }
0xd8: {  	_ =	task.clear_ibuf [dreg:s22], $0x2FFFF;
	_ =	strace $0x9FFFFFFF  }
0xd9: {  	(tm) =	ssettm $0x7FFFFFFF  }
tec
execute0_lowered:
.L_overlay_start_1:
0x0: {  	(tag) =	ssettag $0x1  }
0x1: {  	s0 =	rddreg [dreg:$0x0];
	s2 =	srdreg.scid;
	s1 =	simm.s32 $0x0  }
0x2: {  	s19 =	stileid.u32;
	s3 =	sadd.s32 $0x130000, s0;
	s4 =	sadd.s32 $0x130600, s0  }
0x3: {  	s2 =	sand.u32 $0x1, s2;
	s6 =	sadd.s32 $0x1EAC00, s0;
	s8 =	smul.u32 $0x5400, s19  }
0x4: {  	s9 =	sadd.s32 $0x23AC00, s0;
	s11 =	smul.u32 $0x14000, s19;
	s23 =	sshll.u32 s19, $0x1  }
0x5: {  	[smem:$0x7FF] =	sst s1;
	s7 =	ssub.s32 $0x2, s2;
	s12 =	smul.u32 $0x140000, s2  }
0x6: {  	s5 =	smul.u32 $0x54000, s2;
	s10 =	sshrl.u32 s7, $0x1;
	s16 =	sadd.s32 $0x4000, s11  }
0x7: {  	s25 =	sadd.s32 $0x8000, s11;
	s7 =	ssub.s32 s7, s10;
	s14 =	sadd.s32 s12, s11  }
0x8: {  	s10 =	sor.u32 s2, s23;
	s15 =	sadd.s32 s12, s16;
	s14 =	sshrl.u32 s14, $0x3  }
0x9: {  	s15 =	sshrl.u32 s15, $0x3;
	s10 =	smul.u32 $0x30, s10;
	s14 =	sadd.s32 s6, s14  }
0xa: {  	s13 =	sadd.s32 s5, s8;
	s24 =	sadd.s32 s6, s15;
	[dreg:$0x5] =	wrdreg s14  }
0xb: {  	s26 =	sadd.s32 s12, s25;
	[dreg:$0x6] =	wrdreg s24;
	s17 =	sadd.s32 s3, s10  }
0xc: {  	s13 =	sshrl.u32 s13, $0x3;
	s18 =	sadd.s32 s4, s10;
	[dreg:$0xa] =	wrdreg s17  }
0xd: {  	s2 =	smul.u32 $0x280, s2;
	s24 =	sadd.s32 s9, s13;
	[dreg:$0xb] =	wrdreg s18  }
0xe: {  	s14 =	sshrl.u32 s26, $0x3;
	s26 =	sadd.s32 $0xC000, s11;
	[dreg:$0x10] =	wrdreg s24  }
0xf: {  	s11 =	sadd.s32 $0x10000, s11;
	s20 =	sadd.s32 $0x10, s10;
	s17 =	rddreg [dreg:$0x2]  }
0x10: {  	s10 =	sadd.s32 $0x20, s10;
	s14 =	sadd.s32 s6, s14;
	s18 =	rddreg [dreg:$0x3]  }
0x11: {  	s15 =	sadd.s32 s12, s26;
	s21 =	sadd.s32 s3, s20;
	[dreg:$0x7] =	wrdreg s14  }
0x12: {  	s12 =	sadd.s32 s12, s11;
	s3 =	sadd.s32 s3, s10;
	[dreg:$0xc] =	wrdreg s21  }
0x13: {  	s22 =	sadd.s32 s4, s10;
	s24 =	smax.u32 s7, $0x1;
	[dreg:$0xe] =	wrdreg s3  }
0x14: {  	s7 =	simm.s32 $0x80;
	s14 =	sshrl.u32 s15, $0x3;
	[dreg:$0xf] =	wrdreg s22  }
0x15: {  	s12 =	sshrl.u32 s12, $0x3;
	s15 =	rddreg [dreg:$0x1];
	s21 =	sadd.s32 $0x10000, s0  }
0x16: {  	s22 =	sadd.s32 $0x130C00, s0;
	s13 =	sadd.s32 s16, s18;
	s16 =	sadd.s32 s26, s18  }
0x17: {  	s14 =	sadd.s32 s6, s14;
	s6 =	sadd.s32 s6, s12;
	s12 =	sadd.s32 s4, s20  }
0x18: {  	s4 =	sadd.s32 $0x3800, s8;
	s29 =	sshrl.u32 s13, $0x3;
	[dreg:$0x8] =	wrdreg s14  }
0x19: {  	[dreg:$0x9] =	wrdreg s6;
	s6 =	sadd.s32 $0x1C00, s8;
	s8 =	smul.u32 $0x500, s19  }
0x1a: {  	s31 =	sshrl.u32 s16, $0x3;
	[dreg:$0xd] =	wrdreg s12;
	s12 =	smul.u32 $0x15000, s19  }
0x1b: {  	s14 =	sadd.s32 s25, s18;
	s28 =	sadd.s32 s4, s18;
	s23 =	sadd.s32 s5, s6  }
0x1c: {  	s5 =	sadd.s32 s5, s4;
	s26 =	sadd.s32 s6, s18;
	s3 =	sshrl.u32 s23, $0x3  }
0x1d: {  	s30 =	sshrl.u32 s14, $0x3;
	s6 =	simm.s32 $0x2;
	s3 =	sadd.s32 s9, s3  }
0x1e: {  	s20 =	sadd.s32 s2, s8;
	[dreg:$0x11] =	wrdreg s3;
	s3 =	sshrl.u32 s5, $0x3  }
0x1f: {  	s2 =	sshrl.u32 s12, $0x2;
	s3 =	sadd.s32 s9, s3;
	s9 =	smul.u32 $0x50000, s19  }
0x20: {  	s8 =	simm.s32 $0x100;
	s25 =	sadd.s32 s2, s18;
	s5 =	simm.s32 $0x4100  }
0x21: {  	s19 =	sadd.s32 s11, s18;
	[dreg:$0x12] =	wrdreg s3;
	s10 =	sshrl.u32 s9, $0x2  }
0x22: {  	s16 =	sshrl.u32 s19, $0x3;
	_ =	strace $0x8000004D;
	s23 =	sadd.s32 s10, s18  }
0x23: {  	s9 =	simm.s32 $0x1;
	s10 =	simm.s32 $0x0;
	s0 =	sadd.s32 $0x4000, s23  }
0x24: {  	v0 =	vimm.f32 $0.0e+00;
	s2 =	sadd.s32 $0x8000, s23;
	s3 =	sadd.s32 $0xC000, s23;
	s4 =	sadd.s32 $0x10000, s23  }
.LBB2_1:
0x25: {  	s11 =	simm.s32 $0x0;
	s12 =	simm.s32 $0x200  }
.LBB2_2:
0x26: {  	p0 =	sne.s32 s12, $0xFE00;
	[tilespmem:s11+$0x4170] =	vst v0  }
0x27: {  	[tilespmem:s11+$0x4100] =	vst v0  }
0x28: {  	[tilespmem:s11+$0x4110] =	vst v0  }
.Ltmp0:
0x29: {  	[tilespmem:s11+$0x4120] =	vst v0;
	(pc) =	sbr.rel @p0 .LBB2_2-.Ltmp0, $4  }
0x2a: {  	[tilespmem:s11+$0x4130] =	vst v0  }
0x2b: {  	[tilespmem:s11+$0x4140] =	vst v0  }
0x2c: {  	[tilespmem:s11+$0x4150] =	vst v0  }
0x2d: {  	[tilespmem:s11+$0x4160] =	vst v0;
	s11 =	sshra.s32 s12, $0x2;
	s12 =	sadd.s32 $0x200, s12  }
0x2e: {  	[tilespmem:s11+$0x4170] =	vst v0  }
0x2f: {  	[tilespmem:s11+$0x4100] =	vst v0  }
0x30: {  	[tilespmem:s11+$0x4110] =	vst v0  }
0x31: {  	[tilespmem:s11+$0x4120] =	vst v0  }
0x32: {  	[tilespmem:s11+$0x4130] =	vst v0  }
0x33: {  	[tilespmem:s11+$0x4140] =	vst v0  }
0x34: {  	[tilespmem:s11+$0x4150] =	vst v0  }
0x35: {  	[tilespmem:s11+$0x4160] =	vst v0  }
0x36: {  	[spmem:s23] =	stream.linear.scatter [tilespmem:s5], [sflag:$0x2], $0x4000, $0x38;
	[tilespmem:$0x1C100] =	vst v63  }
0x37: {  	_ =	swait.ge [sflag:s6], $0x4000  }
0x38: {  	[sflag:s6] =	ssyncset.done $0x0  }
0x39: {  	[sflag:s6] =	ssyncadd.s32 $0xFFFFC000  }
0x3a: {  	[spmem:s0] =	stream.linear.scatter [tilespmem:s5], [sflag:$0x2], $0x4000, $0x38;
	[tilespmem:$0x1C100] =	vst v63  }
0x3b: {  	_ =	swait.ge [sflag:s6], $0x4000  }
0x3c: {  	[sflag:s6] =	ssyncset.done $0x0  }
0x3d: {  	[sflag:s6] =	ssyncadd.s32 $0xFFFFC000  }
0x3e: {  	[spmem:s2] =	stream.linear.scatter [tilespmem:s5], [sflag:$0x2], $0x4000, $0x38;
	[tilespmem:$0x1C100] =	vst v63  }
0x3f: {  	_ =	swait.ge [sflag:s6], $0x4000  }
0x40: {  	[sflag:s6] =	ssyncset.done $0x0  }
0x41: {  	[sflag:s6] =	ssyncadd.s32 $0xFFFFC000  }
0x42: {  	[spmem:s3] =	stream.linear.scatter [tilespmem:s5], [sflag:$0x2], $0x4000, $0x38;
	[tilespmem:$0x1C100] =	vst v63  }
0x43: {  	_ =	swait.ge [sflag:s6], $0x4000  }
0x44: {  	[sflag:s6] =	ssyncset.done $0x0  }
0x45: {  	[sflag:s6] =	ssyncadd.s32 $0xFFFFC000  }
0x46: {  	[spmem:s4] =	stream.linear.scatter [tilespmem:s5], [sflag:$0x2], $0x4000, $0x38;
	[tilespmem:$0x1C100] =	vst v63  }
0x47: {  	s13 =	simm.s32 $0x0;
	s12 =	sadd.s32 $0x0, s20;
	_ =	swait.ge [sflag:s6], $0x4000  }
0x48: {  	s12 =	sand.u32 $0xFFFFF80, s12;
	s11 =	sand.u32 $0x70, s13;
	[sflag:s6] =	ssyncset.done $0x0  }
0x49: {  	s11 =	sor.u32 s11, s12;
	[sflag:s6] =	ssyncadd.s32 $0xFFFFC000  }
0x4a: {  	s12 =	sadd.s32 s17, s11;
	[bflag:$0x0] =	sbarrier.arrive $0xFFFF  }
0x4b: {  	[tilespmem:s1], [sflag:$0x2] =	stream.linear.gather [hbm4b:s12+s1], $0x80, $0x38;
	[tilespmem:$0x1C100] =	vst v63  }
0x4c: {  	_ =	swait.ge [sflag:s6], $0x80  }
0x4d: {  	[sflag:s6] =	ssyncset.done $0x0  }
0x4e: {  	s11 =	sadd.s32 s22, s11;
	[sflag:s6] =	ssyncadd.s32 $0xFFFFFF80  }
0x4f: {  	[tilespmem:s7], [sflag:$0x2] =	stream.linear.gather [hbm4b:s11+s1], $0x80, $0x38;
	[tilespmem:$0x1C100] =	vst v63  }
0x50: {  	_ =	swait.ge [sflag:s6], $0x80  }
0x51: {  	[sflag:s6] =	ssyncset.done $0x0  }
0x52: {  	[sflag:s6] =	ssyncadd.s32 $0xFFFFFF80  }
0x53: {  	[tilespmem:s8], [sflag:$0x1] =	stream.indirect.gather [hbm4b:s21+s7], $0x80, s1, s7, $0xb8;
	[tilespmem:$0x1C100] =	vst v63  }
0x54: {  	_ =	swait.ge [sflag:s9], $0x4000  }
0x55: {  	[sflag:s9] =	ssyncset.done $0x0  }
0x56: {  	s14 =	simm.s32 $0x10;
	s19 =	sadd.s32 $0x10, s20;
	[sflag:s9] =	ssyncadd.s32 $0xFFFFC000  }
0x57: {  	[spmem:s18] =	stream.indirect.scatter.add.f32 [tilespmem:s8], [sflag:$0x2], $0x80, s7, s7, $0xb8;
	[tilespmem:$0x1C100] =	vst v63  }
0x58: {  	s13 =	sand.u32 $0xFFFFF80, s19;
	s11 =	sand.u32 $0x70, s14;
	_ =	swait.ge [sflag:s6], $0x4000  }
0x59: {  	s12 =	simm.s32 $0x20;
	s11 =	sor.u32 s11, s13;
	[sflag:s6] =	ssyncset.done $0x0  }
.LBB2_4:
0x5a: {  	s13 =	sadd.s32 s17, s11  }
0x5b: {  	[sflag:s6] =	ssyncadd.s32 $0xFFFFC000;
	s14 =	smov.u32 s12;
	s19 =	sadd.s32 $0x10, s12  }
0x5c: {  	[tilespmem:s1], [sflag:$0x2] =	stream.linear.gather [hbm4b:s13+s1], $0x80, $0x38;
	[tilespmem:$0x1C100] =	vst v63  }
0x5d: {  	p0 =	sne.s32 s12, $0x270;
	_ =	swait.ge [sflag:s6], $0x80  }
0x5e: {  	[sflag:s6] =	ssyncset.done $0x0  }
0x5f: {  	s11 =	sadd.s32 s22, s11;
	[sflag:s6] =	ssyncadd.s32 $0xFFFFFF80  }
0x60: {  	[tilespmem:s7], [sflag:$0x2] =	stream.linear.gather [hbm4b:s11+s1], $0x80, $0x38;
	[tilespmem:$0x1C100] =	vst v63  }
0x61: {  	_ =	swait.ge [sflag:s6], $0x80  }
0x62: {  	[sflag:s6] =	ssyncset.done $0x0  }
0x63: {  	[sflag:s6] =	ssyncadd.s32 $0xFFFFFF80  }
0x64: {  	[tilespmem:s8], [sflag:$0x1] =	stream.indirect.gather [hbm4b:s21+s7], $0x80, s1, s7, $0xb8;
	[tilespmem:$0x1C100] =	vst v63  }
0x65: {  	_ =	swait.ge [sflag:s9], $0x4000  }
.Ltmp1:
0x66: {  	[sflag:s9] =	ssyncset.done $0x0;
	(pc) =	sbr.rel @p0 .LBB2_4-.Ltmp1, $4  }
0x67: {  	s11 =	sadd.s32 s14, s20;
	[sflag:s9] =	ssyncadd.s32 $0xFFFFC000  }
0x68: {  	[spmem:s18] =	stream.indirect.scatter.add.f32 [tilespmem:s8], [sflag:$0x2], $0x80, s7, s7, $0xb8;
	[tilespmem:$0x1C100] =	vst v63  }
0x69: {  	s12 =	sand.u32 $0x70, s14;
	s11 =	sand.u32 $0xFFFFF80, s11;
	_ =	swait.ge [sflag:s6], $0x4000  }
0x6a: {  	s11 =	sor.u32 s12, s11;
	s12 =	smov.u32 s19;
	[sflag:s6] =	ssyncset.done $0x0  }
0x6b: {  	s12 =	sadd.s32 s17, s11;
	[sflag:s6] =	ssyncadd.s32 $0xFFFFC000  }
0x6c: {  	[tilespmem:s1], [sflag:$0x2] =	stream.linear.gather [hbm4b:s12+s1], $0x80, $0x38;
	[tilespmem:$0x1C100] =	vst v63  }
0x6d: {  	_ =	swait.ge [sflag:s6], $0x80  }
0x6e: {  	[sflag:s6] =	ssyncset.done $0x0  }
0x6f: {  	s13 =	sadd.s32 s22, s11;
	[sflag:s6] =	ssyncadd.s32 $0xFFFFFF80  }
0x70: {  	[tilespmem:s7], [sflag:$0x2] =	stream.linear.gather [hbm4b:s13+s1], $0x80, $0x38;
	[tilespmem:$0x1C100] =	vst v63  }
0x71: {  	_ =	swait.ge [sflag:s6], $0x80  }
0x72: {  	[sflag:s6] =	ssyncset.done $0x0  }
0x73: {  	[sflag:s6] =	ssyncadd.s32 $0xFFFFFF80  }
0x74: {  	[tilespmem:s8], [sflag:$0x1] =	stream.indirect.gather [hbm4b:s21+s7], $0x80, s1, s7, $0xb8;
	[tilespmem:$0x1C100] =	vst v63  }
0x75: {  	_ =	swait.ge [sflag:s9], $0x4000  }
0x76: {  	[sflag:s9] =	ssyncset.done $0x0  }
0x77: {  	[sflag:s9] =	ssyncadd.s32 $0xFFFFC000  }
0x78: {  	[spmem:s18] =	stream.indirect.scatter.add.f32 [tilespmem:s8], [sflag:$0x2], $0x80, s7, s7, $0xb8;
	[tilespmem:$0x1C100] =	vst v63  }
0x79: {  	_ =	swait.ge [sflag:s6], $0x4000  }
0x7a: {  	[sflag:s6] =	ssyncset.done $0x0  }
0x7b: {  	s14 =	stileid.u32;
	[sflag:s6] =	ssyncadd.s32 $0xFFFFC000  }
0x7c: {  	s11 =	sshll.u32 s14, $0x6;
	[bflag:$0x0] =	sbarrier.arrive $0xFFFF  }
0x7d: {  	s19 =	sshrl.u32 s23, $0x3;
	s11 =	sor.u32 $0x1C02, s11;
	s13 =	rddreg [dreg:$0x5]  }
0x7e: {  	[hbm:s13], [sflag:s11] =	dma.local [spmem:s19], $0x800  }
0x7f: {  	_ =	swait.ge [sflag:s6], $0x800  }
0x80: {  	[sflag:s6] =	ssyncset.done $0x0  }
0x81: {  	s13 =	rddreg [dreg:$0x6];
	[sflag:s6] =	ssyncadd.s32 $0xFFFFF800  }
0x82: {  	[hbm:s13], [sflag:s11] =	dma.local [spmem:s29], $0x800  }
0x83: {  	_ =	swait.ge [sflag:s6], $0x800  }
0x84: {  	[sflag:s6] =	ssyncset.done $0x0  }
0x85: {  	s14 =	rddreg [dreg:$0x7];
	[sflag:s6] =	ssyncadd.s32 $0xFFFFF800  }
0x86: {  	[hbm:s14], [sflag:s11] =	dma.local [spmem:s30], $0x800  }
0x87: {  	_ =	swait.ge [sflag:s6], $0x800  }
0x88: {  	[sflag:s6] =	ssyncset.done $0x0  }
0x89: {  	s19 =	rddreg [dreg:$0x8];
	[sflag:s6] =	ssyncadd.s32 $0xFFFFF800  }
0x8a: {  	[hbm:s19], [sflag:s11] =	dma.local [spmem:s31], $0x800  }
0x8b: {  	_ =	swait.ge [sflag:s6], $0x800  }
0x8c: {  	[sflag:s6] =	ssyncset.done $0x0  }
0x8d: {  	s13 =	rddreg [dreg:$0x9];
	[sflag:s6] =	ssyncadd.s32 $0xFFFFF800  }
0x8e: {  	[hbm:s13], [sflag:s11] =	dma.local [spmem:s16], $0x800  }
0x8f: {  	_ =	swait.ge [sflag:s6], $0x800  }
0x90: {  	[sflag:s6] =	ssyncset.done $0x0  }
0x91: {  	[sflag:s6] =	ssyncadd.s32 $0xFFFFF800  }
0x92: {  	[bflag:$0x0] =	sbarrier.arrive $0xFFFF  }
0x93: {  	[spmem:s25] =	stream.linear.scatter [tilespmem:s5], [sflag:$0x2], $0x1C00, $0x38;
	[tilespmem:$0x1C100] =	vst v63  }
0x94: {  	_ =	swait.ge [sflag:s6], $0x1C00  }
0x95: {  	[sflag:s6] =	ssyncset.done $0x0  }
0x96: {  	[sflag:s6] =	ssyncadd.s32 $0xFFFFE400  }
0x97: {  	[spmem:s26] =	stream.linear.scatter [tilespmem:s5], [sflag:$0x2], $0x1C00, $0x38;
	[tilespmem:$0x1C100] =	vst v63  }
0x98: {  	_ =	swait.ge [sflag:s6], $0x1C00  }
0x99: {  	[sflag:s6] =	ssyncset.done $0x0  }
0x9a: {  	[sflag:s6] =	ssyncadd.s32 $0xFFFFE400  }
0x9b: {  	[spmem:s28] =	stream.linear.scatter [tilespmem:s5], [sflag:$0x2], $0x1C00, $0x38;
	[tilespmem:$0x1C100] =	vst v63  }
0x9c: {  	_ =	swait.ge [sflag:s6], $0x1C00  }
0x9d: {  	[sflag:s6] =	ssyncset.done $0x0  }
0x9e: {  	[sflag:s6] =	ssyncadd.s32 $0xFFFFE400  }
0x9f: {  	[bflag:$0x0] =	sbarrier.arrive $0xFFFF  }
0xa0: {  	s14 =	rddreg [dreg:$0xa]  }
0xa1: {  	[tilespmem:s1], [sflag:$0x2] =	stream.linear.gather [hbm4b:s14+s1], $0x80, $0x38;
	[tilespmem:$0x1C100] =	vst v63  }
0xa2: {  	_ =	swait.ge [sflag:s6], $0x80  }
0xa3: {  	[sflag:s6] =	ssyncset.done $0x0  }
0xa4: {  	s19 =	rddreg [dreg:$0xb];
	[sflag:s6] =	ssyncadd.s32 $0xFFFFFF80  }
0xa5: {  	[tilespmem:s7], [sflag:$0x2] =	stream.linear.gather [hbm4b:s19+s1], $0x80, $0x38;
	[tilespmem:$0x1C100] =	vst v63  }
0xa6: {  	_ =	swait.ge [sflag:s6], $0x80  }
0xa7: {  	[sflag:s6] =	ssyncset.done $0x0  }
0xa8: {  	[sflag:s6] =	ssyncadd.s32 $0xFFFFFF80  }
0xa9: {  	[tilespmem:s8], [sflag:$0x1] =	stream.indirect.gather [hbm4b:s15+s7], $0x80, s1, s7, $0xb8;
	[tilespmem:$0x1C100] =	vst v63  }
0xaa: {  	_ =	swait.ge [sflag:s9], $0x4000  }
0xab: {  	[sflag:s9] =	ssyncset.done $0x0  }
0xac: {  	[sflag:s9] =	ssyncadd.s32 $0xFFFFC000  }
0xad: {  	[spmem:s18] =	stream.indirect.scatter.add.f32 [tilespmem:s8], [sflag:$0x2], $0x80, s7, s7, $0xb8;
	[tilespmem:$0x1C100] =	vst v63  }
0xae: {  	_ =	swait.ge [sflag:s6], $0x4000  }
0xaf: {  	[sflag:s6] =	ssyncset.done $0x0  }
0xb0: {  	s13 =	rddreg [dreg:$0xc];
	[sflag:s6] =	ssyncadd.s32 $0xFFFFC000  }
0xb1: {  	[tilespmem:s1], [sflag:$0x2] =	stream.linear.gather [hbm4b:s13+s1], $0x80, $0x38;
	[tilespmem:$0x1C100] =	vst v63  }
0xb2: {  	_ =	swait.ge [sflag:s6], $0x80  }
0xb3: {  	[sflag:s6] =	ssyncset.done $0x0  }
0xb4: {  	s14 =	rddreg [dreg:$0xd];
	[sflag:s6] =	ssyncadd.s32 $0xFFFFFF80  }
0xb5: {  	[tilespmem:s7], [sflag:$0x2] =	stream.linear.gather [hbm4b:s14+s1], $0x80, $0x38;
	[tilespmem:$0x1C100] =	vst v63  }
0xb6: {  	_ =	swait.ge [sflag:s6], $0x80  }
0xb7: {  	[sflag:s6] =	ssyncset.done $0x0  }
0xb8: {  	[sflag:s6] =	ssyncadd.s32 $0xFFFFFF80  }
0xb9: {  	[tilespmem:s8], [sflag:$0x1] =	stream.indirect.gather [hbm4b:s15+s7], $0x80, s1, s7, $0xb8;
	[tilespmem:$0x1C100] =	vst v63  }
0xba: {  	_ =	swait.ge [sflag:s9], $0x4000  }
0xbb: {  	[sflag:s9] =	ssyncset.done $0x0  }
0xbc: {  	[sflag:s9] =	ssyncadd.s32 $0xFFFFC000  }
0xbd: {  	[spmem:s18] =	stream.indirect.scatter.add.f32 [tilespmem:s8], [sflag:$0x2], $0x80, s7, s7, $0xb8;
	[tilespmem:$0x1C100] =	vst v63  }
0xbe: {  	_ =	swait.ge [sflag:s6], $0x4000  }
0xbf: {  	[sflag:s6] =	ssyncset.done $0x0  }
0xc0: {  	s19 =	rddreg [dreg:$0xe];
	[sflag:s6] =	ssyncadd.s32 $0xFFFFC000  }
0xc1: {  	[tilespmem:s1], [sflag:$0x2] =	stream.linear.gather [hbm4b:s19+s1], $0x80, $0x38;
	[tilespmem:$0x1C100] =	vst v63  }
0xc2: {  	_ =	swait.ge [sflag:s6], $0x80  }
0xc3: {  	[sflag:s6] =	ssyncset.done $0x0  }
0xc4: {  	s13 =	rddreg [dreg:$0xf];
	[sflag:s6] =	ssyncadd.s32 $0xFFFFFF80  }
0xc5: {  	[tilespmem:s7], [sflag:$0x2] =	stream.linear.gather [hbm4b:s13+s1], $0x80, $0x38;
	[tilespmem:$0x1C100] =	vst v63  }
0xc6: {  	_ =	swait.ge [sflag:s6], $0x80  }
0xc7: {  	[sflag:s6] =	ssyncset.done $0x0  }
0xc8: {  	[sflag:s6] =	ssyncadd.s32 $0xFFFFFF80  }
0xc9: {  	[tilespmem:s8], [sflag:$0x1] =	stream.indirect.gather [hbm4b:s15+s7], $0x80, s1, s7, $0xb8;
	[tilespmem:$0x1C100] =	vst v63  }
0xca: {  	_ =	swait.ge [sflag:s9], $0x4000  }
0xcb: {  	[sflag:s9] =	ssyncset.done $0x0  }
0xcc: {  	[sflag:s9] =	ssyncadd.s32 $0xFFFFC000  }
0xcd: {  	[spmem:s18] =	stream.indirect.scatter.add.f32 [tilespmem:s8], [sflag:$0x2], $0x80, s7, s7, $0xb8;
	[tilespmem:$0x1C100] =	vst v63  }
0xce: {  	_ =	swait.ge [sflag:s6], $0x4000  }
0xcf: {  	[sflag:s6] =	ssyncset.done $0x0  }
0xd0: {  	[sflag:s6] =	ssyncadd.s32 $0xFFFFC000  }
0xd1: {  	[bflag:$0x0] =	sbarrier.arrive $0xFFFF  }
0xd2: {  	s14 =	sshrl.u32 s25, $0x3;
	s19 =	rddreg [dreg:$0x10]  }
0xd3: {  	[hbm:s19], [sflag:s11] =	dma.local [spmem:s14], $0x380  }
0xd4: {  	_ =	swait.ge [sflag:s6], $0x380  }
0xd5: {  	[sflag:s6] =	ssyncset.done $0x0  }
0xd6: {  	s14 =	sshrl.u32 s26, $0x3;
	s19 =	rddreg [dreg:$0x11];
	[sflag:s6] =	ssyncadd.s32 $0xFFFFFC80  }
0xd7: {  	[hbm:s19], [sflag:s11] =	dma.local [spmem:s14], $0x380  }
0xd8: {  	s10 =	sadd.s32 $0x1, s10;
	_ =	swait.ge [sflag:s6], $0x380  }
0xd9: {  	p0 =	sne.s32 s10, s24;
	s14 =	sshrl.u32 s28, $0x3;
	[sflag:s6] =	ssyncset.done $0x0  }
.Ltmp2:
0xda: {  	s19 =	rddreg [dreg:$0x12];
	[sflag:s6] =	ssyncadd.s32 $0xFFFFFC80;
	(pc) =	sbr.rel @p0 .LBB2_1-.Ltmp2, $4  }
0xdb: {  	[hbm:s19], [sflag:s11] =	dma.local [spmem:s14], $0x380  }
0xdc: {  	_ =	swait.ge [sflag:s6], $0x380  }
0xdd: {  	[sflag:s6] =	ssyncset.done $0x0  }
0xde: {  	[sflag:s6] =	ssyncadd.s32 $0xFFFFFC80  }
0xdf: {  	_ =	sfence.sel $0x180000  }
0xe0: {  	[bflag:$0x0] =	sbarrier.arrive $0xFFFF  }
0xe1: {  	_ =	strace $0x9000004D  }
0xe2: {  	s0 =	stileid.u32;
	[bflag:$0x2] =	sbarrier.arrive $0xFFFF  }
0xe3: {  	p0 =	sne.s32 s0, $0x0;
	s0 =	rddreg [dreg:$0x4]  }
0xe4: {  	s0 =	sadd.s32 @!p0 $0x100000, s0  }
0xe5: {  	[sflag:s0] =	ssyncadd.tile.s32 @!p0 $0x1;
	_ =	shalt  }
.Lfunc_end2:
_tile_overlayer_lowered:
.L_overlay_start_2:
0xe6: {  	(tag) =	ssettag $0x2  }
0xe7: {  	s0 =	rddreg [dreg:$0x0];
	s2 =	stileid.u32  }
0xe8: {  	s1 =	rddreg [dreg:$0x1];
	p0 =	sne.s32 s2, $0x0  }
0xe9: {  	s3 =	rddreg [dreg:$0x2];
	[bflag:$0x3] =	sbarrier.arrive $0xFFFF;
	s2 =	simm.s32 @!p0 $0x1C02  }
0xea: {  	[timem:s3], [sflag:s2] =	dma.local @!p0 [hbm:s0], s1  }
0xeb: {  	s0 =	simm.s32 @!p0 $0x2  }
0xec: {  	_ =	swait.ge @!p0 [sflag:s0], s1  }
0xed: {  	s1 =	ssub.s32 @!p0 $0x0, s1;
	[sflag:s0] =	ssyncset.done @!p0 $0x0  }
0xee: {  	[sflag:s0] =	ssyncadd.s32 @!p0 s1  }
0xef: {  	[bflag:$0x3] =	sbarrier.arrive $0xFFFF  }
0xf0: {  	_ =	shalt  }

// kernel: kernel.19.cloned.1.call-start
scs
__scs_entry_jumppad:
0x0: {  	(pc) =	sbr.rel $0x88, $3  }
0x1: {  	(tag) =	ssettag $0x0;
	lr =	simm.s32 $0x1  }
0x2: {  	[smem:$0x3F8B] =	sst lr;
	_ =	strace $0xD0000000  }
0x3: {  	_ = 	snop  }
0x4: {  	_ = 	snop  }
0x5: {  	_ = 	snop  }
0x6: {  	_ = 	snop  }
0x7: {  	_ = 	snop  }
__scs_overlays_trampoline_lowered:
0x8: {  	[smem:$0x3F9A] =	sst s0  }
0x9: {  	[smem:$0x3F9B] =	sst s1  }
0xa: {  	[smem:$0x3F9C] =	sst s2  }
0xb: {  	[smem:$0x3F9D] =	sst s3  }
0xc: {  	[smem:$0x3F9E] =	sst s4  }
0xd: {  	[smem:$0x3F9F] =	sst s5  }
0xe: {  	[smem:$0x3FA0] =	sst s6  }
0xf: {  	[smem:$0x3FA1] =	sst s7  }
0x10: {  	[smem:$0x3FA2] =	sst s8  }
0x11: {  	[smem:$0x3FA3] =	sst s9;
	s0 =	simm.s32 @!p0 $0x0  }
0x12: {  	s1 =	sld [smem:$0x3F89];
	s0 =	simm.s32 @p0 $0x1  }
0x13: {  	[smem:$0x3FA4] =	sst s0;
	s0 =	simm.s32 @!p1 $0x0  }
0x14: {  	s2 =	sld [smem:$0x3F88];
	s0 =	simm.s32 @p1 $0x1  }
0x15: {  	[smem:$0x3FA5] =	sst s0;
	s0 =	simm.s32 @!p2 $0x0  }
0x16: {  	s3 =	sld [smem:$0x3FDB];
	s0 =	simm.s32 @p2 $0x1  }
0x17: {  	s4 =	simm.s32 $0x1BF5;
	[smem:$0x3FA7] =	sst s0  }
0x18: {  	s0 =	sld [smem:$0x3F8A];
	_ =	swait.ge [sflag:s4], $0x0  }
0x19: {  	s7 =	sld [smem:$0x3F8B]  }
0x1a: {  	s8 =	sadd.s32 $0xFFFFE003, lr  }
0x1b: {  	s9 =	sadd.s32 $0xFFFFFEF7, lr;
	s5 =	simm.s32 $0xFFFFFFFF;
	p2 =	slt.u32 s8, $0xFFFFF086  }
0x1c: {  	p1 =	slt.u32 s9, $0xF7A;
	s5 =	simm.s32 @!p2 $0x0  }
0x1d: {  	s5 =	simm.s32 @p1 $0x1;
	p0 =	seq.s32 s7, s2  }
0x1e: {  	s7 =	smul.u32 @!p0 $0xF7A, s2;
	p2 =	seq.s32 @!p0 s5, $0x0  }
0x1f: {  	s9 =	smul.u32 $0xF7A, s1;
	s8 =	simm.s32 @!p0 $0x1BF5;
	p2 =	por !p2, p0  }
0x20: {  	[sflag:s8] =	ssyncset.s32 @!p0 $0xFFFFF086;
	s6 =	sadd.s32 @!p0 s3, s7;
	s7 =	simm.s32 @!p0 $0x108  }
0x21: {  	s3 =	sadd.s32 s3, s9;
	s6 =	sadd.s32 @!p0 $0x88, s6;
	s7 =	simm.s32 @p2 $0x1082  }
0x22: {  	[simem:s7], [sflag:s8] =	dma.local @!p0 [hbm:s6], $0xF7A  }
0x23: {  	s9 =	sor.u32 $0xD0000000, s2;
	s6 =	simm.s32 $0x108;
	_ =	swait.ge @!p0 [sflag:s8], $0x0  }
0x24: {  	s3 =	sadd.s32 $0x88, s3;
	s6 =	simm.s32 @!p1 $0x1082;
	[sflag:s4] =	ssyncset.s32 $0xFFFFF086  }
0x25: {  	[simem:s6], [sflag:s4] =	dma.local [hbm:s3], $0xF7A  }
0x26: {  	[smem:$0x3F8B] =	sst s1;
	(tag) =	ssettag s2;
	_ =	strace s9  }
0x27: {  	s1 =	sld [smem:$0x3F9B]  }
0x28: {  	s2 =	sld [smem:$0x3F9C]  }
0x29: {  	s4 =	sld [smem:$0x3F9E]  }
0x2a: {  	p0 =	seq.s32 s5, $0x0;
	s5 =	sld [smem:$0x3F9F]  }
0x2b: {  	s6 =	sld [smem:$0x3FA0]  }
0x2c: {  	s7 =	sld [smem:$0x3FA1]  }
0x2d: {  	s3 =	simm.s32 $0x108;
	s8 =	sld [smem:$0x3FA2]  }
0x2e: {  	s3 =	simm.s32 @!p0 $0x1082;
	s9 =	sld [smem:$0x3FA3]  }
0x2f: {  	lr =	sadd.s32 s0, s3;
	s0 =	sld [smem:$0x3F9A]  }
0x30: {  	s3 =	sld [smem:$0x3F9D]  }
0x31: {  	[smem:$0x3FA6] =	sst s10  }
0x32: {  	s10 =	sld [smem:$0x3FA4];
	_ =	sdelay $0x3  }
0x33: {  	p0 =	seq.s32 s10, $0x1;
	s10 =	sld [smem:$0x3FA6];
	_ =	sdelay $0x3  }
0x34: {  	[smem:$0x3FA6] =	sst s10  }
0x35: {  	s10 =	sld [smem:$0x3FA5];
	_ =	sdelay $0x3  }
0x36: {  	p1 =	seq.s32 s10, $0x1;
	s10 =	sld [smem:$0x3FA6];
	_ =	sdelay $0x3  }
0x37: {  	[smem:$0x3FA6] =	sst s10  }
0x38: {  	s10 =	sld [smem:$0x3FA7]  }
0x39: {  	_ = 	snop;
	(pc) =	sbr.ind lr, $3  }
0x3a: {  	_ = 	snop  }
0x3b: {  	_ = 	snop  }
0x3c: {  	p2 =	seq.s32 s10, $0x1;
	s10 =	sld [smem:$0x3FA6]  }
0x3d: {  	_ =	shalt  }
0x3e: {  	_ =	shalt  }
0x3f: {  	_ =	shalt  }
0x40: {  	_ =	shalt  }
0x41: {  	_ =	shalt  }
0x42: {  	_ =	shalt  }
0x43: {  	_ =	shalt  }
0x44: {  	_ =	shalt  }
0x45: {  	_ =	shalt  }
0x46: {  	_ =	shalt  }
0x47: {  	_ =	shalt  }
0x48: {  	_ =	shalt  }
0x49: {  	_ =	shalt  }
0x4a: {  	_ =	shalt  }
0x4b: {  	_ =	shalt  }
0x4c: {  	_ =	shalt  }
0x4d: {  	_ =	shalt  }
0x4e: {  	_ =	shalt  }
0x4f: {  	_ =	shalt  }
0x50: {  	_ =	shalt  }
0x51: {  	_ =	shalt  }
0x52: {  	_ =	shalt  }
0x53: {  	_ =	shalt  }
0x54: {  	_ =	shalt  }
0x55: {  	_ =	shalt  }
0x56: {  	_ =	shalt  }
0x57: {  	_ =	shalt  }
0x58: {  	_ =	shalt  }
0x59: {  	_ =	shalt  }
0x5a: {  	_ =	shalt  }
0x5b: {  	_ =	shalt  }
0x5c: {  	_ =	shalt  }
0x5d: {  	_ =	shalt  }
0x5e: {  	_ =	shalt  }
0x5f: {  	_ =	shalt  }
0x60: {  	_ =	shalt  }
0x61: {  	_ =	shalt  }
0x62: {  	_ =	shalt  }
0x63: {  	_ =	shalt  }
0x64: {  	_ =	shalt  }
0x65: {  	_ =	shalt  }
0x66: {  	_ =	shalt  }
0x67: {  	_ =	shalt  }
0x68: {  	_ =	shalt  }
0x69: {  	_ =	shalt  }
0x6a: {  	_ =	shalt  }
0x6b: {  	_ =	shalt  }
0x6c: {  	_ =	shalt  }
0x6d: {  	_ =	shalt  }
0x6e: {  	_ =	shalt  }
0x6f: {  	_ =	shalt  }
0x70: {  	_ =	shalt  }
0x71: {  	_ =	shalt  }
0x72: {  	_ =	shalt  }
0x73: {  	_ =	shalt  }
0x74: {  	_ =	shalt  }
0x75: {  	_ =	shalt  }
0x76: {  	_ =	shalt  }
0x77: {  	_ =	shalt  }
0x78: {  	_ =	shalt  }
0x79: {  	_ =	shalt  }
0x7a: {  	_ =	shalt  }
0x7b: {  	_ =	shalt  }
0x7c: {  	_ =	shalt  }
0x7d: {  	_ =	shalt  }
0x7e: {  	_ =	shalt  }
0x7f: {  	_ =	shalt  }
0x80: {  	_ =	shalt  }
0x81: {  	_ =	shalt  }
0x82: {  	_ =	shalt  }
0x83: {  	_ =	shalt  }
0x84: {  	_ =	shalt  }
0x85: {  	_ =	shalt  }
0x86: {  	_ =	shalt  }
0x87: {  	_ =	shalt  }
.Lfunc_end0:
.L_simem_size_0:
called_computation.3_lowered:
.L_overlay_start_0:
0x88: {  	s2 =	sld [smem:$0x3FD9]  }
0x89: {  	s3 =	sld [smem:$0x3FFE];
	_ =	sdelay $0x1  }
0x8a: {  	s1 =	srdreg.scid  }
0x8b: {  	s0 =	sand.u32 $0x1, s1  }
0x8c: {  	s14 =	sshll.u32 s0, $0xA;
	s2 =	sadd.s32 s3, s2  }
0x8d: {  	s2 =	sadd.s32 s2, s14  }
0x8e: {  	[smem:$0x3FB2] =	sst s2  }
0x8f: {  	_ = 	snop  }
0x90: {  	s2 =	sld [smem:$0x3FD0];
	_ =	sdelay $0x2  }
0x91: {  	s15 =	simm.s32 $0xB;
	s4 =	simm.s32 $0x10  }
0x92: {  	[smem:s4], [sflag:s15] =	dma.local [hbm:s2], $0x1  }
0x93: {  	_ =	swait.eq [sflag:s15], $0x1  }
0x94: {  	[sflag:s15] =	ssyncset.done $0x0  }
0x95: {  	s16 =	sld [smem:$0x10];
	[sflag:s15] =	ssyncadd.s32 $0xFFFFFFFF  }
0x96: {  	s17 =	sld [smem:$0x11];
	(tm) =	ssettm $0x1  }
0x97: {  	s18 =	sld [smem:$0x3FFB];
	_ =	sdelay $0x3  }
0x98: {  	_ =	strace s18  }
0x99: {  	s4 =	sld [smem:$0x3FFC];
	_ =	sdelay $0x3  }
0x9a: {  	_ =	strace s4  }
0x9b: {  	s4 =	sld [smem:$0x3FFD];
	_ =	sdelay $0x3  }
0x9c: {  	_ =	strace s4  }
0x9d: {  	_ =	strace $0x8FFFFFFF  }
0x9e: {  	s19 =	sld [smem:$0x3FDB];
	_ =	sdelay $0x1  }
0x9f: {  	s5 =	simm.s32 $_scs_section_size  }
0xa0: {  	s6 =	simm.s32 $_size__tile_overlayer_lowered;
	s7 =	simm.s32 $_tile_overlayer_lowered  }
0xa1: {  	s22 =	simm.s32 $0x1BFF;
	s21 =	sshll.u32 s7, $0x1;
	s4 =	sadd.s32 s5, s19  }
0xa2: {  	s8 =	simm.s32 $0x0;
	s20 =	sshll.u32 s6, $0x1;
	s6 =	sadd.s32 s21, s4  }
0xa3: {  	[timem:s8], [sflag:s22] =	dma.local [hbm:s6], s20  }
0xa4: {  	_ =	swait.ge [sflag:s22], s20  }
0xa5: {  	s5 =	ssub.s32 $0x0, s20;
	[sflag:s22] =	ssyncset.done $0x0  }
0xa6: {  	[sflag:s22] =	ssyncadd.s32 s5;
	_ =	sdelay $0x1  }
0xa7: {  	s23 =	simm.s32 $0x1B8B  }
0xa8: {  	_ =	swait.ge [sflag:s23], $0x1  }
0xa9: {  	[sflag:s23] =	ssyncset.done $0x0  }
0xaa: {  	s25 =	simm.s32 $0x1B8E;
	s24 =	sld [smem:$0x3FFE];
	[sflag:s23] =	ssyncadd.s32 $0xFFFFFFFF  }
0xab: {  	s26 =	simm.s32 $execute0_lowered;
	[smem:$0x3FD2] =	sst s25  }
0xac: {  	s6 =	sshll.u32 s26, $0x1;
	_ =	strace $0x8000004F;
	[dreg:$0x1] =	wrdreg $0xFFFFFFFF  }
0xad: {  	s28 =	simm.s32 $_size_execute0_lowered;
	s4 =	sadd.s32 s4, s6;
	[dreg:$0x0] =	wrdreg $0x0  }
0xae: {  	s6 =	sshll.u32 s28, $0x1;
	[dreg:$0x2] =	wrdreg s4  }
0xaf: {  	[dreg:$0x3] =	wrdreg s6  }
0xb0: {  	[dreg:$0x4] =	wrdreg $0xC0  }
0xb1: {  	_ =	task [dreg:s8], $0x5FFFF  }
0xb2: {  	[dreg:$0x1] =	wrdreg $0xFFFFFFFF  }
0xb3: {  	[dreg:$0x0] =	wrdreg $0x60  }
0xb4: {  	[dreg:$0x2] =	wrdreg s16  }
0xb5: {  	[dreg:$0x3] =	wrdreg s24  }
0xb6: {  	[dreg:$0x4] =	wrdreg s17  }
0xb7: {  	[dreg:$0x5] =	wrdreg $0x81000  }
0xb8: {  	[dreg:$0x6] =	wrdreg $0x9  }
0xb9: {  	_ =	task.clear_ibuf [dreg:s8], $0x7FFFF;
	_ =	strace $0x9000004F  }
0xba: {  	s29 =	simm.s32 $0x9;
	_ =	strace $0x80000051  }
0xbb: {  	_ =	swait.ge [sflag:s29], $0x1  }
0xbc: {  	[sflag:s29] =	ssyncadd.s32 $0xFFFFFFFF  }
0xbd: {  	_ =	strace $0x90000051  }
0xbe: {  	_ =	sfence  }
0xbf: {  	s30 =	sld [smem:$0x0];
	_ =	sdelay $0x2  }
0xc0: {  	s31 =	sshll.u32 s1, $0xD;
	s1 =	sshrl.u32 s1, $0x2  }
0xc1: {  	s3 =	sand.u32 $0x4000, s31;
	s1 =	sadd.s32 s1, s30  }
0xc2: {  	s0 =	sor.u32 s3, s0;
	s1 =	sshll.u32 s1, $0x11  }
0xc3: {  	s0 =	sor.u32 s1, s0  }
0xc4: {  	s0 =	sadd.s32 $0x8F2B, s0  }
0xc5: {  	[sflag:s0] =	ssyncadd.remote.s32 $0x1  }
0xc6: {  	_ =	sfence.sel $0xFFFF  }
0xc7: {  	[dreg:$0x0] =	wrdreg $0xFFFFFFFF;
	(pc) =	sbr.abs _section_cstart, $3  }
0xc8: {  	[dreg:$0x1] =	wrdreg $0xFFFFFFFF  }
0xc9: {  	_ =	task.clear_ibuf [dreg:s8], $0x2FFFF;
	_ =	strace $0x9FFFFFFF  }
0xca: {  	(tm) =	ssettm $0x7FFFFFFF  }
0xcb: {  	_ =	shalt  }
tec
execute0_lowered:
.L_overlay_start_1:
0x0: {  	(tag) =	ssettag $0x1  }
0x1: {  	s0 =	rddreg [dreg:$0x1]  }
0x2: {  	s1 =	simm.s32 $0x0;
	s2 =	srdreg.scid;
	s21 =	stileid.u32  }
0x3: {  	[smem:$0x7FF] =	sst s1;
	s2 =	sand.u32 $0x1, s2;
	s9 =	smul.u32 $0x5400, s21  }
0x4: {  	s4 =	sadd.s32 $0x130000, s0;
	s5 =	sadd.s32 $0x130600, s0;
	s12 =	smul.u32 $0x14000, s21  }
0x5: {  	s7 =	sadd.s32 $0x1EAC00, s0;
	s11 =	sshll.u32 s21, $0x1;
	s3 =	smul.u32 $0x140000, s2  }
0x6: {  	s15 =	sadd.s32 $0x130C00, s0;
	s6 =	smul.u32 $0x54000, s2;
	s8 =	ssub.s32 $0x2, s2  }
0x7: {  	s20 =	sor.u32 s2, s11;
	s2 =	smul.u32 $0x4F0, s2;
	s10 =	sshrl.u32 s8, $0x1  }
0x8: {  	s17 =	sadd.s32 $0x4000, s12;
	s22 =	sadd.s32 $0x8000, s12;
	s8 =	ssub.s32 s8, s10  }
0x9: {  	s23 =	sadd.s32 s6, s9;
	s13 =	sadd.s32 s3, s12;
	s25 =	sadd.s32 s3, s17  }
0xa: {  	s10 =	smul.u32 $0x30, s20;
	s14 =	sshrl.u32 s23, $0x3;
	s24 =	sshrl.u32 s13, $0x3  }
0xb: {  	s26 =	sshrl.u32 s25, $0x3;
	s13 =	sadd.s32 s3, s22;
	s11 =	sadd.s32 s7, s24  }
0xc: {  	s23 =	sadd.s32 $0xC000, s12;
	s19 =	sadd.s32 s4, s10;
	[dreg:$0x5] =	wrdreg s11  }
0xd: {  	s16 =	sadd.s32 s3, s23;
	s20 =	sadd.s32 s5, s10;
	[dreg:$0xa] =	wrdreg s19  }
0xe: {  	s25 =	sadd.s32 $0x10, s10;
	s11 =	sadd.s32 s7, s26;
	[dreg:$0xb] =	wrdreg s20  }
0xf: {  	s24 =	sadd.s32 $0x10000, s12;
	s26 =	sadd.s32 s4, s25;
	[dreg:$0x6] =	wrdreg s11  }
0x10: {  	s18 =	sshrl.u32 s16, $0x3;
	s16 =	sadd.s32 s15, s14;
	[dreg:$0xc] =	wrdreg s26  }
0x11: {  	s3 =	sadd.s32 s3, s24;
	s11 =	sshrl.u32 s13, $0x3;
	[dreg:$0x10] =	wrdreg s16  }
0x12: {  	s3 =	sshrl.u32 s3, $0x3;
	s16 =	rddreg [dreg:$0x0];
	s11 =	sadd.s32 s7, s11  }
0x13: {  	s20 =	smul.u32 $0x9E0, s21;
	s3 =	sadd.s32 s7, s3;
	[dreg:$0x7] =	wrdreg s11  }
0x14: {  	s11 =	sadd.s32 s7, s18;
	[dreg:$0x9] =	wrdreg s3;
	s3 =	sadd.s32 $0x1C00, s9  }
0x15: {  	s7 =	sadd.s32 $0x3800, s9;
	s9 =	sadd.s32 s5, s25;
	s25 =	rddreg [dreg:$0x2]  }
0x16: {  	s0 =	sadd.s32 s20, s0;
	[dreg:$0x8] =	wrdreg s11  }
0x17: {  	s26 =	smul.u32 $0x50000, s21;
	s0 =	sadd.s32 s2, s0;
	[dreg:$0xd] =	wrdreg s9  }
0x18: {  	s11 =	sadd.s32 $0x20, s10;
	s13 =	sadd.s32 s6, s3;
	s18 =	sadd.s32 s6, s7  }
0x19: {  	s9 =	sshrl.u32 s26, $0x2;
	s10 =	smul.u32 $0x15000, s21;
	s21 =	smax.u32 s8, $0x1  }
0x1a: {  	s4 =	sadd.s32 s4, s11;
	s19 =	sshrl.u32 s18, $0x3;
	s18 =	rddreg [dreg:$0x3]  }
0x1b: {  	s6 =	simm.s32 $0x100;
	s12 =	sadd.s32 s5, s11;
	[dreg:$0xe] =	wrdreg s4  }
0x1c: {  	s8 =	simm.s32 $0x0;
	s5 =	simm.s32 $0x80;
	[dreg:$0xf] =	wrdreg s12  }
0x1d: {  	s4 =	sshrl.u32 s13, $0x3;
	s11 =	sadd.s32 s17, s18;
	s12 =	sadd.s32 s22, s18  }
0x1e: {  	s13 =	sadd.s32 s23, s18;
	s17 =	sadd.s32 s24, s18;
	s23 =	sadd.s32 s3, s18  }
0x1f: {  	s24 =	sadd.s32 s7, s18;
	s3 =	simm.s32 $0x4100;
	s7 =	simm.s32 $0x1  }
0x20: {  	s14 =	sadd.s32 s15, s4;
	s15 =	sadd.s32 s15, s19;
	s4 =	sadd.s32 s20, s25  }
0x21: {  	_ =	strace $0x80000050;
	s20 =	sadd.s32 s9, s18;
	s25 =	sadd.s32 $0x6200, s0  }
0x22: {  	s26 =	sshrl.u32 s11, $0x3;
	s28 =	sshrl.u32 s12, $0x3;
	s29 =	sshrl.u32 s13, $0x3  }
0x23: {  	s30 =	sshrl.u32 s17, $0x3;
	s19 =	sadd.s32 s2, s4;
	s2 =	sshrl.u32 s10, $0x2  }
0x24: {  	s31 =	sadd.s32 $0x4000, s20;
	s17 =	sadd.s32 $0x8000, s20;
	s0 =	sadd.s32 $0xC000, s20  }
0x25: {  	v0 =	vimm.f32 $0.0e+00;
	s4 =	simm.s32 $0x2;
	s22 =	sadd.s32 s2, s18;
	s2 =	sadd.s32 $0x10000, s20  }
.LBB2_1:
0x26: {  	s9 =	simm.s32 $0x0;
	s10 =	simm.s32 $0x200  }
.LBB2_2:
0x27: {  	p0 =	sne.s32 s10, $0xFE00;
	[tilespmem:s9+$0x4170] =	vst v0  }
0x28: {  	[tilespmem:s9+$0x4100] =	vst v0  }
0x29: {  	[tilespmem:s9+$0x4110] =	vst v0  }
.Ltmp0:
0x2a: {  	[tilespmem:s9+$0x4120] =	vst v0;
	(pc) =	sbr.rel @p0 .LBB2_2-.Ltmp0, $4  }
0x2b: {  	[tilespmem:s9+$0x4130] =	vst v0  }
0x2c: {  	[tilespmem:s9+$0x4140] =	vst v0  }
0x2d: {  	[tilespmem:s9+$0x4150] =	vst v0  }
0x2e: {  	[tilespmem:s9+$0x4160] =	vst v0;
	s9 =	sshra.s32 s10, $0x2;
	s10 =	sadd.s32 $0x200, s10  }
0x2f: {  	[tilespmem:s9+$0x4170] =	vst v0  }
0x30: {  	[tilespmem:s9+$0x4100] =	vst v0  }
0x31: {  	[tilespmem:s9+$0x4110] =	vst v0  }
0x32: {  	[tilespmem:s9+$0x4120] =	vst v0  }
0x33: {  	[tilespmem:s9+$0x4130] =	vst v0  }
0x34: {  	[tilespmem:s9+$0x4140] =	vst v0  }
0x35: {  	[tilespmem:s9+$0x4150] =	vst v0  }
0x36: {  	[tilespmem:s9+$0x4160] =	vst v0  }
0x37: {  	[spmem:s20] =	stream.linear.scatter [tilespmem:s3], [sflag:$0x2], $0x4000, $0x38;
	[tilespmem:$0x1C100] =	vst v63  }
0x38: {  	_ =	swait.ge [sflag:s4], $0x4000  }
0x39: {  	[sflag:s4] =	ssyncset.done $0x0  }
0x3a: {  	[sflag:s4] =	ssyncadd.s32 $0xFFFFC000  }
0x3b: {  	[spmem:s31] =	stream.linear.scatter [tilespmem:s3], [sflag:$0x2], $0x4000, $0x38;
	[tilespmem:$0x1C100] =	vst v63  }
0x3c: {  	_ =	swait.ge [sflag:s4], $0x4000  }
0x3d: {  	[sflag:s4] =	ssyncset.done $0x0  }
0x3e: {  	[sflag:s4] =	ssyncadd.s32 $0xFFFFC000  }
0x3f: {  	[spmem:s17] =	stream.linear.scatter [tilespmem:s3], [sflag:$0x2], $0x4000, $0x38;
	[tilespmem:$0x1C100] =	vst v63  }
0x40: {  	_ =	swait.ge [sflag:s4], $0x4000  }
0x41: {  	[sflag:s4] =	ssyncset.done $0x0  }
0x42: {  	[sflag:s4] =	ssyncadd.s32 $0xFFFFC000  }
0x43: {  	[spmem:s0] =	stream.linear.scatter [tilespmem:s3], [sflag:$0x2], $0x4000, $0x38;
	[tilespmem:$0x1C100] =	vst v63  }
0x44: {  	_ =	swait.ge [sflag:s4], $0x4000  }
0x45: {  	[sflag:s4] =	ssyncset.done $0x0  }
0x46: {  	[sflag:s4] =	ssyncadd.s32 $0xFFFFC000  }
0x47: {  	[spmem:s2] =	stream.linear.scatter [tilespmem:s3], [sflag:$0x2], $0x4000, $0x38;
	[tilespmem:$0x1C100] =	vst v63  }
0x48: {  	_ =	swait.ge [sflag:s4], $0x4000  }
0x49: {  	[sflag:s4] =	ssyncset.done $0x0  }
0x4a: {  	[sflag:s4] =	ssyncadd.s32 $0xFFFFC000  }
0x4b: {  	s12 =	sadd.s32 $0x0, s25;
	[bflag:$0x0] =	sbarrier.arrive $0xFFFF  }
0x4c: {  	[tilespmem:s1], [sflag:$0x2] =	stream.linear.gather [hbm4b:s12+s1], $0x80, $0x38;
	[tilespmem:$0x1C100] =	vst v63  }
0x4d: {  	_ =	swait.ge [sflag:s4], $0x80  }
0x4e: {  	[sflag:s4] =	ssyncset.done $0x0  }
0x4f: {  	s13 =	sadd.s32 $0x0, s19;
	[sflag:s4] =	ssyncadd.s32 $0xFFFFFF80  }
0x50: {  	[tilespmem:s5], [sflag:$0x2] =	stream.linear.gather [hbm4b:s13+s1], $0x80, $0x38;
	[tilespmem:$0x1C100] =	vst v63  }
0x51: {  	_ =	swait.ge [sflag:s4], $0x80  }
0x52: {  	[sflag:s4] =	ssyncset.done $0x0  }
0x53: {  	[sflag:s4] =	ssyncadd.s32 $0xFFFFFF80  }
0x54: {  	[tilespmem:s6], [sflag:$0x1] =	stream.indirect.gather [hbm4b:s16+s5], $0x80, s1, s5, $0xb8;
	[tilespmem:$0x1C100] =	vst v63  }
0x55: {  	_ =	swait.ge [sflag:s7], $0x4000  }
0x56: {  	[sflag:s7] =	ssyncset.done $0x0  }
0x57: {  	[sflag:s7] =	ssyncadd.s32 $0xFFFFC000  }
0x58: {  	[spmem:s18] =	stream.indirect.scatter.add.f32 [tilespmem:s6], [sflag:$0x2], $0x80, s5, s5, $0xb8;
	[tilespmem:$0x1C100] =	vst v63  }
0x59: {  	_ =	swait.ge [sflag:s4], $0x4000  }
0x5a: {  	s9 =	simm.s32 $0x10;
	s10 =	simm.s32 $0x20;
	[sflag:s4] =	ssyncset.done $0x0  }
.LBB2_4:
0x5b: {  	s11 =	sadd.s32 s9, s25  }
0x5c: {  	[sflag:s4] =	ssyncadd.s32 $0xFFFFC000;
	s12 =	smov.u32 s10;
	s13 =	sadd.s32 $0x10, s10  }
0x5d: {  	[tilespmem:s1], [sflag:$0x2] =	stream.linear.gather [hbm4b:s11+s1], $0x80, $0x38;
	[tilespmem:$0x1C100] =	vst v63  }
0x5e: {  	p0 =	sne.s32 s10, $0x4E0;
	_ =	swait.ge [sflag:s4], $0x80  }
0x5f: {  	[sflag:s4] =	ssyncset.done $0x0  }
0x60: {  	s10 =	sadd.s32 s9, s19;
	s9 =	smov.u32 s12;
	[sflag:s4] =	ssyncadd.s32 $0xFFFFFF80  }
0x61: {  	[tilespmem:s5], [sflag:$0x2] =	stream.linear.gather [hbm4b:s10+s1], $0x80, $0x38;
	[tilespmem:$0x1C100] =	vst v63  }
0x62: {  	_ =	swait.ge [sflag:s4], $0x80  }
0x63: {  	[sflag:s4] =	ssyncset.done $0x0  }
0x64: {  	[sflag:s4] =	ssyncadd.s32 $0xFFFFFF80  }
0x65: {  	[tilespmem:s6], [sflag:$0x1] =	stream.indirect.gather [hbm4b:s16+s5], $0x80, s1, s5, $0xb8;
	[tilespmem:$0x1C100] =	vst v63  }
0x66: {  	_ =	swait.ge [sflag:s7], $0x4000  }
.Ltmp1:
0x67: {  	[sflag:s7] =	ssyncset.done $0x0;
	(pc) =	sbr.rel @p0 .LBB2_4-.Ltmp1, $4  }
0x68: {  	[sflag:s7] =	ssyncadd.s32 $0xFFFFC000  }
0x69: {  	[spmem:s18] =	stream.indirect.scatter.add.f32 [tilespmem:s6], [sflag:$0x2], $0x80, s5, s5, $0xb8;
	[tilespmem:$0x1C100] =	vst v63  }
0x6a: {  	_ =	swait.ge [sflag:s4], $0x4000  }
0x6b: {  	s10 =	smov.u32 s13;
	[sflag:s4] =	ssyncset.done $0x0  }
0x6c: {  	s10 =	sadd.s32 s9, s25;
	[sflag:s4] =	ssyncadd.s32 $0xFFFFC000  }
0x6d: {  	[tilespmem:s1], [sflag:$0x2] =	stream.linear.gather [hbm4b:s10+s1], $0x80, $0x38;
	[tilespmem:$0x1C100] =	vst v63  }
0x6e: {  	_ =	swait.ge [sflag:s4], $0x80  }
0x6f: {  	[sflag:s4] =	ssyncset.done $0x0  }
0x70: {  	s11 =	sadd.s32 s9, s19;
	[sflag:s4] =	ssyncadd.s32 $0xFFFFFF80  }
0x71: {  	[tilespmem:s5], [sflag:$0x2] =	stream.linear.gather [hbm4b:s11+s1], $0x80, $0x38;
	[tilespmem:$0x1C100] =	vst v63  }
0x72: {  	_ =	swait.ge [sflag:s4], $0x80  }
0x73: {  	[sflag:s4] =	ssyncset.done $0x0  }
0x74: {  	[sflag:s4] =	ssyncadd.s32 $0xFFFFFF80  }
0x75: {  	[tilespmem:s6], [sflag:$0x1] =	stream.indirect.gather [hbm4b:s16+s5], $0x80, s1, s5, $0xb8;
	[tilespmem:$0x1C100] =	vst v63  }
0x76: {  	_ =	swait.ge [sflag:s7], $0x4000  }
0x77: {  	[sflag:s7] =	ssyncset.done $0x0  }
0x78: {  	[sflag:s7] =	ssyncadd.s32 $0xFFFFC000  }
0x79: {  	[spmem:s18] =	stream.indirect.scatter.add.f32 [tilespmem:s6], [sflag:$0x2], $0x80, s5, s5, $0xb8;
	[tilespmem:$0x1C100] =	vst v63  }
0x7a: {  	_ =	swait.ge [sflag:s4], $0x4000  }
0x7b: {  	[sflag:s4] =	ssyncset.done $0x0  }
0x7c: {  	s12 =	stileid.u32;
	[sflag:s4] =	ssyncadd.s32 $0xFFFFC000  }
0x7d: {  	s9 =	sshll.u32 s12, $0x6;
	[bflag:$0x0] =	sbarrier.arrive $0xFFFF  }
0x7e: {  	s13 =	sshrl.u32 s20, $0x3;
	s9 =	sor.u32 $0x1C02, s9;
	s11 =	rddreg [dreg:$0x5]  }
0x7f: {  	[hbm:s11], [sflag:s9] =	dma.local [spmem:s13], $0x800  }
0x80: {  	_ =	swait.ge [sflag:s4], $0x800  }
0x81: {  	[sflag:s4] =	ssyncset.done $0x0  }
0x82: {  	s11 =	rddreg [dreg:$0x6];
	[sflag:s4] =	ssyncadd.s32 $0xFFFFF800  }
0x83: {  	[hbm:s11], [sflag:s9] =	dma.local [spmem:s26], $0x800  }
0x84: {  	_ =	swait.ge [sflag:s4], $0x800  }
0x85: {  	[sflag:s4] =	ssyncset.done $0x0  }
0x86: {  	s12 =	rddreg [dreg:$0x7];
	[sflag:s4] =	ssyncadd.s32 $0xFFFFF800  }
0x87: {  	[hbm:s12], [sflag:s9] =	dma.local [spmem:s28], $0x800  }
0x88: {  	_ =	swait.ge [sflag:s4], $0x800  }
0x89: {  	[sflag:s4] =	ssyncset.done $0x0  }
0x8a: {  	s13 =	rddreg [dreg:$0x8];
	[sflag:s4] =	ssyncadd.s32 $0xFFFFF800  }
0x8b: {  	[hbm:s13], [sflag:s9] =	dma.local [spmem:s29], $0x800  }
0x8c: {  	_ =	swait.ge [sflag:s4], $0x800  }
0x8d: {  	[sflag:s4] =	ssyncset.done $0x0  }
0x8e: {  	s11 =	rddreg [dreg:$0x9];
	[sflag:s4] =	ssyncadd.s32 $0xFFFFF800  }
0x8f: {  	[hbm:s11], [sflag:s9] =	dma.local [spmem:s30], $0x800  }
0x90: {  	_ =	swait.ge [sflag:s4], $0x800  }
0x91: {  	[sflag:s4] =	ssyncset.done $0x0  }
0x92: {  	[sflag:s4] =	ssyncadd.s32 $0xFFFFF800  }
0x93: {  	[bflag:$0x0] =	sbarrier.arrive $0xFFFF  }
0x94: {  	[spmem:s22] =	stream.linear.scatter [tilespmem:s3], [sflag:$0x2], $0x1C00, $0x38;
	[tilespmem:$0x1C100] =	vst v63  }
0x95: {  	_ =	swait.ge [sflag:s4], $0x1C00  }
0x96: {  	[sflag:s4] =	ssyncset.done $0x0  }
0x97: {  	[sflag:s4] =	ssyncadd.s32 $0xFFFFE400  }
0x98: {  	[spmem:s23] =	stream.linear.scatter [tilespmem:s3], [sflag:$0x2], $0x1C00, $0x38;
	[tilespmem:$0x1C100] =	vst v63  }
0x99: {  	_ =	swait.ge [sflag:s4], $0x1C00  }
0x9a: {  	[sflag:s4] =	ssyncset.done $0x0  }
0x9b: {  	[sflag:s4] =	ssyncadd.s32 $0xFFFFE400  }
0x9c: {  	[spmem:s24] =	stream.linear.scatter [tilespmem:s3], [sflag:$0x2], $0x1C00, $0x38;
	[tilespmem:$0x1C100] =	vst v63  }
0x9d: {  	_ =	swait.ge [sflag:s4], $0x1C00  }
0x9e: {  	[sflag:s4] =	ssyncset.done $0x0  }
0x9f: {  	[sflag:s4] =	ssyncadd.s32 $0xFFFFE400  }
0xa0: {  	[bflag:$0x0] =	sbarrier.arrive $0xFFFF  }
0xa1: {  	s12 =	rddreg [dreg:$0xa]  }
0xa2: {  	[tilespmem:s1], [sflag:$0x2] =	stream.linear.gather [hbm4b:s12+s1], $0x80, $0x38;
	[tilespmem:$0x1C100] =	vst v63  }
0xa3: {  	_ =	swait.ge [sflag:s4], $0x80  }
0xa4: {  	[sflag:s4] =	ssyncset.done $0x0  }
0xa5: {  	s13 =	rddreg [dreg:$0xb];
	[sflag:s4] =	ssyncadd.s32 $0xFFFFFF80  }
0xa6: {  	[tilespmem:s5], [sflag:$0x2] =	stream.linear.gather [hbm4b:s13+s1], $0x80, $0x38;
	[tilespmem:$0x1C100] =	vst v63  }
0xa7: {  	_ =	swait.ge [sflag:s4], $0x80  }
0xa8: {  	[sflag:s4] =	ssyncset.done $0x0  }
0xa9: {  	[sflag:s4] =	ssyncadd.s32 $0xFFFFFF80  }
0xaa: {  	[tilespmem:s6], [sflag:$0x1] =	stream.indirect.gather [hbm4b:s16+s5], $0x80, s1, s5, $0xb8;
	[tilespmem:$0x1C100] =	vst v63  }
0xab: {  	_ =	swait.ge [sflag:s7], $0x4000  }
0xac: {  	[sflag:s7] =	ssyncset.done $0x0  }
0xad: {  	[sflag:s7] =	ssyncadd.s32 $0xFFFFC000  }
0xae: {  	[spmem:s18] =	stream.indirect.scatter.add.f32 [tilespmem:s6], [sflag:$0x2], $0x80, s5, s5, $0xb8;
	[tilespmem:$0x1C100] =	vst v63  }
0xaf: {  	_ =	swait.ge [sflag:s4], $0x4000  }
0xb0: {  	[sflag:s4] =	ssyncset.done $0x0  }
0xb1: {  	s11 =	rddreg [dreg:$0xc];
	[sflag:s4] =	ssyncadd.s32 $0xFFFFC000  }
0xb2: {  	[tilespmem:s1], [sflag:$0x2] =	stream.linear.gather [hbm4b:s11+s1], $0x80, $0x38;
	[tilespmem:$0x1C100] =	vst v63  }
0xb3: {  	_ =	swait.ge [sflag:s4], $0x80  }
0xb4: {  	[sflag:s4] =	ssyncset.done $0x0  }
0xb5: {  	s12 =	rddreg [dreg:$0xd];
	[sflag:s4] =	ssyncadd.s32 $0xFFFFFF80  }
0xb6: {  	[tilespmem:s5], [sflag:$0x2] =	stream.linear.gather [hbm4b:s12+s1], $0x80, $0x38;
	[tilespmem:$0x1C100] =	vst v63  }
0xb7: {  	_ =	swait.ge [sflag:s4], $0x80  }
0xb8: {  	[sflag:s4] =	ssyncset.done $0x0  }
0xb9: {  	[sflag:s4] =	ssyncadd.s32 $0xFFFFFF80  }
0xba: {  	[tilespmem:s6], [sflag:$0x1] =	stream.indirect.gather [hbm4b:s16+s5], $0x80, s1, s5, $0xb8;
	[tilespmem:$0x1C100] =	vst v63  }
0xbb: {  	_ =	swait.ge [sflag:s7], $0x4000  }
0xbc: {  	[sflag:s7] =	ssyncset.done $0x0  }
0xbd: {  	[sflag:s7] =	ssyncadd.s32 $0xFFFFC000  }
0xbe: {  	[spmem:s18] =	stream.indirect.scatter.add.f32 [tilespmem:s6], [sflag:$0x2], $0x80, s5, s5, $0xb8;
	[tilespmem:$0x1C100] =	vst v63  }
0xbf: {  	_ =	swait.ge [sflag:s4], $0x4000  }
0xc0: {  	[sflag:s4] =	ssyncset.done $0x0  }
0xc1: {  	s13 =	rddreg [dreg:$0xe];
	[sflag:s4] =	ssyncadd.s32 $0xFFFFC000  }
0xc2: {  	[tilespmem:s1], [sflag:$0x2] =	stream.linear.gather [hbm4b:s13+s1], $0x80, $0x38;
	[tilespmem:$0x1C100] =	vst v63  }
0xc3: {  	_ =	swait.ge [sflag:s4], $0x80  }
0xc4: {  	[sflag:s4] =	ssyncset.done $0x0  }
0xc5: {  	s11 =	rddreg [dreg:$0xf];
	[sflag:s4] =	ssyncadd.s32 $0xFFFFFF80  }
0xc6: {  	[tilespmem:s5], [sflag:$0x2] =	stream.linear.gather [hbm4b:s11+s1], $0x80, $0x38;
	[tilespmem:$0x1C100] =	vst v63  }
0xc7: {  	_ =	swait.ge [sflag:s4], $0x80  }
0xc8: {  	[sflag:s4] =	ssyncset.done $0x0  }
0xc9: {  	[sflag:s4] =	ssyncadd.s32 $0xFFFFFF80  }
0xca: {  	[tilespmem:s6], [sflag:$0x1] =	stream.indirect.gather [hbm4b:s16+s5], $0x80, s1, s5, $0xb8;
	[tilespmem:$0x1C100] =	vst v63  }
0xcb: {  	_ =	swait.ge [sflag:s7], $0x4000  }
0xcc: {  	[sflag:s7] =	ssyncset.done $0x0  }
0xcd: {  	[sflag:s7] =	ssyncadd.s32 $0xFFFFC000  }
0xce: {  	[spmem:s18] =	stream.indirect.scatter.add.f32 [tilespmem:s6], [sflag:$0x2], $0x80, s5, s5, $0xb8;
	[tilespmem:$0x1C100] =	vst v63  }
0xcf: {  	_ =	swait.ge [sflag:s4], $0x4000  }
0xd0: {  	[sflag:s4] =	ssyncset.done $0x0  }
0xd1: {  	[sflag:s4] =	ssyncadd.s32 $0xFFFFC000  }
0xd2: {  	[bflag:$0x0] =	sbarrier.arrive $0xFFFF  }
0xd3: {  	s12 =	sshrl.u32 s22, $0x3;
	s13 =	rddreg [dreg:$0x10]  }
0xd4: {  	[hbm:s13], [sflag:s9] =	dma.local [spmem:s12], $0x380  }
0xd5: {  	_ =	swait.ge [sflag:s4], $0x380  }
0xd6: {  	[sflag:s4] =	ssyncset.done $0x0  }
0xd7: {  	s12 =	sshrl.u32 s23, $0x3;
	[sflag:s4] =	ssyncadd.s32 $0xFFFFFC80  }
0xd8: {  	[hbm:s14], [sflag:s9] =	dma.local [spmem:s12], $0x380  }
0xd9: {  	s8 =	sadd.s32 $0x1, s8;
	_ =	swait.ge [sflag:s4], $0x380  }
0xda: {  	p0 =	sne.s32 s8, s21;
	[sflag:s4] =	ssyncset.done $0x0  }
.Ltmp2:
0xdb: {  	s13 =	sshrl.u32 s24, $0x3;
	[sflag:s4] =	ssyncadd.s32 $0xFFFFFC80;
	(pc) =	sbr.rel @p0 .LBB2_1-.Ltmp2, $4  }
0xdc: {  	[hbm:s15], [sflag:s9] =	dma.local [spmem:s13], $0x380  }
0xdd: {  	_ =	swait.ge [sflag:s4], $0x380  }
0xde: {  	[sflag:s4] =	ssyncset.done $0x0  }
0xdf: {  	[sflag:s4] =	ssyncadd.s32 $0xFFFFFC80  }
0xe0: {  	_ =	sfence.sel $0x180000  }
0xe1: {  	[bflag:$0x0] =	sbarrier.arrive $0xFFFF  }
0xe2: {  	_ =	strace $0x90000050  }
0xe3: {  	s0 =	stileid.u32;
	[bflag:$0x2] =	sbarrier.arrive $0xFFFF  }
0xe4: {  	p0 =	sne.s32 s0, $0x0;
	s0 =	rddreg [dreg:$0x4]  }
0xe5: {  	s0 =	sadd.s32 @!p0 $0x100000, s0  }
0xe6: {  	[sflag:s0] =	ssyncadd.tile.s32 @!p0 $0x1;
	_ =	shalt  }
.Lfunc_end2:
_tile_overlayer_lowered:
.L_overlay_start_2:
0xe7: {  	(tag) =	ssettag $0x2  }
0xe8: {  	s0 =	rddreg [dreg:$0x0];
	s2 =	stileid.u32  }
0xe9: {  	s1 =	rddreg [dreg:$0x1];
	p0 =	sne.s32 s2, $0x0  }
0xea: {  	s3 =	rddreg [dreg:$0x2];
	[bflag:$0x3] =	sbarrier.arrive $0xFFFF;
	s2 =	simm.s32 @!p0 $0x1C02  }
0xeb: {  	[timem:s3], [sflag:s2] =	dma.local @!p0 [hbm:s0], s1  }
0xec: {  	s0 =	simm.s32 @!p0 $0x2  }
0xed: {  	_ =	swait.ge @!p0 [sflag:s0], s1  }
0xee: {  	s1 =	ssub.s32 @!p0 $0x0, s1;
	[sflag:s0] =	ssyncset.done @!p0 $0x0  }
0xef: {  	[sflag:s0] =	ssyncadd.s32 @!p0 s1  }
0xf0: {  	[bflag:$0x3] =	sbarrier.arrive $0xFFFF  }
0xf1: {  	_ =	shalt  }

</sc_bundles>
